<compile_context>
chip_gen: v7x
topology: tpu7x:2x2x1
jax: 0.10.2.dev20260603
libtpu: 0.0.44.dev20260713+nightly
codegen_flags: <defaults>
</compile_context>

<pallas_src>
import functools

import jax
import jax.numpy as jnp
from jax import lax
from jax.experimental import pallas as pl
from jax.experimental.pallas import tpu as pltpu
from jax.experimental.pallas import tpu_sc as plsc

B = 256
T = 4096
W = 1024
L = 16
NW = 32
ROWS_PER_W = B // NW
CHUNKS = T // L

LAMBDA_PDUR = 0.6
LAMBDA_WDUR = 0.3
LAMBDA_SDUR = 0.1


def _make_sc_scatter():
    mesh = plsc.VectorSubcoreMesh(core_axis_name="c", subcore_axis_name="s")

    @functools.partial(
        pl.kernel,
        mesh=mesh,
        compiler_params=pltpu.CompilerParams(needs_layout_passes=False),
        out_type=(
            jax.ShapeDtypeStruct((B * W,), jnp.float32),
            jax.ShapeDtypeStruct((B * W,), jnp.float32),
        ),
        scratch_types=[
            pltpu.VMEM((ROWS_PER_W, T), jnp.int32),
            pltpu.VMEM((ROWS_PER_W, T), jnp.float32),
            pltpu.VMEM((ROWS_PER_W, T), jnp.float32),
            pltpu.VMEM((ROWS_PER_W * W,), jnp.float32),
            pltpu.VMEM((ROWS_PER_W * W,), jnp.float32),
            pltpu.SemaphoreType.DMA,
        ],
    )
    def sc_scatter(idx_hbm, p_hbm, g_hbm, wp_hbm, wg_hbm,
                   idx_v, p_v, g_v, wp_v, wg_v, sem):
        wid = lax.axis_index("s") * 2 + lax.axis_index("c")
        base_row = wid * ROWS_PER_W

        row_copies = []
        for r in range(ROWS_PER_W):
            row_copies.append((
                pltpu.async_copy(idx_hbm.at[base_row + r], idx_v.at[r], sem),
                pltpu.async_copy(p_hbm.at[base_row + r], p_v.at[r], sem),
                pltpu.async_copy(g_hbm.at[base_row + r], g_v.at[r], sem),
            ))

        zeros = jnp.zeros((L,), jnp.float32)

        @plsc.parallel_loop(0, ROWS_PER_W * W // L, unroll=8)
        def _zero(i):
            base = pl.multiple_of(i * L, L)
            wp_v[pl.ds(base, L)] = zeros
            wg_v[pl.ds(base, L)] = zeros

        lanes = lax.iota(jnp.int32, L)
        shift = jnp.minimum(lanes + 1, L - 1)
        lastm = lanes == L - 1

        for r in range(ROWS_PER_W):
            rbase = jnp.int32(r * W)
            for cp in row_copies[r]:
                cp.wait()

            @plsc.parallel_loop(0, CHUNKS, unroll=8)
            def _scatter(t, r=r, rbase=rbase):
                base = pl.multiple_of(t * L, L)
                ii = idx_v[r, pl.ds(base, L)]
                pv = p_v[r, pl.ds(base, L)]
                gv = g_v[r, pl.ds(base, L)]
                nxt = jnp.take_along_axis(ii, shift, axis=0,
                                          mode="promise_in_bounds")
                neq = ii != nxt
                endm = neq | lastm
                csp = plsc.cumsum(pv)
                csg = plsc.cumsum(gv)
                iabs = ii + rbase
                nabs = nxt + rbase
                plsc.addupdate_scatter(wp_v, [iabs], csp, mask=endm)
                plsc.addupdate_scatter(wp_v, [nabs], -csp, mask=neq)
                plsc.addupdate_scatter(wg_v, [iabs], csg, mask=endm)
                plsc.addupdate_scatter(wg_v, [nabs], -csg, mask=neq)

        cp_owp = pltpu.async_copy(
            wp_v, wp_hbm.at[pl.ds(base_row * W, ROWS_PER_W * W)], sem)
        cp_owg = pltpu.async_copy(
            wg_v, wg_hbm.at[pl.ds(base_row * W, ROWS_PER_W * W)], sem)
        cp_owp.wait()
        cp_owg.wait()

    return sc_scatter


_sc_scatter = _make_sc_scatter()


def _tc_dense_body(p_ref, g_ref, out_ref):
    p = p_ref[...]
    g = g_ref[...]
    d = jnp.log(p + 1.0) - jnp.log(g + 1.0)
    s1 = jnp.sum(d * d)

    sp = jnp.sum(p, axis=1, keepdims=True)
    sg = jnp.sum(g, axis=1, keepdims=True)
    d3 = jnp.log(sp + 1.0) - jnp.log(sg + 1.0)
    s3 = jnp.sum(d3 * d3)

    out_ref[...] = jnp.concatenate(
        [jnp.reshape(s1, (1, 1)), jnp.reshape(s3, (1, 1))], axis=1)


def _tc_combine_body(wp_ref, wg_ref, last_ref, s13_ref, out_ref):
    wp = wp_ref[...]
    wg = wg_ref[...]
    col = lax.broadcasted_iota(jnp.int32, (B, W), 1)
    dw = jnp.log(wp + 1.0) - jnp.log(wg + 1.0)
    dw = jnp.where(col == 0, 0.0, dw)
    s2 = jnp.sum(dw * dw)

    w_minus_1 = jnp.max(last_ref[...]).astype(jnp.float32)
    s1 = s13_ref[0, 0]
    s3 = s13_ref[0, 1]

    loss = (LAMBDA_PDUR * s1 / (B * T)
            + LAMBDA_WDUR * s2 / (B * w_minus_1)
            + LAMBDA_SDUR * s3 / B)
    out_ref[...] = jnp.reshape(loss, (1, 1))


def kernel(dur_pred, dur_gt, ph2word):
    s13 = pl.pallas_call(
        _tc_dense_body,
        out_shape=jax.ShapeDtypeStruct((1, 2), jnp.float32),
    )(dur_pred, dur_gt)

    wp, wg = _sc_scatter(ph2word, dur_pred, dur_gt)
    wp = jnp.reshape(wp, (B, W))
    wg = jnp.reshape(wg, (B, W))
    last_col = ph2word[:, T - 1:]

    out = pl.pallas_call(
        _tc_combine_body,
        out_shape=jax.ShapeDtypeStruct((1, 1), jnp.float32),
    )(wp, wg, last_col, s13)
    return out[0, 0]

# --- scband reference (transcript-rebuilt; emitter-appended) ---
"""Pipeline reference for scband-duration-loss-62569083568732 (READ-ONLY COPY).

The authoritative reference and input builder live on the scoring server;
editing this copy changes nothing except your own understanding.
"""

import jax, jax.numpy as jnp
import numpy as np

OFFSET = 1.0
LAMBDA_PDUR = 0.6
LAMBDA_WDUR = 0.3
LAMBDA_SDUR = 0.1


def setup_inputs(seed: int = 0) -> dict:
    key = jax.random.key(seed)
    k1, k2, k3 = jax.random.split(key, 3)
    B, T = 256, 4096
    dur_pred = jax.random.uniform(k1, (B, T), dtype=jnp.float32)
    dur_gt = jax.random.uniform(k2, (B, T), dtype=jnp.float32)
    ph2word = jnp.sort(jax.random.randint(k3, (B, T), 0, 1024, dtype=jnp.int32), axis=1)
    return {"dur_pred": dur_pred, "dur_gt": dur_gt, "ph2word": ph2word}


def _linear2log(x):
    return jnp.log(x + OFFSET)


def _mse(a, b):
    return jnp.mean((a - b) ** 2)


def reference(dur_pred, dur_gt, ph2word):
    W_MAX = 1024
    W = ph2word.max() + 1
    B = dur_pred.shape[0]
    rows = jnp.arange(B)[:, None]

    def pdur2wdur(d):
        # torch: zeros(B, max+1).scatter_add(1, ph2word, d)[:, 1:]
        wd = jnp.zeros((B, W_MAX), dtype=d.dtype).at[rows, ph2word].add(d)
        return wd[:, 1:]

    pdur_loss = LAMBDA_PDUR * _mse(_linear2log(dur_pred), _linear2log(dur_gt))
    wdur_pred = pdur2wdur(dur_pred)
    wdur_gt = pdur2wdur(dur_gt)
    wdur_diff = _linear2log(wdur_pred) - _linear2log(wdur_gt)
    wdur_count = B * (W - 1)
    wdur_loss = LAMBDA_WDUR * (jnp.sum(wdur_diff ** 2) / wdur_count)
    sdur_pred = jnp.sum(dur_pred, axis=1)
    sdur_gt = jnp.sum(dur_gt, axis=1)
    sdur_loss = LAMBDA_SDUR * _mse(_linear2log(sdur_pred), _linear2log(sdur_gt))
    return pdur_loss + wdur_loss + sdur_loss

if __name__ == "__main__":
    import jax
    _d = setup_inputs()
    print(jax.jit(kernel)(*tuple(_d.values())))

</pallas_src>

<mosaic_0001>
#map = affine_map<(d0, d1) -> (0, 0)>
#map1 = affine_map<(d0, d1) -> (0)>
module attributes {stable_mosaic.version = 14 : i64} {
  func.func @sc_scatter(%arg0: i32, %arg1: i32, %arg2: memref<256x4096xi32, #tpu.memory_space<hbm>>, %arg3: memref<256x4096xf32, #tpu.memory_space<hbm>>, %arg4: memref<256x4096xf32, #tpu.memory_space<hbm>>, %arg5: memref<262144xf32, #tpu.memory_space<hbm>>, %arg6: memref<262144xf32, #tpu.memory_space<hbm>>, %arg7: memref<8x4096xi32, #tpu.memory_space<vmem>>, %arg8: memref<8x4096xf32, #tpu.memory_space<vmem>>, %arg9: memref<8x4096xf32, #tpu.memory_space<vmem>>, %arg10: memref<8192xf32, #tpu.memory_space<vmem>>, %arg11: memref<8192xf32, #tpu.memory_space<vmem>>, %arg12: memref<!tpu.dma_semaphore, #tpu.memory_space<semaphore_mem>>) attributes {dimension_semantics = [#tpu.dimension_semantics<core_parallel>, #tpu.dimension_semantics<subcore_parallel>], iteration_bounds = array<i64: 2, 16>, scalar_prefetch = 0 : i64, scratch_operands = 6 : i64, tpu.core_type = #tpu.core_type<sc_vector_subcore>, window_params = [{transform_indices = #map}, {transform_indices = #map}, {transform_indices = #map}, {transform_indices = #map1}, {transform_indices = #map1}]} {
    %mul3A = arith.constant 2 : i32
    %mul3A_0 = arith.muli %arg1, %mul3A : i32
    %add3A = arith.addi %mul3A_0, %arg0 : i32
    %mul3A_1 = arith.constant 8 : i32
    %mul3A_2 = arith.muli %add3A, %mul3A_1 : i32
    %add3A_3 = arith.constant 0 : i32
    %add3A_4 = arith.addi %mul3A_2, %add3A_3 : i32
    %dma_start3A = arith.constant 0 : i32
    %dma_start3A_5 = arith.constant 0 : i32
    %dma_start3A_6 = tpu.memref_slice %arg7[%dma_start3A, %dma_start3A_5] : memref<8x4096xi32, #tpu.memory_space<vmem>> -> memref<1x4096xi32, #tpu.memory_space<vmem>>
    %dma_start3A_7 = tpu.memref_squeeze %dma_start3A_6 : memref<1x4096xi32, #tpu.memory_space<vmem>> -> memref<4096xi32, #tpu.memory_space<vmem>>
    %dma_start3A_8 = arith.constant 0 : i32
    %dma_start3A_9 = tpu.memref_slice %arg2[%add3A_4, %dma_start3A_8] : memref<256x4096xi32, #tpu.memory_space<hbm>> -> memref<1x4096xi32, #tpu.memory_space<hbm>>
    %dma_start3A_10 = tpu.memref_squeeze %dma_start3A_9 : memref<1x4096xi32, #tpu.memory_space<hbm>> -> memref<4096xi32, #tpu.memory_space<hbm>>
    %dma_start3A_11 = arith.constant 0 : i32
    %dma_start3A_12 = tpu.memref_slice %arg7[%dma_start3A, %dma_start3A_11] : memref<8x4096xi32, #tpu.memory_space<vmem>> -> memref<1x4096xi32, #tpu.memory_space<vmem>>
    %dma_start3A_13 = tpu.memref_squeeze %dma_start3A_12 : memref<1x4096xi32, #tpu.memory_space<vmem>> -> memref<4096xi32, #tpu.memory_space<vmem>>
    %dma_start3A_14 = arith.constant 0 : i32
    %dma_start3A_15 = tpu.memref_slice %arg2[%add3A_4, %dma_start3A_14] : memref<256x4096xi32, #tpu.memory_space<hbm>> -> memref<1x4096xi32, #tpu.memory_space<hbm>>
    %dma_start3A_16 = tpu.memref_squeeze %dma_start3A_15 : memref<1x4096xi32, #tpu.memory_space<hbm>> -> memref<4096xi32, #tpu.memory_space<hbm>>
    tpu.enqueue_dma source(%dma_start3A_16 : memref<4096xi32, #tpu.memory_space<hbm>>) target(%dma_start3A_13 : memref<4096xi32, #tpu.memory_space<vmem>>) target_semaphore(%arg12 : memref<!tpu.dma_semaphore, #tpu.memory_space<semaphore_mem>>)
    %add3A_17 = arith.constant 0 : i32
    %add3A_18 = arith.addi %mul3A_2, %add3A_17 : i32
    %dma_start3A_19 = arith.constant 0 : i32
    %dma_start3A_20 = arith.constant 0 : i32
    %dma_start3A_21 = tpu.memref_slice %arg8[%dma_start3A_19, %dma_start3A_20] : memref<8x4096xf32, #tpu.memory_space<vmem>> -> memref<1x4096xf32, #tpu.memory_space<vmem>>
    %dma_start3A_22 = tpu.memref_squeeze %dma_start3A_21 : memref<1x4096xf32, #tpu.memory_space<vmem>> -> memref<4096xf32, #tpu.memory_space<vmem>>
    %dma_start3A_23 = arith.constant 0 : i32
    %dma_start3A_24 = tpu.memref_slice %arg3[%add3A_18, %dma_start3A_23] : memref<256x4096xf32, #tpu.memory_space<hbm>> -> memref<1x4096xf32, #tpu.memory_space<hbm>>
    %dma_start3A_25 = tpu.memref_squeeze %dma_start3A_24 : memref<1x4096xf32, #tpu.memory_space<hbm>> -> memref<4096xf32, #tpu.memory_space<hbm>>
    %dma_start3A_26 = arith.constant 0 : i32
    %dma_start3A_27 = tpu.memref_slice %arg8[%dma_start3A_19, %dma_start3A_26] : memref<8x4096xf32, #tpu.memory_space<vmem>> -> memref<1x4096xf32, #tpu.memory_space<vmem>>
    %dma_start3A_28 = tpu.memref_squeeze %dma_start3A_27 : memref<1x4096xf32, #tpu.memory_space<vmem>> -> memref<4096xf32, #tpu.memory_space<vmem>>
    %dma_start3A_29 = arith.constant 0 : i32
    %dma_start3A_30 = tpu.memref_slice %arg3[%add3A_18, %dma_start3A_29] : memref<256x4096xf32, #tpu.memory_space<hbm>> -> memref<1x4096xf32, #tpu.memory_space<hbm>>
    %dma_start3A_31 = tpu.memref_squeeze %dma_start3A_30 : memref<1x4096xf32, #tpu.memory_space<hbm>> -> memref<4096xf32, #tpu.memory_space<hbm>>
    tpu.enqueue_dma source(%dma_start3A_31 : memref<4096xf32, #tpu.memory_space<hbm>>) target(%dma_start3A_28 : memref<4096xf32, #tpu.memory_space<vmem>>) target_semaphore(%arg12 : memref<!tpu.dma_semaphore, #tpu.memory_space<semaphore_mem>>)
    %add3A_32 = arith.constant 0 : i32
    %add3A_33 = arith.addi %mul3A_2, %add3A_32 : i32
    %dma_start3A_34 = arith.constant 0 : i32
    %dma_start3A_35 = arith.constant 0 : i32
    %dma_start3A_36 = tpu.memref_slice %arg9[%dma_start3A_34, %dma_start3A_35] : memref<8x4096xf32, #tpu.memory_space<vmem>> -> memref<1x4096xf32, #tpu.memory_space<vmem>>
    %dma_start3A_37 = tpu.memref_squeeze %dma_start3A_36 : memref<1x4096xf32, #tpu.memory_space<vmem>> -> memref<4096xf32, #tpu.memory_space<vmem>>
    %dma_start3A_38 = arith.constant 0 : i32
    %dma_start3A_39 = tpu.memref_slice %arg4[%add3A_33, %dma_start3A_38] : memref<256x4096xf32, #tpu.memory_space<hbm>> -> memref<1x4096xf32, #tpu.memory_space<hbm>>
    %dma_start3A_40 = tpu.memref_squeeze %dma_start3A_39 : memref<1x4096xf32, #tpu.memory_space<hbm>> -> memref<4096xf32, #tpu.memory_space<hbm>>
    %dma_start3A_41 = arith.constant 0 : i32
    %dma_start3A_42 = tpu.memref_slice %arg9[%dma_start3A_34, %dma_start3A_41] : memref<8x4096xf32, #tpu.memory_space<vmem>> -> memref<1x4096xf32, #tpu.memory_space<vmem>>
    %dma_start3A_43 = tpu.memref_squeeze %dma_start3A_42 : memref<1x4096xf32, #tpu.memory_space<vmem>> -> memref<4096xf32, #tpu.memory_space<vmem>>
    %dma_start3A_44 = arith.constant 0 : i32
    %dma_start3A_45 = tpu.memref_slice %arg4[%add3A_33, %dma_start3A_44] : memref<256x4096xf32, #tpu.memory_space<hbm>> -> memref<1x4096xf32, #tpu.memory_space<hbm>>
    %dma_start3A_46 = tpu.memref_squeeze %dma_start3A_45 : memref<1x4096xf32, #tpu.memory_space<hbm>> -> memref<4096xf32, #tpu.memory_space<hbm>>
    tpu.enqueue_dma source(%dma_start3A_46 : memref<4096xf32, #tpu.memory_space<hbm>>) target(%dma_start3A_43 : memref<4096xf32, #tpu.memory_space<vmem>>) target_semaphore(%arg12 : memref<!tpu.dma_semaphore, #tpu.memory_space<semaphore_mem>>)
    %add3A_47 = arith.constant 1 : i32
    %add3A_48 = arith.addi %mul3A_2, %add3A_47 : i32
    %dma_start3A_49 = arith.constant 1 : i32
    %dma_start3A_50 = arith.constant 0 : i32
    %dma_start3A_51 = tpu.memref_slice %arg7[%dma_start3A_49, %dma_start3A_50] : memref<8x4096xi32, #tpu.memory_space<vmem>> -> memref<1x4096xi32, #tpu.memory_space<vmem>>
    %dma_start3A_52 = tpu.memref_squeeze %dma_start3A_51 : memref<1x4096xi32, #tpu.memory_space<vmem>> -> memref<4096xi32, #tpu.memory_space<vmem>>
    %dma_start3A_53 = arith.constant 0 : i32
    %dma_start3A_54 = tpu.memref_slice %arg2[%add3A_48, %dma_start3A_53] : memref<256x4096xi32, #tpu.memory_space<hbm>> -> memref<1x4096xi32, #tpu.memory_space<hbm>>
    %dma_start3A_55 = tpu.memref_squeeze %dma_start3A_54 : memref<1x4096xi32, #tpu.memory_space<hbm>> -> memref<4096xi32, #tpu.memory_space<hbm>>
    %dma_start3A_56 = arith.constant 0 : i32
    %dma_start3A_57 = tpu.memref_slice %arg7[%dma_start3A_49, %dma_start3A_56] : memref<8x4096xi32, #tpu.memory_space<vmem>> -> memref<1x4096xi32, #tpu.memory_space<vmem>>
    %dma_start3A_58 = tpu.memref_squeeze %dma_start3A_57 : memref<1x4096xi32, #tpu.memory_space<vmem>> -> memref<4096xi32, #tpu.memory_space<vmem>>
    %dma_start3A_59 = arith.constant 0 : i32
    %dma_start3A_60 = tpu.memref_slice %arg2[%add3A_48, %dma_start3A_59] : memref<256x4096xi32, #tpu.memory_space<hbm>> -> memref<1x4096xi32, #tpu.memory_space<hbm>>
    %dma_start3A_61 = tpu.memref_squeeze %dma_start3A_60 : memref<1x4096xi32, #tpu.memory_space<hbm>> -> memref<4096xi32, #tpu.memory_space<hbm>>
    tpu.enqueue_dma source(%dma_start3A_61 : memref<4096xi32, #tpu.memory_space<hbm>>) target(%dma_start3A_58 : memref<4096xi32, #tpu.memory_space<vmem>>) target_semaphore(%arg12 : memref<!tpu.dma_semaphore, #tpu.memory_space<semaphore_mem>>)
    %add3A_62 = arith.constant 1 : i32
    %add3A_63 = arith.addi %mul3A_2, %add3A_62 : i32
    %dma_start3A_64 = arith.constant 1 : i32
    %dma_start3A_65 = arith.constant 0 : i32
    %dma_start3A_66 = tpu.memref_slice %arg8[%dma_start3A_64, %dma_start3A_65] : memref<8x4096xf32, #tpu.memory_space<vmem>> -> memref<1x4096xf32, #tpu.memory_space<vmem>>
    %dma_start3A_67 = tpu.memref_squeeze %dma_start3A_66 : memref<1x4096xf32, #tpu.memory_space<vmem>> -> memref<4096xf32, #tpu.memory_space<vmem>>
    %dma_start3A_68 = arith.constant 0 : i32
    %dma_start3A_69 = tpu.memref_slice %arg3[%add3A_63, %dma_start3A_68] : memref<256x4096xf32, #tpu.memory_space<hbm>> -> memref<1x4096xf32, #tpu.memory_space<hbm>>
    %dma_start3A_70 = tpu.memref_squeeze %dma_start3A_69 : memref<1x4096xf32, #tpu.memory_space<hbm>> -> memref<4096xf32, #tpu.memory_space<hbm>>
    %dma_start3A_71 = arith.constant 0 : i32
    %dma_start3A_72 = tpu.memref_slice %arg8[%dma_start3A_64, %dma_start3A_71] : memref<8x4096xf32, #tpu.memory_space<vmem>> -> memref<1x4096xf32, #tpu.memory_space<vmem>>
    %dma_start3A_73 = tpu.memref_squeeze %dma_start3A_72 : memref<1x4096xf32, #tpu.memory_space<vmem>> -> memref<4096xf32, #tpu.memory_space<vmem>>
    %dma_start3A_74 = arith.constant 0 : i32
    %dma_start3A_75 = tpu.memref_slice %arg3[%add3A_63, %dma_start3A_74] : memref<256x4096xf32, #tpu.memory_space<hbm>> -> memref<1x4096xf32, #tpu.memory_space<hbm>>
    %dma_start3A_76 = tpu.memref_squeeze %dma_start3A_75 : memref<1x4096xf32, #tpu.memory_space<hbm>> -> memref<4096xf32, #tpu.memory_space<hbm>>
    tpu.enqueue_dma source(%dma_start3A_76 : memref<4096xf32, #tpu.memory_space<hbm>>) target(%dma_start3A_73 : memref<4096xf32, #tpu.memory_space<vmem>>) target_semaphore(%arg12 : memref<!tpu.dma_semaphore, #tpu.memory_space<semaphore_mem>>)
    %add3A_77 = arith.constant 1 : i32
    %add3A_78 = arith.addi %mul3A_2, %add3A_77 : i32
    %dma_start3A_79 = arith.constant 1 : i32
    %dma_start3A_80 = arith.constant 0 : i32
    %dma_start3A_81 = tpu.memref_slice %arg9[%dma_start3A_79, %dma_start3A_80] : memref<8x4096xf32, #tpu.memory_space<vmem>> -> memref<1x4096xf32, #tpu.memory_space<vmem>>
    %dma_start3A_82 = tpu.memref_squeeze %dma_start3A_81 : memref<1x4096xf32, #tpu.memory_space<vmem>> -> memref<4096xf32, #tpu.memory_space<vmem>>
    %dma_start3A_83 = arith.constant 0 : i32
    %dma_start3A_84 = tpu.memref_slice %arg4[%add3A_78, %dma_start3A_83] : memref<256x4096xf32, #tpu.memory_space<hbm>> -> memref<1x4096xf32, #tpu.memory_space<hbm>>
    %dma_start3A_85 = tpu.memref_squeeze %dma_start3A_84 : memref<1x4096xf32, #tpu.memory_space<hbm>> -> memref<4096xf32, #tpu.memory_space<hbm>>
    %dma_start3A_86 = arith.constant 0 : i32
    %dma_start3A_87 = tpu.memref_slice %arg9[%dma_start3A_79, %dma_start3A_86] : memref<8x4096xf32, #tpu.memory_space<vmem>> -> memref<1x4096xf32, #tpu.memory_space<vmem>>
    %dma_start3A_88 = tpu.memref_squeeze %dma_start3A_87 : memref<1x4096xf32, #tpu.memory_space<vmem>> -> memref<4096xf32, #tpu.memory_space<vmem>>
    %dma_start3A_89 = arith.constant 0 : i32
    %dma_start3A_90 = tpu.memref_slice %arg4[%add3A_78, %dma_start3A_89] : memref<256x4096xf32, #tpu.memory_space<hbm>> -> memref<1x4096xf32, #tpu.memory_space<hbm>>
    %dma_start3A_91 = tpu.memref_squeeze %dma_start3A_90 : memref<1x4096xf32, #tpu.memory_space<hbm>> -> memref<4096xf32, #tpu.memory_space<hbm>>
    tpu.enqueue_dma source(%dma_start3A_91 : memref<4096xf32, #tpu.memory_space<hbm>>) target(%dma_start3A_88 : memref<4096xf32, #tpu.memory_space<vmem>>) target_semaphore(%arg12 : memref<!tpu.dma_semaphore, #tpu.memory_space<semaphore_mem>>)
    %add3A_92 = arith.constant 2 : i32
    %add3A_93 = arith.addi %mul3A_2, %add3A_92 : i32
    %dma_start3A_94 = arith.constant 2 : i32
    %dma_start3A_95 = arith.constant 0 : i32
    %dma_start3A_96 = tpu.memref_slice %arg7[%dma_start3A_94, %dma_start3A_95] : memref<8x4096xi32, #tpu.memory_space<vmem>> -> memref<1x4096xi32, #tpu.memory_space<vmem>>
    %dma_start3A_97 = tpu.memref_squeeze %dma_start3A_96 : memref<1x4096xi32, #tpu.memory_space<vmem>> -> memref<4096xi32, #tpu.memory_space<vmem>>
    %dma_start3A_98 = arith.constant 0 : i32
    %dma_start3A_99 = tpu.memref_slice %arg2[%add3A_93, %dma_start3A_98] : memref<256x4096xi32, #tpu.memory_space<hbm>> -> memref<1x4096xi32, #tpu.memory_space<hbm>>
    %dma_start3A_100 = tpu.memref_squeeze %dma_start3A_99 : memref<1x4096xi32, #tpu.memory_space<hbm>> -> memref<4096xi32, #tpu.memory_space<hbm>>
    %dma_start3A_101 = arith.constant 0 : i32
    %dma_start3A_102 = tpu.memref_slice %arg7[%dma_start3A_94, %dma_start3A_101] : memref<8x4096xi32, #tpu.memory_space<vmem>> -> memref<1x4096xi32, #tpu.memory_space<vmem>>
    %dma_start3A_103 = tpu.memref_squeeze %dma_start3A_102 : memref<1x4096xi32, #tpu.memory_space<vmem>> -> memref<4096xi32, #tpu.memory_space<vmem>>
    %dma_start3A_104 = arith.constant 0 : i32
    %dma_start3A_105 = tpu.memref_slice %arg2[%add3A_93, %dma_start3A_104] : memref<256x4096xi32, #tpu.memory_space<hbm>> -> memref<1x4096xi32, #tpu.memory_space<hbm>>
    %dma_start3A_106 = tpu.memref_squeeze %dma_start3A_105 : memref<1x4096xi32, #tpu.memory_space<hbm>> -> memref<4096xi32, #tpu.memory_space<hbm>>
    tpu.enqueue_dma source(%dma_start3A_106 : memref<4096xi32, #tpu.memory_space<hbm>>) target(%dma_start3A_103 : memref<4096xi32, #tpu.memory_space<vmem>>) target_semaphore(%arg12 : memref<!tpu.dma_semaphore, #tpu.memory_space<semaphore_mem>>)
    %add3A_107 = arith.constant 2 : i32
    %add3A_108 = arith.addi %mul3A_2, %add3A_107 : i32
    %dma_start3A_109 = arith.constant 2 : i32
    %dma_start3A_110 = arith.constant 0 : i32
    %dma_start3A_111 = tpu.memref_slice %arg8[%dma_start3A_109, %dma_start3A_110] : memref<8x4096xf32, #tpu.memory_space<vmem>> -> memref<1x4096xf32, #tpu.memory_space<vmem>>
    %dma_start3A_112 = tpu.memref_squeeze %dma_start3A_111 : memref<1x4096xf32, #tpu.memory_space<vmem>> -> memref<4096xf32, #tpu.memory_space<vmem>>
    %dma_start3A_113 = arith.constant 0 : i32
    %dma_start3A_114 = tpu.memref_slice %arg3[%add3A_108, %dma_start3A_113] : memref<256x4096xf32, #tpu.memory_space<hbm>> -> memref<1x4096xf32, #tpu.memory_space<hbm>>
    %dma_start3A_115 = tpu.memref_squeeze %dma_start3A_114 : memref<1x4096xf32, #tpu.memory_space<hbm>> -> memref<4096xf32, #tpu.memory_space<hbm>>
    %dma_start3A_116 = arith.constant 0 : i32
    %dma_start3A_117 = tpu.memref_slice %arg8[%dma_start3A_109, %dma_start3A_116] : memref<8x4096xf32, #tpu.memory_space<vmem>> -> memref<1x4096xf32, #tpu.memory_space<vmem>>
    %dma_start3A_118 = tpu.memref_squeeze %dma_start3A_117 : memref<1x4096xf32, #tpu.memory_space<vmem>> -> memref<4096xf32, #tpu.memory_space<vmem>>
    %dma_start3A_119 = arith.constant 0 : i32
    %dma_start3A_120 = tpu.memref_slice %arg3[%add3A_108, %dma_start3A_119] : memref<256x4096xf32, #tpu.memory_space<hbm>> -> memref<1x4096xf32, #tpu.memory_space<hbm>>
    %dma_start3A_121 = tpu.memref_squeeze %dma_start3A_120 : memref<1x4096xf32, #tpu.memory_space<hbm>> -> memref<4096xf32, #tpu.memory_space<hbm>>
    tpu.enqueue_dma source(%dma_start3A_121 : memref<4096xf32, #tpu.memory_space<hbm>>) target(%dma_start3A_118 : memref<4096xf32, #tpu.memory_space<vmem>>) target_semaphore(%arg12 : memref<!tpu.dma_semaphore, #tpu.memory_space<semaphore_mem>>)
    %add3A_122 = arith.constant 2 : i32
    %add3A_123 = arith.addi %mul3A_2, %add3A_122 : i32
    %dma_start3A_124 = arith.constant 2 : i32
    %dma_start3A_125 = arith.constant 0 : i32
    %dma_start3A_126 = tpu.memref_slice %arg9[%dma_start3A_124, %dma_start3A_125] : memref<8x4096xf32, #tpu.memory_space<vmem>> -> memref<1x4096xf32, #tpu.memory_space<vmem>>
    %dma_start3A_127 = tpu.memref_squeeze %dma_start3A_126 : memref<1x4096xf32, #tpu.memory_space<vmem>> -> memref<4096xf32, #tpu.memory_space<vmem>>
    %dma_start3A_128 = arith.constant 0 : i32
    %dma_start3A_129 = tpu.memref_slice %arg4[%add3A_123, %dma_start3A_128] : memref<256x4096xf32, #tpu.memory_space<hbm>> -> memref<1x4096xf32, #tpu.memory_space<hbm>>
    %dma_start3A_130 = tpu.memref_squeeze %dma_start3A_129 : memref<1x4096xf32, #tpu.memory_space<hbm>> -> memref<4096xf32, #tpu.memory_space<hbm>>
    %dma_start3A_131 = arith.constant 0 : i32
    %dma_start3A_132 = tpu.memref_slice %arg9[%dma_start3A_124, %dma_start3A_131] : memref<8x4096xf32, #tpu.memory_space<vmem>> -> memref<1x4096xf32, #tpu.memory_space<vmem>>
    %dma_start3A_133 = tpu.memref_squeeze %dma_start3A_132 : memref<1x4096xf32, #tpu.memory_space<vmem>> -> memref<4096xf32, #tpu.memory_space<vmem>>
    %dma_start3A_134 = arith.constant 0 : i32
    %dma_start3A_135 = tpu.memref_slice %arg4[%add3A_123, %dma_start3A_134] : memref<256x4096xf32, #tpu.memory_space<hbm>> -> memref<1x4096xf32, #tpu.memory_space<hbm>>
    %dma_start3A_136 = tpu.memref_squeeze %dma_start3A_135 : memref<1x4096xf32, #tpu.memory_space<hbm>> -> memref<4096xf32, #tpu.memory_space<hbm>>
    tpu.enqueue_dma source(%dma_start3A_136 : memref<4096xf32, #tpu.memory_space<hbm>>) target(%dma_start3A_133 : memref<4096xf32, #tpu.memory_space<vmem>>) target_semaphore(%arg12 : memref<!tpu.dma_semaphore, #tpu.memory_space<semaphore_mem>>)
    %add3A_137 = arith.constant 3 : i32
    %add3A_138 = arith.addi %mul3A_2, %add3A_137 : i32
    %dma_start3A_139 = arith.constant 3 : i32
    %dma_start3A_140 = arith.constant 0 : i32
    %dma_start3A_141 = tpu.memref_slice %arg7[%dma_start3A_139, %dma_start3A_140] : memref<8x4096xi32, #tpu.memory_space<vmem>> -> memref<1x4096xi32, #tpu.memory_space<vmem>>
    %dma_start3A_142 = tpu.memref_squeeze %dma_start3A_141 : memref<1x4096xi32, #tpu.memory_space<vmem>> -> memref<4096xi32, #tpu.memory_space<vmem>>
    %dma_start3A_143 = arith.constant 0 : i32
    %dma_start3A_144 = tpu.memref_slice %arg2[%add3A_138, %dma_start3A_143] : memref<256x4096xi32, #tpu.memory_space<hbm>> -> memref<1x4096xi32, #tpu.memory_space<hbm>>
    %dma_start3A_145 = tpu.memref_squeeze %dma_start3A_144 : memref<1x4096xi32, #tpu.memory_space<hbm>> -> memref<4096xi32, #tpu.memory_space<hbm>>
    %dma_start3A_146 = arith.constant 0 : i32
    %dma_start3A_147 = tpu.memref_slice %arg7[%dma_start3A_139, %dma_start3A_146] : memref<8x4096xi32, #tpu.memory_space<vmem>> -> memref<1x4096xi32, #tpu.memory_space<vmem>>
    %dma_start3A_148 = tpu.memref_squeeze %dma_start3A_147 : memref<1x4096xi32, #tpu.memory_space<vmem>> -> memref<4096xi32, #tpu.memory_space<vmem>>
    %dma_start3A_149 = arith.constant 0 : i32
    %dma_start3A_150 = tpu.memref_slice %arg2[%add3A_138, %dma_start3A_149] : memref<256x4096xi32, #tpu.memory_space<hbm>> -> memref<1x4096xi32, #tpu.memory_space<hbm>>
    %dma_start3A_151 = tpu.memref_squeeze %dma_start3A_150 : memref<1x4096xi32, #tpu.memory_space<hbm>> -> memref<4096xi32, #tpu.memory_space<hbm>>
    tpu.enqueue_dma source(%dma_start3A_151 : memref<4096xi32, #tpu.memory_space<hbm>>) target(%dma_start3A_148 : memref<4096xi32, #tpu.memory_space<vmem>>) target_semaphore(%arg12 : memref<!tpu.dma_semaphore, #tpu.memory_space<semaphore_mem>>)
    %add3A_152 = arith.constant 3 : i32
    %add3A_153 = arith.addi %mul3A_2, %add3A_152 : i32
    %dma_start3A_154 = arith.constant 3 : i32
    %dma_start3A_155 = arith.constant 0 : i32
    %dma_start3A_156 = tpu.memref_slice %arg8[%dma_start3A_154, %dma_start3A_155] : memref<8x4096xf32, #tpu.memory_space<vmem>> -> memref<1x4096xf32, #tpu.memory_space<vmem>>
    %dma_start3A_157 = tpu.memref_squeeze %dma_start3A_156 : memref<1x4096xf32, #tpu.memory_space<vmem>> -> memref<4096xf32, #tpu.memory_space<vmem>>
    %dma_start3A_158 = arith.constant 0 : i32
    %dma_start3A_159 = tpu.memref_slice %arg3[%add3A_153, %dma_start3A_158] : memref<256x4096xf32, #tpu.memory_space<hbm>> -> memref<1x4096xf32, #tpu.memory_space<hbm>>
    %dma_start3A_160 = tpu.memref_squeeze %dma_start3A_159 : memref<1x4096xf32, #tpu.memory_space<hbm>> -> memref<4096xf32, #tpu.memory_space<hbm>>
    %dma_start3A_161 = arith.constant 0 : i32
    %dma_start3A_162 = tpu.memref_slice %arg8[%dma_start3A_154, %dma_start3A_161] : memref<8x4096xf32, #tpu.memory_space<vmem>> -> memref<1x4096xf32, #tpu.memory_space<vmem>>
    %dma_start3A_163 = tpu.memref_squeeze %dma_start3A_162 : memref<1x4096xf32, #tpu.memory_space<vmem>> -> memref<4096xf32, #tpu.memory_space<vmem>>
    %dma_start3A_164 = arith.constant 0 : i32
    %dma_start3A_165 = tpu.memref_slice %arg3[%add3A_153, %dma_start3A_164] : memref<256x4096xf32, #tpu.memory_space<hbm>> -> memref<1x4096xf32, #tpu.memory_space<hbm>>
    %dma_start3A_166 = tpu.memref_squeeze %dma_start3A_165 : memref<1x4096xf32, #tpu.memory_space<hbm>> -> memref<4096xf32, #tpu.memory_space<hbm>>
    tpu.enqueue_dma source(%dma_start3A_166 : memref<4096xf32, #tpu.memory_space<hbm>>) target(%dma_start3A_163 : memref<4096xf32, #tpu.memory_space<vmem>>) target_semaphore(%arg12 : memref<!tpu.dma_semaphore, #tpu.memory_space<semaphore_mem>>)
    %add3A_167 = arith.constant 3 : i32
    %add3A_168 = arith.addi %mul3A_2, %add3A_167 : i32
    %dma_start3A_169 = arith.constant 3 : i32
    %dma_start3A_170 = arith.constant 0 : i32
    %dma_start3A_171 = tpu.memref_slice %arg9[%dma_start3A_169, %dma_start3A_170] : memref<8x4096xf32, #tpu.memory_space<vmem>> -> memref<1x4096xf32, #tpu.memory_space<vmem>>
    %dma_start3A_172 = tpu.memref_squeeze %dma_start3A_171 : memref<1x4096xf32, #tpu.memory_space<vmem>> -> memref<4096xf32, #tpu.memory_space<vmem>>
    %dma_start3A_173 = arith.constant 0 : i32
    %dma_start3A_174 = tpu.memref_slice %arg4[%add3A_168, %dma_start3A_173] : memref<256x4096xf32, #tpu.memory_space<hbm>> -> memref<1x4096xf32, #tpu.memory_space<hbm>>
    %dma_start3A_175 = tpu.memref_squeeze %dma_start3A_174 : memref<1x4096xf32, #tpu.memory_space<hbm>> -> memref<4096xf32, #tpu.memory_space<hbm>>
    %dma_start3A_176 = arith.constant 0 : i32
    %dma_start3A_177 = tpu.memref_slice %arg9[%dma_start3A_169, %dma_start3A_176] : memref<8x4096xf32, #tpu.memory_space<vmem>> -> memref<1x4096xf32, #tpu.memory_space<vmem>>
    %dma_start3A_178 = tpu.memref_squeeze %dma_start3A_177 : memref<1x4096xf32, #tpu.memory_space<vmem>> -> memref<4096xf32, #tpu.memory_space<vmem>>
    %dma_start3A_179 = arith.constant 0 : i32
    %dma_start3A_180 = tpu.memref_slice %arg4[%add3A_168, %dma_start3A_179] : memref<256x4096xf32, #tpu.memory_space<hbm>> -> memref<1x4096xf32, #tpu.memory_space<hbm>>
    %dma_start3A_181 = tpu.memref_squeeze %dma_start3A_180 : memref<1x4096xf32, #tpu.memory_space<hbm>> -> memref<4096xf32, #tpu.memory_space<hbm>>
    tpu.enqueue_dma source(%dma_start3A_181 : memref<4096xf32, #tpu.memory_space<hbm>>) target(%dma_start3A_178 : memref<4096xf32, #tpu.memory_space<vmem>>) target_semaphore(%arg12 : memref<!tpu.dma_semaphore, #tpu.memory_space<semaphore_mem>>)
    %add3A_182 = arith.constant 4 : i32
    %add3A_183 = arith.addi %mul3A_2, %add3A_182 : i32
    %dma_start3A_184 = arith.constant 4 : i32
    %dma_start3A_185 = arith.constant 0 : i32
    %dma_start3A_186 = tpu.memref_slice %arg7[%dma_start3A_184, %dma_start3A_185] : memref<8x4096xi32, #tpu.memory_space<vmem>> -> memref<1x4096xi32, #tpu.memory_space<vmem>>
    %dma_start3A_187 = tpu.memref_squeeze %dma_start3A_186 : memref<1x4096xi32, #tpu.memory_space<vmem>> -> memref<4096xi32, #tpu.memory_space<vmem>>
    %dma_start3A_188 = arith.constant 0 : i32
    %dma_start3A_189 = tpu.memref_slice %arg2[%add3A_183, %dma_start3A_188] : memref<256x4096xi32, #tpu.memory_space<hbm>> -> memref<1x4096xi32, #tpu.memory_space<hbm>>
    %dma_start3A_190 = tpu.memref_squeeze %dma_start3A_189 : memref<1x4096xi32, #tpu.memory_space<hbm>> -> memref<4096xi32, #tpu.memory_space<hbm>>
    %dma_start3A_191 = arith.constant 0 : i32
    %dma_start3A_192 = tpu.memref_slice %arg7[%dma_start3A_184, %dma_start3A_191] : memref<8x4096xi32, #tpu.memory_space<vmem>> -> memref<1x4096xi32, #tpu.memory_space<vmem>>
    %dma_start3A_193 = tpu.memref_squeeze %dma_start3A_192 : memref<1x4096xi32, #tpu.memory_space<vmem>> -> memref<4096xi32, #tpu.memory_space<vmem>>
    %dma_start3A_194 = arith.constant 0 : i32
    %dma_start3A_195 = tpu.memref_slice %arg2[%add3A_183, %dma_start3A_194] : memref<256x4096xi32, #tpu.memory_space<hbm>> -> memref<1x4096xi32, #tpu.memory_space<hbm>>
    %dma_start3A_196 = tpu.memref_squeeze %dma_start3A_195 : memref<1x4096xi32, #tpu.memory_space<hbm>> -> memref<4096xi32, #tpu.memory_space<hbm>>
    tpu.enqueue_dma source(%dma_start3A_196 : memref<4096xi32, #tpu.memory_space<hbm>>) target(%dma_start3A_193 : memref<4096xi32, #tpu.memory_space<vmem>>) target_semaphore(%arg12 : memref<!tpu.dma_semaphore, #tpu.memory_space<semaphore_mem>>)
    %add3A_197 = arith.constant 4 : i32
    %add3A_198 = arith.addi %mul3A_2, %add3A_197 : i32
    %dma_start3A_199 = arith.constant 4 : i32
    %dma_start3A_200 = arith.constant 0 : i32
    %dma_start3A_201 = tpu.memref_slice %arg8[%dma_start3A_199, %dma_start3A_200] : memref<8x4096xf32, #tpu.memory_space<vmem>> -> memref<1x4096xf32, #tpu.memory_space<vmem>>
    %dma_start3A_202 = tpu.memref_squeeze %dma_start3A_201 : memref<1x4096xf32, #tpu.memory_space<vmem>> -> memref<4096xf32, #tpu.memory_space<vmem>>
    %dma_start3A_203 = arith.constant 0 : i32
    %dma_start3A_204 = tpu.memref_slice %arg3[%add3A_198, %dma_start3A_203] : memref<256x4096xf32, #tpu.memory_space<hbm>> -> memref<1x4096xf32, #tpu.memory_space<hbm>>
    %dma_start3A_205 = tpu.memref_squeeze %dma_start3A_204 : memref<1x4096xf32, #tpu.memory_space<hbm>> -> memref<4096xf32, #tpu.memory_space<hbm>>
    %dma_start3A_206 = arith.constant 0 : i32
    %dma_start3A_207 = tpu.memref_slice %arg8[%dma_start3A_199, %dma_start3A_206] : memref<8x4096xf32, #tpu.memory_space<vmem>> -> memref<1x4096xf32, #tpu.memory_space<vmem>>
    %dma_start3A_208 = tpu.memref_squeeze %dma_start3A_207 : memref<1x4096xf32, #tpu.memory_space<vmem>> -> memref<4096xf32, #tpu.memory_space<vmem>>
    %dma_start3A_209 = arith.constant 0 : i32
    %dma_start3A_210 = tpu.memref_slice %arg3[%add3A_198, %dma_start3A_209] : memref<256x4096xf32, #tpu.memory_space<hbm>> -> memref<1x4096xf32, #tpu.memory_space<hbm>>
    %dma_start3A_211 = tpu.memref_squeeze %dma_start3A_210 : memref<1x4096xf32, #tpu.memory_space<hbm>> -> memref<4096xf32, #tpu.memory_space<hbm>>
    tpu.enqueue_dma source(%dma_start3A_211 : memref<4096xf32, #tpu.memory_space<hbm>>) target(%dma_start3A_208 : memref<4096xf32, #tpu.memory_space<vmem>>) target_semaphore(%arg12 : memref<!tpu.dma_semaphore, #tpu.memory_space<semaphore_mem>>)
    %add3A_212 = arith.constant 4 : i32
    %add3A_213 = arith.addi %mul3A_2, %add3A_212 : i32
    %dma_start3A_214 = arith.constant 4 : i32
    %dma_start3A_215 = arith.constant 0 : i32
    %dma_start3A_216 = tpu.memref_slice %arg9[%dma_start3A_214, %dma_start3A_215] : memref<8x4096xf32, #tpu.memory_space<vmem>> -> memref<1x4096xf32, #tpu.memory_space<vmem>>
    %dma_start3A_217 = tpu.memref_squeeze %dma_start3A_216 : memref<1x4096xf32, #tpu.memory_space<vmem>> -> memref<4096xf32, #tpu.memory_space<vmem>>
    %dma_start3A_218 = arith.constant 0 : i32
    %dma_start3A_219 = tpu.memref_slice %arg4[%add3A_213, %dma_start3A_218] : memref<256x4096xf32, #tpu.memory_space<hbm>> -> memref<1x4096xf32, #tpu.memory_space<hbm>>
    %dma_start3A_220 = tpu.memref_squeeze %dma_start3A_219 : memref<1x4096xf32, #tpu.memory_space<hbm>> -> memref<4096xf32, #tpu.memory_space<hbm>>
    %dma_start3A_221 = arith.constant 0 : i32
    %dma_start3A_222 = tpu.memref_slice %arg9[%dma_start3A_214, %dma_start3A_221] : memref<8x4096xf32, #tpu.memory_space<vmem>> -> memref<1x4096xf32, #tpu.memory_space<vmem>>
    %dma_start3A_223 = tpu.memref_squeeze %dma_start3A_222 : memref<1x4096xf32, #tpu.memory_space<vmem>> -> memref<4096xf32, #tpu.memory_space<vmem>>
    %dma_start3A_224 = arith.constant 0 : i32
    %dma_start3A_225 = tpu.memref_slice %arg4[%add3A_213, %dma_start3A_224] : memref<256x4096xf32, #tpu.memory_space<hbm>> -> memref<1x4096xf32, #tpu.memory_space<hbm>>
    %dma_start3A_226 = tpu.memref_squeeze %dma_start3A_225 : memref<1x4096xf32, #tpu.memory_space<hbm>> -> memref<4096xf32, #tpu.memory_space<hbm>>
    tpu.enqueue_dma source(%dma_start3A_226 : memref<4096xf32, #tpu.memory_space<hbm>>) target(%dma_start3A_223 : memref<4096xf32, #tpu.memory_space<vmem>>) target_semaphore(%arg12 : memref<!tpu.dma_semaphore, #tpu.memory_space<semaphore_mem>>)
    %add3A_227 = arith.constant 5 : i32
    %add3A_228 = arith.addi %mul3A_2, %add3A_227 : i32
    %dma_start3A_229 = arith.constant 5 : i32
    %dma_start3A_230 = arith.constant 0 : i32
    %dma_start3A_231 = tpu.memref_slice %arg7[%dma_start3A_229, %dma_start3A_230] : memref<8x4096xi32, #tpu.memory_space<vmem>> -> memref<1x4096xi32, #tpu.memory_space<vmem>>
    %dma_start3A_232 = tpu.memref_squeeze %dma_start3A_231 : memref<1x4096xi32, #tpu.memory_space<vmem>> -> memref<4096xi32, #tpu.memory_space<vmem>>
    %dma_start3A_233 = arith.constant 0 : i32
    %dma_start3A_234 = tpu.memref_slice %arg2[%add3A_228, %dma_start3A_233] : memref<256x4096xi32, #tpu.memory_space<hbm>> -> memref<1x4096xi32, #tpu.memory_space<hbm>>
    %dma_start3A_235 = tpu.memref_squeeze %dma_start3A_234 : memref<1x4096xi32, #tpu.memory_space<hbm>> -> memref<4096xi32, #tpu.memory_space<hbm>>
    %dma_start3A_236 = arith.constant 0 : i32
    %dma_start3A_237 = tpu.memref_slice %arg7[%dma_start3A_229, %dma_start3A_236] : memref<8x4096xi32, #tpu.memory_space<vmem>> -> memref<1x4096xi32, #tpu.memory_space<vmem>>
    %dma_start3A_238 = tpu.memref_squeeze %dma_start3A_237 : memref<1x4096xi32, #tpu.memory_space<vmem>> -> memref<4096xi32, #tpu.memory_space<vmem>>
    %dma_start3A_239 = arith.constant 0 : i32
    %dma_start3A_240 = tpu.memref_slice %arg2[%add3A_228, %dma_start3A_239] : memref<256x4096xi32, #tpu.memory_space<hbm>> -> memref<1x4096xi32, #tpu.memory_space<hbm>>
    %dma_start3A_241 = tpu.memref_squeeze %dma_start3A_240 : memref<1x4096xi32, #tpu.memory_space<hbm>> -> memref<4096xi32, #tpu.memory_space<hbm>>
    tpu.enqueue_dma source(%dma_start3A_241 : memref<4096xi32, #tpu.memory_space<hbm>>) target(%dma_start3A_238 : memref<4096xi32, #tpu.memory_space<vmem>>) target_semaphore(%arg12 : memref<!tpu.dma_semaphore, #tpu.memory_space<semaphore_mem>>)
    %add3A_242 = arith.constant 5 : i32
    %add3A_243 = arith.addi %mul3A_2, %add3A_242 : i32
    %dma_start3A_244 = arith.constant 5 : i32
    %dma_start3A_245 = arith.constant 0 : i32
    %dma_start3A_246 = tpu.memref_slice %arg8[%dma_start3A_244, %dma_start3A_245] : memref<8x4096xf32, #tpu.memory_space<vmem>> -> memref<1x4096xf32, #tpu.memory_space<vmem>>
    %dma_start3A_247 = tpu.memref_squeeze %dma_start3A_246 : memref<1x4096xf32, #tpu.memory_space<vmem>> -> memref<4096xf32, #tpu.memory_space<vmem>>
    %dma_start3A_248 = arith.constant 0 : i32
    %dma_start3A_249 = tpu.memref_slice %arg3[%add3A_243, %dma_start3A_248] : memref<256x4096xf32, #tpu.memory_space<hbm>> -> memref<1x4096xf32, #tpu.memory_space<hbm>>
    %dma_start3A_250 = tpu.memref_squeeze %dma_start3A_249 : memref<1x4096xf32, #tpu.memory_space<hbm>> -> memref<4096xf32, #tpu.memory_space<hbm>>
    %dma_start3A_251 = arith.constant 0 : i32
    %dma_start3A_252 = tpu.memref_slice %arg8[%dma_start3A_244, %dma_start3A_251] : memref<8x4096xf32, #tpu.memory_space<vmem>> -> memref<1x4096xf32, #tpu.memory_space<vmem>>
    %dma_start3A_253 = tpu.memref_squeeze %dma_start3A_252 : memref<1x4096xf32, #tpu.memory_space<vmem>> -> memref<4096xf32, #tpu.memory_space<vmem>>
    %dma_start3A_254 = arith.constant 0 : i32
    %dma_start3A_255 = tpu.memref_slice %arg3[%add3A_243, %dma_start3A_254] : memref<256x4096xf32, #tpu.memory_space<hbm>> -> memref<1x4096xf32, #tpu.memory_space<hbm>>
    %dma_start3A_256 = tpu.memref_squeeze %dma_start3A_255 : memref<1x4096xf32, #tpu.memory_space<hbm>> -> memref<4096xf32, #tpu.memory_space<hbm>>
    tpu.enqueue_dma source(%dma_start3A_256 : memref<4096xf32, #tpu.memory_space<hbm>>) target(%dma_start3A_253 : memref<4096xf32, #tpu.memory_space<vmem>>) target_semaphore(%arg12 : memref<!tpu.dma_semaphore, #tpu.memory_space<semaphore_mem>>)
    %add3A_257 = arith.constant 5 : i32
    %add3A_258 = arith.addi %mul3A_2, %add3A_257 : i32
    %dma_start3A_259 = arith.constant 5 : i32
    %dma_start3A_260 = arith.constant 0 : i32
    %dma_start3A_261 = tpu.memref_slice %arg9[%dma_start3A_259, %dma_start3A_260] : memref<8x4096xf32, #tpu.memory_space<vmem>> -> memref<1x4096xf32, #tpu.memory_space<vmem>>
    %dma_start3A_262 = tpu.memref_squeeze %dma_start3A_261 : memref<1x4096xf32, #tpu.memory_space<vmem>> -> memref<4096xf32, #tpu.memory_space<vmem>>
    %dma_start3A_263 = arith.constant 0 : i32
    %dma_start3A_264 = tpu.memref_slice %arg4[%add3A_258, %dma_start3A_263] : memref<256x4096xf32, #tpu.memory_space<hbm>> -> memref<1x4096xf32, #tpu.memory_space<hbm>>
    %dma_start3A_265 = tpu.memref_squeeze %dma_start3A_264 : memref<1x4096xf32, #tpu.memory_space<hbm>> -> memref<4096xf32, #tpu.memory_space<hbm>>
    %dma_start3A_266 = arith.constant 0 : i32
    %dma_start3A_267 = tpu.memref_slice %arg9[%dma_start3A_259, %dma_start3A_266] : memref<8x4096xf32, #tpu.memory_space<vmem>> -> memref<1x4096xf32, #tpu.memory_space<vmem>>
    %dma_start3A_268 = tpu.memref_squeeze %dma_start3A_267 : memref<1x4096xf32, #tpu.memory_space<vmem>> -> memref<4096xf32, #tpu.memory_space<vmem>>
    %dma_start3A_269 = arith.constant 0 : i32
    %dma_start3A_270 = tpu.memref_slice %arg4[%add3A_258, %dma_start3A_269] : memref<256x4096xf32, #tpu.memory_space<hbm>> -> memref<1x4096xf32, #tpu.memory_space<hbm>>
    %dma_start3A_271 = tpu.memref_squeeze %dma_start3A_270 : memref<1x4096xf32, #tpu.memory_space<hbm>> -> memref<4096xf32, #tpu.memory_space<hbm>>
    tpu.enqueue_dma source(%dma_start3A_271 : memref<4096xf32, #tpu.memory_space<hbm>>) target(%dma_start3A_268 : memref<4096xf32, #tpu.memory_space<vmem>>) target_semaphore(%arg12 : memref<!tpu.dma_semaphore, #tpu.memory_space<semaphore_mem>>)
    %add3A_272 = arith.constant 6 : i32
    %add3A_273 = arith.addi %mul3A_2, %add3A_272 : i32
    %dma_start3A_274 = arith.constant 6 : i32
    %dma_start3A_275 = arith.constant 0 : i32
    %dma_start3A_276 = tpu.memref_slice %arg7[%dma_start3A_274, %dma_start3A_275] : memref<8x4096xi32, #tpu.memory_space<vmem>> -> memref<1x4096xi32, #tpu.memory_space<vmem>>
    %dma_start3A_277 = tpu.memref_squeeze %dma_start3A_276 : memref<1x4096xi32, #tpu.memory_space<vmem>> -> memref<4096xi32, #tpu.memory_space<vmem>>
    %dma_start3A_278 = arith.constant 0 : i32
    %dma_start3A_279 = tpu.memref_slice %arg2[%add3A_273, %dma_start3A_278] : memref<256x4096xi32, #tpu.memory_space<hbm>> -> memref<1x4096xi32, #tpu.memory_space<hbm>>
    %dma_start3A_280 = tpu.memref_squeeze %dma_start3A_279 : memref<1x4096xi32, #tpu.memory_space<hbm>> -> memref<4096xi32, #tpu.memory_space<hbm>>
    %dma_start3A_281 = arith.constant 0 : i32
    %dma_start3A_282 = tpu.memref_slice %arg7[%dma_start3A_274, %dma_start3A_281] : memref<8x4096xi32, #tpu.memory_space<vmem>> -> memref<1x4096xi32, #tpu.memory_space<vmem>>
    %dma_start3A_283 = tpu.memref_squeeze %dma_start3A_282 : memref<1x4096xi32, #tpu.memory_space<vmem>> -> memref<4096xi32, #tpu.memory_space<vmem>>
    %dma_start3A_284 = arith.constant 0 : i32
    %dma_start3A_285 = tpu.memref_slice %arg2[%add3A_273, %dma_start3A_284] : memref<256x4096xi32, #tpu.memory_space<hbm>> -> memref<1x4096xi32, #tpu.memory_space<hbm>>
    %dma_start3A_286 = tpu.memref_squeeze %dma_start3A_285 : memref<1x4096xi32, #tpu.memory_space<hbm>> -> memref<4096xi32, #tpu.memory_space<hbm>>
    tpu.enqueue_dma source(%dma_start3A_286 : memref<4096xi32, #tpu.memory_space<hbm>>) target(%dma_start3A_283 : memref<4096xi32, #tpu.memory_space<vmem>>) target_semaphore(%arg12 : memref<!tpu.dma_semaphore, #tpu.memory_space<semaphore_mem>>)
    %add3A_287 = arith.constant 6 : i32
    %add3A_288 = arith.addi %mul3A_2, %add3A_287 : i32
    %dma_start3A_289 = arith.constant 6 : i32
    %dma_start3A_290 = arith.constant 0 : i32
    %dma_start3A_291 = tpu.memref_slice %arg8[%dma_start3A_289, %dma_start3A_290] : memref<8x4096xf32, #tpu.memory_space<vmem>> -> memref<1x4096xf32, #tpu.memory_space<vmem>>
    %dma_start3A_292 = tpu.memref_squeeze %dma_start3A_291 : memref<1x4096xf32, #tpu.memory_space<vmem>> -> memref<4096xf32, #tpu.memory_space<vmem>>
    %dma_start3A_293 = arith.constant 0 : i32
    %dma_start3A_294 = tpu.memref_slice %arg3[%add3A_288, %dma_start3A_293] : memref<256x4096xf32, #tpu.memory_space<hbm>> -> memref<1x4096xf32, #tpu.memory_space<hbm>>
    %dma_start3A_295 = tpu.memref_squeeze %dma_start3A_294 : memref<1x4096xf32, #tpu.memory_space<hbm>> -> memref<4096xf32, #tpu.memory_space<hbm>>
    %dma_start3A_296 = arith.constant 0 : i32
    %dma_start3A_297 = tpu.memref_slice %arg8[%dma_start3A_289, %dma_start3A_296] : memref<8x4096xf32, #tpu.memory_space<vmem>> -> memref<1x4096xf32, #tpu.memory_space<vmem>>
    %dma_start3A_298 = tpu.memref_squeeze %dma_start3A_297 : memref<1x4096xf32, #tpu.memory_space<vmem>> -> memref<4096xf32, #tpu.memory_space<vmem>>
    %dma_start3A_299 = arith.constant 0 : i32
    %dma_start3A_300 = tpu.memref_slice %arg3[%add3A_288, %dma_start3A_299] : memref<256x4096xf32, #tpu.memory_space<hbm>> -> memref<1x4096xf32, #tpu.memory_space<hbm>>
    %dma_start3A_301 = tpu.memref_squeeze %dma_start3A_300 : memref<1x4096xf32, #tpu.memory_space<hbm>> -> memref<4096xf32, #tpu.memory_space<hbm>>
    tpu.enqueue_dma source(%dma_start3A_301 : memref<4096xf32, #tpu.memory_space<hbm>>) target(%dma_start3A_298 : memref<4096xf32, #tpu.memory_space<vmem>>) target_semaphore(%arg12 : memref<!tpu.dma_semaphore, #tpu.memory_space<semaphore_mem>>)
    %add3A_302 = arith.constant 6 : i32
    %add3A_303 = arith.addi %mul3A_2, %add3A_302 : i32
    %dma_start3A_304 = arith.constant 6 : i32
    %dma_start3A_305 = arith.constant 0 : i32
    %dma_start3A_306 = tpu.memref_slice %arg9[%dma_start3A_304, %dma_start3A_305] : memref<8x4096xf32, #tpu.memory_space<vmem>> -> memref<1x4096xf32, #tpu.memory_space<vmem>>
    %dma_start3A_307 = tpu.memref_squeeze %dma_start3A_306 : memref<1x4096xf32, #tpu.memory_space<vmem>> -> memref<4096xf32, #tpu.memory_space<vmem>>
    %dma_start3A_308 = arith.constant 0 : i32
    %dma_start3A_309 = tpu.memref_slice %arg4[%add3A_303, %dma_start3A_308] : memref<256x4096xf32, #tpu.memory_space<hbm>> -> memref<1x4096xf32, #tpu.memory_space<hbm>>
    %dma_start3A_310 = tpu.memref_squeeze %dma_start3A_309 : memref<1x4096xf32, #tpu.memory_space<hbm>> -> memref<4096xf32, #tpu.memory_space<hbm>>
    %dma_start3A_311 = arith.constant 0 : i32
    %dma_start3A_312 = tpu.memref_slice %arg9[%dma_start3A_304, %dma_start3A_311] : memref<8x4096xf32, #tpu.memory_space<vmem>> -> memref<1x4096xf32, #tpu.memory_space<vmem>>
    %dma_start3A_313 = tpu.memref_squeeze %dma_start3A_312 : memref<1x4096xf32, #tpu.memory_space<vmem>> -> memref<4096xf32, #tpu.memory_space<vmem>>
    %dma_start3A_314 = arith.constant 0 : i32
    %dma_start3A_315 = tpu.memref_slice %arg4[%add3A_303, %dma_start3A_314] : memref<256x4096xf32, #tpu.memory_space<hbm>> -> memref<1x4096xf32, #tpu.memory_space<hbm>>
    %dma_start3A_316 = tpu.memref_squeeze %dma_start3A_315 : memref<1x4096xf32, #tpu.memory_space<hbm>> -> memref<4096xf32, #tpu.memory_space<hbm>>
    tpu.enqueue_dma source(%dma_start3A_316 : memref<4096xf32, #tpu.memory_space<hbm>>) target(%dma_start3A_313 : memref<4096xf32, #tpu.memory_space<vmem>>) target_semaphore(%arg12 : memref<!tpu.dma_semaphore, #tpu.memory_space<semaphore_mem>>)
    %add3A_317 = arith.constant 7 : i32
    %add3A_318 = arith.addi %mul3A_2, %add3A_317 : i32
    %dma_start3A_319 = arith.constant 7 : i32
    %dma_start3A_320 = arith.constant 0 : i32
    %dma_start3A_321 = tpu.memref_slice %arg7[%dma_start3A_319, %dma_start3A_320] : memref<8x4096xi32, #tpu.memory_space<vmem>> -> memref<1x4096xi32, #tpu.memory_space<vmem>>
    %dma_start3A_322 = tpu.memref_squeeze %dma_start3A_321 : memref<1x4096xi32, #tpu.memory_space<vmem>> -> memref<4096xi32, #tpu.memory_space<vmem>>
    %dma_start3A_323 = arith.constant 0 : i32
    %dma_start3A_324 = tpu.memref_slice %arg2[%add3A_318, %dma_start3A_323] : memref<256x4096xi32, #tpu.memory_space<hbm>> -> memref<1x4096xi32, #tpu.memory_space<hbm>>
    %dma_start3A_325 = tpu.memref_squeeze %dma_start3A_324 : memref<1x4096xi32, #tpu.memory_space<hbm>> -> memref<4096xi32, #tpu.memory_space<hbm>>
    %dma_start3A_326 = arith.constant 0 : i32
    %dma_start3A_327 = tpu.memref_slice %arg7[%dma_start3A_319, %dma_start3A_326] : memref<8x4096xi32, #tpu.memory_space<vmem>> -> memref<1x4096xi32, #tpu.memory_space<vmem>>
    %dma_start3A_328 = tpu.memref_squeeze %dma_start3A_327 : memref<1x4096xi32, #tpu.memory_space<vmem>> -> memref<4096xi32, #tpu.memory_space<vmem>>
    %dma_start3A_329 = arith.constant 0 : i32
    %dma_start3A_330 = tpu.memref_slice %arg2[%add3A_318, %dma_start3A_329] : memref<256x4096xi32, #tpu.memory_space<hbm>> -> memref<1x4096xi32, #tpu.memory_space<hbm>>
    %dma_start3A_331 = tpu.memref_squeeze %dma_start3A_330 : memref<1x4096xi32, #tpu.memory_space<hbm>> -> memref<4096xi32, #tpu.memory_space<hbm>>
    tpu.enqueue_dma source(%dma_start3A_331 : memref<4096xi32, #tpu.memory_space<hbm>>) target(%dma_start3A_328 : memref<4096xi32, #tpu.memory_space<vmem>>) target_semaphore(%arg12 : memref<!tpu.dma_semaphore, #tpu.memory_space<semaphore_mem>>)
    %add3A_332 = arith.constant 7 : i32
    %add3A_333 = arith.addi %mul3A_2, %add3A_332 : i32
    %dma_start3A_334 = arith.constant 7 : i32
    %dma_start3A_335 = arith.constant 0 : i32
    %dma_start3A_336 = tpu.memref_slice %arg8[%dma_start3A_334, %dma_start3A_335] : memref<8x4096xf32, #tpu.memory_space<vmem>> -> memref<1x4096xf32, #tpu.memory_space<vmem>>
    %dma_start3A_337 = tpu.memref_squeeze %dma_start3A_336 : memref<1x4096xf32, #tpu.memory_space<vmem>> -> memref<4096xf32, #tpu.memory_space<vmem>>
    %dma_start3A_338 = arith.constant 0 : i32
    %dma_start3A_339 = tpu.memref_slice %arg3[%add3A_333, %dma_start3A_338] : memref<256x4096xf32, #tpu.memory_space<hbm>> -> memref<1x4096xf32, #tpu.memory_space<hbm>>
    %dma_start3A_340 = tpu.memref_squeeze %dma_start3A_339 : memref<1x4096xf32, #tpu.memory_space<hbm>> -> memref<4096xf32, #tpu.memory_space<hbm>>
    %dma_start3A_341 = arith.constant 0 : i32
    %dma_start3A_342 = tpu.memref_slice %arg8[%dma_start3A_334, %dma_start3A_341] : memref<8x4096xf32, #tpu.memory_space<vmem>> -> memref<1x4096xf32, #tpu.memory_space<vmem>>
    %dma_start3A_343 = tpu.memref_squeeze %dma_start3A_342 : memref<1x4096xf32, #tpu.memory_space<vmem>> -> memref<4096xf32, #tpu.memory_space<vmem>>
    %dma_start3A_344 = arith.constant 0 : i32
    %dma_start3A_345 = tpu.memref_slice %arg3[%add3A_333, %dma_start3A_344] : memref<256x4096xf32, #tpu.memory_space<hbm>> -> memref<1x4096xf32, #tpu.memory_space<hbm>>
    %dma_start3A_346 = tpu.memref_squeeze %dma_start3A_345 : memref<1x4096xf32, #tpu.memory_space<hbm>> -> memref<4096xf32, #tpu.memory_space<hbm>>
    tpu.enqueue_dma source(%dma_start3A_346 : memref<4096xf32, #tpu.memory_space<hbm>>) target(%dma_start3A_343 : memref<4096xf32, #tpu.memory_space<vmem>>) target_semaphore(%arg12 : memref<!tpu.dma_semaphore, #tpu.memory_space<semaphore_mem>>)
    %add3A_347 = arith.constant 7 : i32
    %add3A_348 = arith.addi %mul3A_2, %add3A_347 : i32
    %dma_start3A_349 = arith.constant 7 : i32
    %dma_start3A_350 = arith.constant 0 : i32
    %dma_start3A_351 = tpu.memref_slice %arg9[%dma_start3A_349, %dma_start3A_350] : memref<8x4096xf32, #tpu.memory_space<vmem>> -> memref<1x4096xf32, #tpu.memory_space<vmem>>
    %dma_start3A_352 = tpu.memref_squeeze %dma_start3A_351 : memref<1x4096xf32, #tpu.memory_space<vmem>> -> memref<4096xf32, #tpu.memory_space<vmem>>
    %dma_start3A_353 = arith.constant 0 : i32
    %dma_start3A_354 = tpu.memref_slice %arg4[%add3A_348, %dma_start3A_353] : memref<256x4096xf32, #tpu.memory_space<hbm>> -> memref<1x4096xf32, #tpu.memory_space<hbm>>
    %dma_start3A_355 = tpu.memref_squeeze %dma_start3A_354 : memref<1x4096xf32, #tpu.memory_space<hbm>> -> memref<4096xf32, #tpu.memory_space<hbm>>
    %dma_start3A_356 = arith.constant 0 : i32
    %dma_start3A_357 = tpu.memref_slice %arg9[%dma_start3A_349, %dma_start3A_356] : memref<8x4096xf32, #tpu.memory_space<vmem>> -> memref<1x4096xf32, #tpu.memory_space<vmem>>
    %dma_start3A_358 = tpu.memref_squeeze %dma_start3A_357 : memref<1x4096xf32, #tpu.memory_space<vmem>> -> memref<4096xf32, #tpu.memory_space<vmem>>
    %dma_start3A_359 = arith.constant 0 : i32
    %dma_start3A_360 = tpu.memref_slice %arg4[%add3A_348, %dma_start3A_359] : memref<256x4096xf32, #tpu.memory_space<hbm>> -> memref<1x4096xf32, #tpu.memory_space<hbm>>
    %dma_start3A_361 = tpu.memref_squeeze %dma_start3A_360 : memref<1x4096xf32, #tpu.memory_space<hbm>> -> memref<4096xf32, #tpu.memory_space<hbm>>
    tpu.enqueue_dma source(%dma_start3A_361 : memref<4096xf32, #tpu.memory_space<hbm>>) target(%dma_start3A_358 : memref<4096xf32, #tpu.memory_space<vmem>>) target_semaphore(%arg12 : memref<!tpu.dma_semaphore, #tpu.memory_space<semaphore_mem>>)
    %broadcast_in_dim3A = arith.constant 0.000000e+00 : f32
    %broadcast_in_dim3A_362 = vector.broadcast %broadcast_in_dim3A : f32 to vector<16xf32>
    %parallel_loop3A = arith.constant 0 : i32
    %parallel_loop3A_363 = arith.constant 512 : i32
    %parallel_loop3A_364 = arith.constant 1 : i32
    scf.for %parallel_loop3A_727 = %parallel_loop3A to %parallel_loop3A_363 step %parallel_loop3A_364  : i32 {
      %parallel_loop3A_728 = arith.constant 16 : i32
      %parallel_loop3A_729 = arith.muli %parallel_loop3A_727, %parallel_loop3A_728 : i32
      %parallel_loop3A_730 = tpu.assume_multiple %parallel_loop3A_729, 16 : i32
      %parallel_loop3A_731 = arith.index_cast %parallel_loop3A_730 : i32 to index
      %parallel_loop3A_732 = tpu.vector_load %arg10[%parallel_loop3A_731] {strides = array<i32>} : memref<8192xf32, #tpu.memory_space<vmem>>, vector<16xf32>,
      tpu.vector_store %arg10[%parallel_loop3A_731], %broadcast_in_dim3A_362 {strides = array<i32>} : memref<8192xf32, #tpu.memory_space<vmem>>, vector<16xf32>,
      %parallel_loop3A_733 = arith.index_cast %parallel_loop3A_730 : i32 to index
      %parallel_loop3A_734 = tpu.vector_load %arg11[%parallel_loop3A_733] {strides = array<i32>} : memref<8192xf32, #tpu.memory_space<vmem>>, vector<16xf32>,
      tpu.vector_store %arg11[%parallel_loop3A_733], %broadcast_in_dim3A_362 {strides = array<i32>} : memref<8192xf32, #tpu.memory_space<vmem>>, vector<16xf32>,
    } {sc.loop_unroll_factor = 8 : i64, sc.parallel_access}
    %iota3A = tpu.iota {dimensions = array<i32: 0>} : vector<16xi32>
    %add3A_365 = arith.constant 1 : i32
    %add3A_366 = vector.broadcast %add3A_365 : i32 to vector<16xi32>
    %add3A_367 = arith.addi %iota3A, %add3A_366 : vector<16xi32>
    %min3A = arith.constant 15 : i32
    %min3A_368 = vector.broadcast %min3A : i32 to vector<16xi32>
    %min3A_369 = arith.minsi %add3A_367, %min3A_368 : vector<16xi32>
    %eq3A = arith.constant 15 : i32
    %eq3A_370 = vector.broadcast %eq3A : i32 to vector<16xi32>
    %eq3A_371 = arith.cmpi eq, %iota3A, %eq3A_370 : vector<16xi32>
    %dma_wait3A = arith.constant 0 : i32
    %dma_wait3A_372 = arith.constant 0 : i32
    %dma_wait3A_373 = tpu.memref_slice %arg7[%dma_wait3A, %dma_wait3A_372] : memref<8x4096xi32, #tpu.memory_space<vmem>> -> memref<1x4096xi32, #tpu.memory_space<vmem>>
    %dma_wait3A_374 = tpu.memref_squeeze %dma_wait3A_373 : memref<1x4096xi32, #tpu.memory_space<vmem>> -> memref<4096xi32, #tpu.memory_space<vmem>>
    %dma_wait3A_375 = arith.constant 0 : i32
    %dma_wait3A_376 = tpu.memref_slice %arg2[%add3A_4, %dma_wait3A_375] : memref<256x4096xi32, #tpu.memory_space<hbm>> -> memref<1x4096xi32, #tpu.memory_space<hbm>>
    %dma_wait3A_377 = tpu.memref_squeeze %dma_wait3A_376 : memref<1x4096xi32, #tpu.memory_space<hbm>> -> memref<4096xi32, #tpu.memory_space<hbm>>
    %dma_wait3A_378 = arith.constant 0 : i32
    %dma_wait3A_379 = tpu.memref_slice %arg7[%dma_wait3A, %dma_wait3A_378] : memref<8x4096xi32, #tpu.memory_space<vmem>> -> memref<1x4096xi32, #tpu.memory_space<vmem>>
    %dma_wait3A_380 = tpu.memref_squeeze %dma_wait3A_379 : memref<1x4096xi32, #tpu.memory_space<vmem>> -> memref<4096xi32, #tpu.memory_space<vmem>>
    %dma_wait3A_381 = arith.constant 0 : i32
    %dma_wait3A_382 = tpu.memref_slice %arg2[%add3A_4, %dma_wait3A_381] : memref<256x4096xi32, #tpu.memory_space<hbm>> -> memref<1x4096xi32, #tpu.memory_space<hbm>>
    %dma_wait3A_383 = tpu.memref_squeeze %dma_wait3A_382 : memref<1x4096xi32, #tpu.memory_space<hbm>> -> memref<4096xi32, #tpu.memory_space<hbm>>
    tpu.wait_dma2 semaphore(%arg12 : memref<!tpu.dma_semaphore, #tpu.memory_space<semaphore_mem>>) src(%dma_wait3A_383 : memref<4096xi32, #tpu.memory_space<hbm>>) dst(%dma_wait3A_380 : memref<4096xi32, #tpu.memory_space<vmem>>)
    %dma_wait3A_384 = arith.constant 0 : i32
    %dma_wait3A_385 = arith.constant 0 : i32
    %dma_wait3A_386 = tpu.memref_slice %arg8[%dma_wait3A_384, %dma_wait3A_385] : memref<8x4096xf32, #tpu.memory_space<vmem>> -> memref<1x4096xf32, #tpu.memory_space<vmem>>
    %dma_wait3A_387 = tpu.memref_squeeze %dma_wait3A_386 : memref<1x4096xf32, #tpu.memory_space<vmem>> -> memref<4096xf32, #tpu.memory_space<vmem>>
    %dma_wait3A_388 = arith.constant 0 : i32
    %dma_wait3A_389 = tpu.memref_slice %arg3[%add3A_18, %dma_wait3A_388] : memref<256x4096xf32, #tpu.memory_space<hbm>> -> memref<1x4096xf32, #tpu.memory_space<hbm>>
    %dma_wait3A_390 = tpu.memref_squeeze %dma_wait3A_389 : memref<1x4096xf32, #tpu.memory_space<hbm>> -> memref<4096xf32, #tpu.memory_space<hbm>>
    %dma_wait3A_391 = arith.constant 0 : i32
    %dma_wait3A_392 = tpu.memref_slice %arg8[%dma_wait3A_384, %dma_wait3A_391] : memref<8x4096xf32, #tpu.memory_space<vmem>> -> memref<1x4096xf32, #tpu.memory_space<vmem>>
    %dma_wait3A_393 = tpu.memref_squeeze %dma_wait3A_392 : memref<1x4096xf32, #tpu.memory_space<vmem>> -> memref<4096xf32, #tpu.memory_space<vmem>>
    %dma_wait3A_394 = arith.constant 0 : i32
    %dma_wait3A_395 = tpu.memref_slice %arg3[%add3A_18, %dma_wait3A_394] : memref<256x4096xf32, #tpu.memory_space<hbm>> -> memref<1x4096xf32, #tpu.memory_space<hbm>>
    %dma_wait3A_396 = tpu.memref_squeeze %dma_wait3A_395 : memref<1x4096xf32, #tpu.memory_space<hbm>> -> memref<4096xf32, #tpu.memory_space<hbm>>
    tpu.wait_dma2 semaphore(%arg12 : memref<!tpu.dma_semaphore, #tpu.memory_space<semaphore_mem>>) src(%dma_wait3A_396 : memref<4096xf32, #tpu.memory_space<hbm>>) dst(%dma_wait3A_393 : memref<4096xf32, #tpu.memory_space<vmem>>)
    %dma_wait3A_397 = arith.constant 0 : i32
    %dma_wait3A_398 = arith.constant 0 : i32
    %dma_wait3A_399 = tpu.memref_slice %arg9[%dma_wait3A_397, %dma_wait3A_398] : memref<8x4096xf32, #tpu.memory_space<vmem>> -> memref<1x4096xf32, #tpu.memory_space<vmem>>
    %dma_wait3A_400 = tpu.memref_squeeze %dma_wait3A_399 : memref<1x4096xf32, #tpu.memory_space<vmem>> -> memref<4096xf32, #tpu.memory_space<vmem>>
    %dma_wait3A_401 = arith.constant 0 : i32
    %dma_wait3A_402 = tpu.memref_slice %arg4[%add3A_33, %dma_wait3A_401] : memref<256x4096xf32, #tpu.memory_space<hbm>> -> memref<1x4096xf32, #tpu.memory_space<hbm>>
    %dma_wait3A_403 = tpu.memref_squeeze %dma_wait3A_402 : memref<1x4096xf32, #tpu.memory_space<hbm>> -> memref<4096xf32, #tpu.memory_space<hbm>>
    %dma_wait3A_404 = arith.constant 0 : i32
    %dma_wait3A_405 = tpu.memref_slice %arg9[%dma_wait3A_397, %dma_wait3A_404] : memref<8x4096xf32, #tpu.memory_space<vmem>> -> memref<1x4096xf32, #tpu.memory_space<vmem>>
    %dma_wait3A_406 = tpu.memref_squeeze %dma_wait3A_405 : memref<1x4096xf32, #tpu.memory_space<vmem>> -> memref<4096xf32, #tpu.memory_space<vmem>>
    %dma_wait3A_407 = arith.constant 0 : i32
    %dma_wait3A_408 = tpu.memref_slice %arg4[%add3A_33, %dma_wait3A_407] : memref<256x4096xf32, #tpu.memory_space<hbm>> -> memref<1x4096xf32, #tpu.memory_space<hbm>>
    %dma_wait3A_409 = tpu.memref_squeeze %dma_wait3A_408 : memref<1x4096xf32, #tpu.memory_space<hbm>> -> memref<4096xf32, #tpu.memory_space<hbm>>
    tpu.wait_dma2 semaphore(%arg12 : memref<!tpu.dma_semaphore, #tpu.memory_space<semaphore_mem>>) src(%dma_wait3A_409 : memref<4096xf32, #tpu.memory_space<hbm>>) dst(%dma_wait3A_406 : memref<4096xf32, #tpu.memory_space<vmem>>)
    %parallel_loop3A_410 = arith.constant 0 : i32
    %parallel_loop3A_411 = arith.constant 256 : i32
    %parallel_loop3A_412 = arith.constant 1 : i32
    %parallel_loop3A_413 = arith.constant 0 : i32
    scf.for %parallel_loop3A_727 = %parallel_loop3A_410 to %parallel_loop3A_411 step %parallel_loop3A_412  : i32 {
      %parallel_loop3A_728 = arith.constant 16 : i32
      %parallel_loop3A_729 = arith.muli %parallel_loop3A_727, %parallel_loop3A_728 : i32
      %parallel_loop3A_730 = tpu.assume_multiple %parallel_loop3A_729, 16 : i32
      %parallel_loop3A_731 = arith.constant 0 : i32
      %parallel_loop3A_732 = arith.index_cast %parallel_loop3A_731 : i32 to index
      %parallel_loop3A_733 = arith.index_cast %parallel_loop3A_730 : i32 to index
      %parallel_loop3A_734 = tpu.vector_load %arg7[%parallel_loop3A_732, %parallel_loop3A_733] {strides = array<i32>} : memref<8x4096xi32, #tpu.memory_space<vmem>>, vector<16xi32>,
      %parallel_loop3A_735 = arith.constant 0 : i32
      %parallel_loop3A_736 = arith.index_cast %parallel_loop3A_735 : i32 to index
      %parallel_loop3A_737 = arith.index_cast %parallel_loop3A_730 : i32 to index
      %parallel_loop3A_738 = tpu.vector_load %arg8[%parallel_loop3A_736, %parallel_loop3A_737] {strides = array<i32>} : memref<8x4096xf32, #tpu.memory_space<vmem>>, vector<16xf32>,
      %parallel_loop3A_739 = arith.constant 0 : i32
      %parallel_loop3A_740 = arith.index_cast %parallel_loop3A_739 : i32 to index
      %parallel_loop3A_741 = arith.index_cast %parallel_loop3A_730 : i32 to index
      %parallel_loop3A_742 = tpu.vector_load %arg9[%parallel_loop3A_740, %parallel_loop3A_741] {strides = array<i32>} : memref<8x4096xf32, #tpu.memory_space<vmem>>, vector<16xf32>,
      %parallel_loop3A_743 = vector.shape_cast %min3A_369 : vector<16xi32> to vector<16x1xi32>
      %parallel_loop3A_744 = vector.shape_cast %parallel_loop3A_743 : vector<16x1xi32> to vector<16xi32>
      %parallel_loop3A_745 = tpu.dynamic_gather %parallel_loop3A_734[%parallel_loop3A_744] in [0] : vector<16xi32>, vector<16xi32> -> vector<16xi32>
      %parallel_loop3A_746 = arith.cmpi ne, %parallel_loop3A_734, %parallel_loop3A_745 : vector<16xi32>
      %parallel_loop3A_747 = arith.ori %parallel_loop3A_746, %eq3A_371 : vector<16xi1>
      %parallel_loop3A_748 = arith.constant true
      %parallel_loop3A_749 = vector.broadcast %parallel_loop3A_748 : i1 to vector<16xi1>
      %parallel_loop3A_750 = tpu.scan <sum>, %parallel_loop3A_738 masked %parallel_loop3A_749 : vector<16xf32>, vector<16xi1> -> vector<16xf32>
      %parallel_loop3A_751 = arith.constant true
      %parallel_loop3A_752 = vector.broadcast %parallel_loop3A_751 : i1 to vector<16xi1>
      %parallel_loop3A_753 = tpu.scan <sum>, %parallel_loop3A_742 masked %parallel_loop3A_752 : vector<16xf32>, vector<16xi1> -> vector<16xf32>
      %parallel_loop3A_754 = vector.broadcast %parallel_loop3A_413 : i32 to vector<16xi32>
      %parallel_loop3A_755 = arith.addi %parallel_loop3A_734, %parallel_loop3A_754 : vector<16xi32>
      %parallel_loop3A_756 = vector.broadcast %parallel_loop3A_413 : i32 to vector<16xi32>
      %parallel_loop3A_757 = arith.addi %parallel_loop3A_745, %parallel_loop3A_756 : vector<16xi32>
      tpu.vector_store_idx %arg10[%parallel_loop3A_755], %parallel_loop3A_750 masked %parallel_loop3A_747 {add = true} : memref<8192xf32, #tpu.memory_space<vmem>>[vector<16xi32>], vector<16xf32>, vector<16xi1>
      %parallel_loop3A_758 = arith.constant 0.000000e+00 : f32
      %parallel_loop3A_759 = vector.broadcast %parallel_loop3A_758 : f32 to vector<16xf32>
      %parallel_loop3A_760 = arith.subf %parallel_loop3A_759, %parallel_loop3A_750 : vector<16xf32>
      tpu.vector_store_idx %arg10[%parallel_loop3A_757], %parallel_loop3A_760 masked %parallel_loop3A_746 {add = true} : memref<8192xf32, #tpu.memory_space<vmem>>[vector<16xi32>], vector<16xf32>, vector<16xi1>
      tpu.vector_store_idx %arg11[%parallel_loop3A_755], %parallel_loop3A_753 masked %parallel_loop3A_747 {add = true} : memref<8192xf32, #tpu.memory_space<vmem>>[vector<16xi32>], vector<16xf32>, vector<16xi1>
      %parallel_loop3A_761 = arith.constant 0.000000e+00 : f32
      %parallel_loop3A_762 = vector.broadcast %parallel_loop3A_761 : f32 to vector<16xf32>
      %parallel_loop3A_763 = arith.subf %parallel_loop3A_762, %parallel_loop3A_753 : vector<16xf32>
      tpu.vector_store_idx %arg11[%parallel_loop3A_757], %parallel_loop3A_763 masked %parallel_loop3A_746 {add = true} : memref<8192xf32, #tpu.memory_space<vmem>>[vector<16xi32>], vector<16xf32>, vector<16xi1>
    } {sc.loop_unroll_factor = 8 : i64, sc.parallel_access}
    %dma_wait3A_414 = arith.constant 1 : i32
    %dma_wait3A_415 = arith.constant 0 : i32
    %dma_wait3A_416 = tpu.memref_slice %arg7[%dma_wait3A_414, %dma_wait3A_415] : memref<8x4096xi32, #tpu.memory_space<vmem>> -> memref<1x4096xi32, #tpu.memory_space<vmem>>
    %dma_wait3A_417 = tpu.memref_squeeze %dma_wait3A_416 : memref<1x4096xi32, #tpu.memory_space<vmem>> -> memref<4096xi32, #tpu.memory_space<vmem>>
    %dma_wait3A_418 = arith.constant 0 : i32
    %dma_wait3A_419 = tpu.memref_slice %arg2[%add3A_48, %dma_wait3A_418] : memref<256x4096xi32, #tpu.memory_space<hbm>> -> memref<1x4096xi32, #tpu.memory_space<hbm>>
    %dma_wait3A_420 = tpu.memref_squeeze %dma_wait3A_419 : memref<1x4096xi32, #tpu.memory_space<hbm>> -> memref<4096xi32, #tpu.memory_space<hbm>>
    %dma_wait3A_421 = arith.constant 0 : i32
    %dma_wait3A_422 = tpu.memref_slice %arg7[%dma_wait3A_414, %dma_wait3A_421] : memref<8x4096xi32, #tpu.memory_space<vmem>> -> memref<1x4096xi32, #tpu.memory_space<vmem>>
    %dma_wait3A_423 = tpu.memref_squeeze %dma_wait3A_422 : memref<1x4096xi32, #tpu.memory_space<vmem>> -> memref<4096xi32, #tpu.memory_space<vmem>>
    %dma_wait3A_424 = arith.constant 0 : i32
    %dma_wait3A_425 = tpu.memref_slice %arg2[%add3A_48, %dma_wait3A_424] : memref<256x4096xi32, #tpu.memory_space<hbm>> -> memref<1x4096xi32, #tpu.memory_space<hbm>>
    %dma_wait3A_426 = tpu.memref_squeeze %dma_wait3A_425 : memref<1x4096xi32, #tpu.memory_space<hbm>> -> memref<4096xi32, #tpu.memory_space<hbm>>
    tpu.wait_dma2 semaphore(%arg12 : memref<!tpu.dma_semaphore, #tpu.memory_space<semaphore_mem>>) src(%dma_wait3A_426 : memref<4096xi32, #tpu.memory_space<hbm>>) dst(%dma_wait3A_423 : memref<4096xi32, #tpu.memory_space<vmem>>)
    %dma_wait3A_427 = arith.constant 1 : i32
    %dma_wait3A_428 = arith.constant 0 : i32
    %dma_wait3A_429 = tpu.memref_slice %arg8[%dma_wait3A_427, %dma_wait3A_428] : memref<8x4096xf32, #tpu.memory_space<vmem>> -> memref<1x4096xf32, #tpu.memory_space<vmem>>
    %dma_wait3A_430 = tpu.memref_squeeze %dma_wait3A_429 : memref<1x4096xf32, #tpu.memory_space<vmem>> -> memref<4096xf32, #tpu.memory_space<vmem>>
    %dma_wait3A_431 = arith.constant 0 : i32
    %dma_wait3A_432 = tpu.memref_slice %arg3[%add3A_63, %dma_wait3A_431] : memref<256x4096xf32, #tpu.memory_space<hbm>> -> memref<1x4096xf32, #tpu.memory_space<hbm>>
    %dma_wait3A_433 = tpu.memref_squeeze %dma_wait3A_432 : memref<1x4096xf32, #tpu.memory_space<hbm>> -> memref<4096xf32, #tpu.memory_space<hbm>>
    %dma_wait3A_434 = arith.constant 0 : i32
    %dma_wait3A_435 = tpu.memref_slice %arg8[%dma_wait3A_427, %dma_wait3A_434] : memref<8x4096xf32, #tpu.memory_space<vmem>> -> memref<1x4096xf32, #tpu.memory_space<vmem>>
    %dma_wait3A_436 = tpu.memref_squeeze %dma_wait3A_435 : memref<1x4096xf32, #tpu.memory_space<vmem>> -> memref<4096xf32, #tpu.memory_space<vmem>>
    %dma_wait3A_437 = arith.constant 0 : i32
    %dma_wait3A_438 = tpu.memref_slice %arg3[%add3A_63, %dma_wait3A_437] : memref<256x4096xf32, #tpu.memory_space<hbm>> -> memref<1x4096xf32, #tpu.memory_space<hbm>>
    %dma_wait3A_439 = tpu.memref_squeeze %dma_wait3A_438 : memref<1x4096xf32, #tpu.memory_space<hbm>> -> memref<4096xf32, #tpu.memory_space<hbm>>
    tpu.wait_dma2 semaphore(%arg12 : memref<!tpu.dma_semaphore, #tpu.memory_space<semaphore_mem>>) src(%dma_wait3A_439 : memref<4096xf32, #tpu.memory_space<hbm>>) dst(%dma_wait3A_436 : memref<4096xf32, #tpu.memory_space<vmem>>)
    %dma_wait3A_440 = arith.constant 1 : i32
    %dma_wait3A_441 = arith.constant 0 : i32
    %dma_wait3A_442 = tpu.memref_slice %arg9[%dma_wait3A_440, %dma_wait3A_441] : memref<8x4096xf32, #tpu.memory_space<vmem>> -> memref<1x4096xf32, #tpu.memory_space<vmem>>
    %dma_wait3A_443 = tpu.memref_squeeze %dma_wait3A_442 : memref<1x4096xf32, #tpu.memory_space<vmem>> -> memref<4096xf32, #tpu.memory_space<vmem>>
    %dma_wait3A_444 = arith.constant 0 : i32
    %dma_wait3A_445 = tpu.memref_slice %arg4[%add3A_78, %dma_wait3A_444] : memref<256x4096xf32, #tpu.memory_space<hbm>> -> memref<1x4096xf32, #tpu.memory_space<hbm>>
    %dma_wait3A_446 = tpu.memref_squeeze %dma_wait3A_445 : memref<1x4096xf32, #tpu.memory_space<hbm>> -> memref<4096xf32, #tpu.memory_space<hbm>>
    %dma_wait3A_447 = arith.constant 0 : i32
    %dma_wait3A_448 = tpu.memref_slice %arg9[%dma_wait3A_440, %dma_wait3A_447] : memref<8x4096xf32, #tpu.memory_space<vmem>> -> memref<1x4096xf32, #tpu.memory_space<vmem>>
    %dma_wait3A_449 = tpu.memref_squeeze %dma_wait3A_448 : memref<1x4096xf32, #tpu.memory_space<vmem>> -> memref<4096xf32, #tpu.memory_space<vmem>>
    %dma_wait3A_450 = arith.constant 0 : i32
    %dma_wait3A_451 = tpu.memref_slice %arg4[%add3A_78, %dma_wait3A_450] : memref<256x4096xf32, #tpu.memory_space<hbm>> -> memref<1x4096xf32, #tpu.memory_space<hbm>>
    %dma_wait3A_452 = tpu.memref_squeeze %dma_wait3A_451 : memref<1x4096xf32, #tpu.memory_space<hbm>> -> memref<4096xf32, #tpu.memory_space<hbm>>
    tpu.wait_dma2 semaphore(%arg12 : memref<!tpu.dma_semaphore, #tpu.memory_space<semaphore_mem>>) src(%dma_wait3A_452 : memref<4096xf32, #tpu.memory_space<hbm>>) dst(%dma_wait3A_449 : memref<4096xf32, #tpu.memory_space<vmem>>)
    %parallel_loop3A_453 = arith.constant 0 : i32
    %parallel_loop3A_454 = arith.constant 256 : i32
    %parallel_loop3A_455 = arith.constant 1 : i32
    %parallel_loop3A_456 = arith.constant 1024 : i32
    scf.for %parallel_loop3A_727 = %parallel_loop3A_453 to %parallel_loop3A_454 step %parallel_loop3A_455  : i32 {
      %parallel_loop3A_728 = arith.constant 16 : i32
      %parallel_loop3A_729 = arith.muli %parallel_loop3A_727, %parallel_loop3A_728 : i32
      %parallel_loop3A_730 = tpu.assume_multiple %parallel_loop3A_729, 16 : i32
      %parallel_loop3A_731 = arith.constant 1 : i32
      %parallel_loop3A_732 = arith.index_cast %parallel_loop3A_731 : i32 to index
      %parallel_loop3A_733 = arith.index_cast %parallel_loop3A_730 : i32 to index
      %parallel_loop3A_734 = tpu.vector_load %arg7[%parallel_loop3A_732, %parallel_loop3A_733] {strides = array<i32>} : memref<8x4096xi32, #tpu.memory_space<vmem>>, vector<16xi32>,
      %parallel_loop3A_735 = arith.constant 1 : i32
      %parallel_loop3A_736 = arith.index_cast %parallel_loop3A_735 : i32 to index
      %parallel_loop3A_737 = arith.index_cast %parallel_loop3A_730 : i32 to index
      %parallel_loop3A_738 = tpu.vector_load %arg8[%parallel_loop3A_736, %parallel_loop3A_737] {strides = array<i32>} : memref<8x4096xf32, #tpu.memory_space<vmem>>, vector<16xf32>,
      %parallel_loop3A_739 = arith.constant 1 : i32
      %parallel_loop3A_740 = arith.index_cast %parallel_loop3A_739 : i32 to index
      %parallel_loop3A_741 = arith.index_cast %parallel_loop3A_730 : i32 to index
      %parallel_loop3A_742 = tpu.vector_load %arg9[%parallel_loop3A_740, %parallel_loop3A_741] {strides = array<i32>} : memref<8x4096xf32, #tpu.memory_space<vmem>>, vector<16xf32>,
      %parallel_loop3A_743 = vector.shape_cast %min3A_369 : vector<16xi32> to vector<16x1xi32>
      %parallel_loop3A_744 = vector.shape_cast %parallel_loop3A_743 : vector<16x1xi32> to vector<16xi32>
      %parallel_loop3A_745 = tpu.dynamic_gather %parallel_loop3A_734[%parallel_loop3A_744] in [0] : vector<16xi32>, vector<16xi32> -> vector<16xi32>
      %parallel_loop3A_746 = arith.cmpi ne, %parallel_loop3A_734, %parallel_loop3A_745 : vector<16xi32>
      %parallel_loop3A_747 = arith.ori %parallel_loop3A_746, %eq3A_371 : vector<16xi1>
      %parallel_loop3A_748 = arith.constant true
      %parallel_loop3A_749 = vector.broadcast %parallel_loop3A_748 : i1 to vector<16xi1>
      %parallel_loop3A_750 = tpu.scan <sum>, %parallel_loop3A_738 masked %parallel_loop3A_749 : vector<16xf32>, vector<16xi1> -> vector<16xf32>
      %parallel_loop3A_751 = arith.constant true
      %parallel_loop3A_752 = vector.broadcast %parallel_loop3A_751 : i1 to vector<16xi1>
      %parallel_loop3A_753 = tpu.scan <sum>, %parallel_loop3A_742 masked %parallel_loop3A_752 : vector<16xf32>, vector<16xi1> -> vector<16xf32>
      %parallel_loop3A_754 = vector.broadcast %parallel_loop3A_456 : i32 to vector<16xi32>
      %parallel_loop3A_755 = arith.addi %parallel_loop3A_734, %parallel_loop3A_754 : vector<16xi32>
      %parallel_loop3A_756 = vector.broadcast %parallel_loop3A_456 : i32 to vector<16xi32>
      %parallel_loop3A_757 = arith.addi %parallel_loop3A_745, %parallel_loop3A_756 : vector<16xi32>
      tpu.vector_store_idx %arg10[%parallel_loop3A_755], %parallel_loop3A_750 masked %parallel_loop3A_747 {add = true} : memref<8192xf32, #tpu.memory_space<vmem>>[vector<16xi32>], vector<16xf32>, vector<16xi1>
      %parallel_loop3A_758 = arith.constant 0.000000e+00 : f32
      %parallel_loop3A_759 = vector.broadcast %parallel_loop3A_758 : f32 to vector<16xf32>
      %parallel_loop3A_760 = arith.subf %parallel_loop3A_759, %parallel_loop3A_750 : vector<16xf32>
      tpu.vector_store_idx %arg10[%parallel_loop3A_757], %parallel_loop3A_760 masked %parallel_loop3A_746 {add = true} : memref<8192xf32, #tpu.memory_space<vmem>>[vector<16xi32>], vector<16xf32>, vector<16xi1>
      tpu.vector_store_idx %arg11[%parallel_loop3A_755], %parallel_loop3A_753 masked %parallel_loop3A_747 {add = true} : memref<8192xf32, #tpu.memory_space<vmem>>[vector<16xi32>], vector<16xf32>, vector<16xi1>
      %parallel_loop3A_761 = arith.constant 0.000000e+00 : f32
      %parallel_loop3A_762 = vector.broadcast %parallel_loop3A_761 : f32 to vector<16xf32>
      %parallel_loop3A_763 = arith.subf %parallel_loop3A_762, %parallel_loop3A_753 : vector<16xf32>
      tpu.vector_store_idx %arg11[%parallel_loop3A_757], %parallel_loop3A_763 masked %parallel_loop3A_746 {add = true} : memref<8192xf32, #tpu.memory_space<vmem>>[vector<16xi32>], vector<16xf32>, vector<16xi1>
    } {sc.loop_unroll_factor = 8 : i64, sc.parallel_access}
    %dma_wait3A_457 = arith.constant 2 : i32
    %dma_wait3A_458 = arith.constant 0 : i32
    %dma_wait3A_459 = tpu.memref_slice %arg7[%dma_wait3A_457, %dma_wait3A_458] : memref<8x4096xi32, #tpu.memory_space<vmem>> -> memref<1x4096xi32, #tpu.memory_space<vmem>>
    %dma_wait3A_460 = tpu.memref_squeeze %dma_wait3A_459 : memref<1x4096xi32, #tpu.memory_space<vmem>> -> memref<4096xi32, #tpu.memory_space<vmem>>
    %dma_wait3A_461 = arith.constant 0 : i32
    %dma_wait3A_462 = tpu.memref_slice %arg2[%add3A_93, %dma_wait3A_461] : memref<256x4096xi32, #tpu.memory_space<hbm>> -> memref<1x4096xi32, #tpu.memory_space<hbm>>
    %dma_wait3A_463 = tpu.memref_squeeze %dma_wait3A_462 : memref<1x4096xi32, #tpu.memory_space<hbm>> -> memref<4096xi32, #tpu.memory_space<hbm>>
    %dma_wait3A_464 = arith.constant 0 : i32
    %dma_wait3A_465 = tpu.memref_slice %arg7[%dma_wait3A_457, %dma_wait3A_464] : memref<8x4096xi32, #tpu.memory_space<vmem>> -> memref<1x4096xi32, #tpu.memory_space<vmem>>
    %dma_wait3A_466 = tpu.memref_squeeze %dma_wait3A_465 : memref<1x4096xi32, #tpu.memory_space<vmem>> -> memref<4096xi32, #tpu.memory_space<vmem>>
    %dma_wait3A_467 = arith.constant 0 : i32
    %dma_wait3A_468 = tpu.memref_slice %arg2[%add3A_93, %dma_wait3A_467] : memref<256x4096xi32, #tpu.memory_space<hbm>> -> memref<1x4096xi32, #tpu.memory_space<hbm>>
    %dma_wait3A_469 = tpu.memref_squeeze %dma_wait3A_468 : memref<1x4096xi32, #tpu.memory_space<hbm>> -> memref<4096xi32, #tpu.memory_space<hbm>>
    tpu.wait_dma2 semaphore(%arg12 : memref<!tpu.dma_semaphore, #tpu.memory_space<semaphore_mem>>) src(%dma_wait3A_469 : memref<4096xi32, #tpu.memory_space<hbm>>) dst(%dma_wait3A_466 : memref<4096xi32, #tpu.memory_space<vmem>>)
    %dma_wait3A_470 = arith.constant 2 : i32
    %dma_wait3A_471 = arith.constant 0 : i32
    %dma_wait3A_472 = tpu.memref_slice %arg8[%dma_wait3A_470, %dma_wait3A_471] : memref<8x4096xf32, #tpu.memory_space<vmem>> -> memref<1x4096xf32, #tpu.memory_space<vmem>>
    %dma_wait3A_473 = tpu.memref_squeeze %dma_wait3A_472 : memref<1x4096xf32, #tpu.memory_space<vmem>> -> memref<4096xf32, #tpu.memory_space<vmem>>
    %dma_wait3A_474 = arith.constant 0 : i32
    %dma_wait3A_475 = tpu.memref_slice %arg3[%add3A_108, %dma_wait3A_474] : memref<256x4096xf32, #tpu.memory_space<hbm>> -> memref<1x4096xf32, #tpu.memory_space<hbm>>
    %dma_wait3A_476 = tpu.memref_squeeze %dma_wait3A_475 : memref<1x4096xf32, #tpu.memory_space<hbm>> -> memref<4096xf32, #tpu.memory_space<hbm>>
    %dma_wait3A_477 = arith.constant 0 : i32
    %dma_wait3A_478 = tpu.memref_slice %arg8[%dma_wait3A_470, %dma_wait3A_477] : memref<8x4096xf32, #tpu.memory_space<vmem>> -> memref<1x4096xf32, #tpu.memory_space<vmem>>
    %dma_wait3A_479 = tpu.memref_squeeze %dma_wait3A_478 : memref<1x4096xf32, #tpu.memory_space<vmem>> -> memref<4096xf32, #tpu.memory_space<vmem>>
    %dma_wait3A_480 = arith.constant 0 : i32
    %dma_wait3A_481 = tpu.memref_slice %arg3[%add3A_108, %dma_wait3A_480] : memref<256x4096xf32, #tpu.memory_space<hbm>> -> memref<1x4096xf32, #tpu.memory_space<hbm>>
    %dma_wait3A_482 = tpu.memref_squeeze %dma_wait3A_481 : memref<1x4096xf32, #tpu.memory_space<hbm>> -> memref<4096xf32, #tpu.memory_space<hbm>>
    tpu.wait_dma2 semaphore(%arg12 : memref<!tpu.dma_semaphore, #tpu.memory_space<semaphore_mem>>) src(%dma_wait3A_482 : memref<4096xf32, #tpu.memory_space<hbm>>) dst(%dma_wait3A_479 : memref<4096xf32, #tpu.memory_space<vmem>>)
    %dma_wait3A_483 = arith.constant 2 : i32
    %dma_wait3A_484 = arith.constant 0 : i32
    %dma_wait3A_485 = tpu.memref_slice %arg9[%dma_wait3A_483, %dma_wait3A_484] : memref<8x4096xf32, #tpu.memory_space<vmem>> -> memref<1x4096xf32, #tpu.memory_space<vmem>>
    %dma_wait3A_486 = tpu.memref_squeeze %dma_wait3A_485 : memref<1x4096xf32, #tpu.memory_space<vmem>> -> memref<4096xf32, #tpu.memory_space<vmem>>
    %dma_wait3A_487 = arith.constant 0 : i32
    %dma_wait3A_488 = tpu.memref_slice %arg4[%add3A_123, %dma_wait3A_487] : memref<256x4096xf32, #tpu.memory_space<hbm>> -> memref<1x4096xf32, #tpu.memory_space<hbm>>
    %dma_wait3A_489 = tpu.memref_squeeze %dma_wait3A_488 : memref<1x4096xf32, #tpu.memory_space<hbm>> -> memref<4096xf32, #tpu.memory_space<hbm>>
    %dma_wait3A_490 = arith.constant 0 : i32
    %dma_wait3A_491 = tpu.memref_slice %arg9[%dma_wait3A_483, %dma_wait3A_490] : memref<8x4096xf32, #tpu.memory_space<vmem>> -> memref<1x4096xf32, #tpu.memory_space<vmem>>
    %dma_wait3A_492 = tpu.memref_squeeze %dma_wait3A_491 : memref<1x4096xf32, #tpu.memory_space<vmem>> -> memref<4096xf32, #tpu.memory_space<vmem>>
    %dma_wait3A_493 = arith.constant 0 : i32
    %dma_wait3A_494 = tpu.memref_slice %arg4[%add3A_123, %dma_wait3A_493] : memref<256x4096xf32, #tpu.memory_space<hbm>> -> memref<1x4096xf32, #tpu.memory_space<hbm>>
    %dma_wait3A_495 = tpu.memref_squeeze %dma_wait3A_494 : memref<1x4096xf32, #tpu.memory_space<hbm>> -> memref<4096xf32, #tpu.memory_space<hbm>>
    tpu.wait_dma2 semaphore(%arg12 : memref<!tpu.dma_semaphore, #tpu.memory_space<semaphore_mem>>) src(%dma_wait3A_495 : memref<4096xf32, #tpu.memory_space<hbm>>) dst(%dma_wait3A_492 : memref<4096xf32, #tpu.memory_space<vmem>>)
    %parallel_loop3A_496 = arith.constant 0 : i32
    %parallel_loop3A_497 = arith.constant 256 : i32
    %parallel_loop3A_498 = arith.constant 1 : i32
    %parallel_loop3A_499 = arith.constant 2048 : i32
    scf.for %parallel_loop3A_727 = %parallel_loop3A_496 to %parallel_loop3A_497 step %parallel_loop3A_498  : i32 {
      %parallel_loop3A_728 = arith.constant 16 : i32
      %parallel_loop3A_729 = arith.muli %parallel_loop3A_727, %parallel_loop3A_728 : i32
      %parallel_loop3A_730 = tpu.assume_multiple %parallel_loop3A_729, 16 : i32
      %parallel_loop3A_731 = arith.constant 2 : i32
      %parallel_loop3A_732 = arith.index_cast %parallel_loop3A_731 : i32 to index
      %parallel_loop3A_733 = arith.index_cast %parallel_loop3A_730 : i32 to index
      %parallel_loop3A_734 = tpu.vector_load %arg7[%parallel_loop3A_732, %parallel_loop3A_733] {strides = array<i32>} : memref<8x4096xi32, #tpu.memory_space<vmem>>, vector<16xi32>,
      %parallel_loop3A_735 = arith.constant 2 : i32
      %parallel_loop3A_736 = arith.index_cast %parallel_loop3A_735 : i32 to index
      %parallel_loop3A_737 = arith.index_cast %parallel_loop3A_730 : i32 to index
      %parallel_loop3A_738 = tpu.vector_load %arg8[%parallel_loop3A_736, %parallel_loop3A_737] {strides = array<i32>} : memref<8x4096xf32, #tpu.memory_space<vmem>>, vector<16xf32>,
      %parallel_loop3A_739 = arith.constant 2 : i32
      %parallel_loop3A_740 = arith.index_cast %parallel_loop3A_739 : i32 to index
      %parallel_loop3A_741 = arith.index_cast %parallel_loop3A_730 : i32 to index
      %parallel_loop3A_742 = tpu.vector_load %arg9[%parallel_loop3A_740, %parallel_loop3A_741] {strides = array<i32>} : memref<8x4096xf32, #tpu.memory_space<vmem>>, vector<16xf32>,
      %parallel_loop3A_743 = vector.shape_cast %min3A_369 : vector<16xi32> to vector<16x1xi32>
      %parallel_loop3A_744 = vector.shape_cast %parallel_loop3A_743 : vector<16x1xi32> to vector<16xi32>
      %parallel_loop3A_745 = tpu.dynamic_gather %parallel_loop3A_734[%parallel_loop3A_744] in [0] : vector<16xi32>, vector<16xi32> -> vector<16xi32>
      %parallel_loop3A_746 = arith.cmpi ne, %parallel_loop3A_734, %parallel_loop3A_745 : vector<16xi32>
      %parallel_loop3A_747 = arith.ori %parallel_loop3A_746, %eq3A_371 : vector<16xi1>
      %parallel_loop3A_748 = arith.constant true
      %parallel_loop3A_749 = vector.broadcast %parallel_loop3A_748 : i1 to vector<16xi1>
      %parallel_loop3A_750 = tpu.scan <sum>, %parallel_loop3A_738 masked %parallel_loop3A_749 : vector<16xf32>, vector<16xi1> -> vector<16xf32>
      %parallel_loop3A_751 = arith.constant true
      %parallel_loop3A_752 = vector.broadcast %parallel_loop3A_751 : i1 to vector<16xi1>
      %parallel_loop3A_753 = tpu.scan <sum>, %parallel_loop3A_742 masked %parallel_loop3A_752 : vector<16xf32>, vector<16xi1> -> vector<16xf32>
      %parallel_loop3A_754 = vector.broadcast %parallel_loop3A_499 : i32 to vector<16xi32>
      %parallel_loop3A_755 = arith.addi %parallel_loop3A_734, %parallel_loop3A_754 : vector<16xi32>
      %parallel_loop3A_756 = vector.broadcast %parallel_loop3A_499 : i32 to vector<16xi32>
      %parallel_loop3A_757 = arith.addi %parallel_loop3A_745, %parallel_loop3A_756 : vector<16xi32>
      tpu.vector_store_idx %arg10[%parallel_loop3A_755], %parallel_loop3A_750 masked %parallel_loop3A_747 {add = true} : memref<8192xf32, #tpu.memory_space<vmem>>[vector<16xi32>], vector<16xf32>, vector<16xi1>
      %parallel_loop3A_758 = arith.constant 0.000000e+00 : f32
      %parallel_loop3A_759 = vector.broadcast %parallel_loop3A_758 : f32 to vector<16xf32>
      %parallel_loop3A_760 = arith.subf %parallel_loop3A_759, %parallel_loop3A_750 : vector<16xf32>
      tpu.vector_store_idx %arg10[%parallel_loop3A_757], %parallel_loop3A_760 masked %parallel_loop3A_746 {add = true} : memref<8192xf32, #tpu.memory_space<vmem>>[vector<16xi32>], vector<16xf32>, vector<16xi1>
      tpu.vector_store_idx %arg11[%parallel_loop3A_755], %parallel_loop3A_753 masked %parallel_loop3A_747 {add = true} : memref<8192xf32, #tpu.memory_space<vmem>>[vector<16xi32>], vector<16xf32>, vector<16xi1>
      %parallel_loop3A_761 = arith.constant 0.000000e+00 : f32
      %parallel_loop3A_762 = vector.broadcast %parallel_loop3A_761 : f32 to vector<16xf32>
      %parallel_loop3A_763 = arith.subf %parallel_loop3A_762, %parallel_loop3A_753 : vector<16xf32>
      tpu.vector_store_idx %arg11[%parallel_loop3A_757], %parallel_loop3A_763 masked %parallel_loop3A_746 {add = true} : memref<8192xf32, #tpu.memory_space<vmem>>[vector<16xi32>], vector<16xf32>, vector<16xi1>
    } {sc.loop_unroll_factor = 8 : i64, sc.parallel_access}
    %dma_wait3A_500 = arith.constant 3 : i32
    %dma_wait3A_501 = arith.constant 0 : i32
    %dma_wait3A_502 = tpu.memref_slice %arg7[%dma_wait3A_500, %dma_wait3A_501] : memref<8x4096xi32, #tpu.memory_space<vmem>> -> memref<1x4096xi32, #tpu.memory_space<vmem>>
    %dma_wait3A_503 = tpu.memref_squeeze %dma_wait3A_502 : memref<1x4096xi32, #tpu.memory_space<vmem>> -> memref<4096xi32, #tpu.memory_space<vmem>>
    %dma_wait3A_504 = arith.constant 0 : i32
    %dma_wait3A_505 = tpu.memref_slice %arg2[%add3A_138, %dma_wait3A_504] : memref<256x4096xi32, #tpu.memory_space<hbm>> -> memref<1x4096xi32, #tpu.memory_space<hbm>>
    %dma_wait3A_506 = tpu.memref_squeeze %dma_wait3A_505 : memref<1x4096xi32, #tpu.memory_space<hbm>> -> memref<4096xi32, #tpu.memory_space<hbm>>
    %dma_wait3A_507 = arith.constant 0 : i32
    %dma_wait3A_508 = tpu.memref_slice %arg7[%dma_wait3A_500, %dma_wait3A_507] : memref<8x4096xi32, #tpu.memory_space<vmem>> -> memref<1x4096xi32, #tpu.memory_space<vmem>>
    %dma_wait3A_509 = tpu.memref_squeeze %dma_wait3A_508 : memref<1x4096xi32, #tpu.memory_space<vmem>> -> memref<4096xi32, #tpu.memory_space<vmem>>
    %dma_wait3A_510 = arith.constant 0 : i32
    %dma_wait3A_511 = tpu.memref_slice %arg2[%add3A_138, %dma_wait3A_510] : memref<256x4096xi32, #tpu.memory_space<hbm>> -> memref<1x4096xi32, #tpu.memory_space<hbm>>
    %dma_wait3A_512 = tpu.memref_squeeze %dma_wait3A_511 : memref<1x4096xi32, #tpu.memory_space<hbm>> -> memref<4096xi32, #tpu.memory_space<hbm>>
    tpu.wait_dma2 semaphore(%arg12 : memref<!tpu.dma_semaphore, #tpu.memory_space<semaphore_mem>>) src(%dma_wait3A_512 : memref<4096xi32, #tpu.memory_space<hbm>>) dst(%dma_wait3A_509 : memref<4096xi32, #tpu.memory_space<vmem>>)
    %dma_wait3A_513 = arith.constant 3 : i32
    %dma_wait3A_514 = arith.constant 0 : i32
    %dma_wait3A_515 = tpu.memref_slice %arg8[%dma_wait3A_513, %dma_wait3A_514] : memref<8x4096xf32, #tpu.memory_space<vmem>> -> memref<1x4096xf32, #tpu.memory_space<vmem>>
    %dma_wait3A_516 = tpu.memref_squeeze %dma_wait3A_515 : memref<1x4096xf32, #tpu.memory_space<vmem>> -> memref<4096xf32, #tpu.memory_space<vmem>>
    %dma_wait3A_517 = arith.constant 0 : i32
    %dma_wait3A_518 = tpu.memref_slice %arg3[%add3A_153, %dma_wait3A_517] : memref<256x4096xf32, #tpu.memory_space<hbm>> -> memref<1x4096xf32, #tpu.memory_space<hbm>>
    %dma_wait3A_519 = tpu.memref_squeeze %dma_wait3A_518 : memref<1x4096xf32, #tpu.memory_space<hbm>> -> memref<4096xf32, #tpu.memory_space<hbm>>
    %dma_wait3A_520 = arith.constant 0 : i32
    %dma_wait3A_521 = tpu.memref_slice %arg8[%dma_wait3A_513, %dma_wait3A_520] : memref<8x4096xf32, #tpu.memory_space<vmem>> -> memref<1x4096xf32, #tpu.memory_space<vmem>>
    %dma_wait3A_522 = tpu.memref_squeeze %dma_wait3A_521 : memref<1x4096xf32, #tpu.memory_space<vmem>> -> memref<4096xf32, #tpu.memory_space<vmem>>
    %dma_wait3A_523 = arith.constant 0 : i32
    %dma_wait3A_524 = tpu.memref_slice %arg3[%add3A_153, %dma_wait3A_523] : memref<256x4096xf32, #tpu.memory_space<hbm>> -> memref<1x4096xf32, #tpu.memory_space<hbm>>
    %dma_wait3A_525 = tpu.memref_squeeze %dma_wait3A_524 : memref<1x4096xf32, #tpu.memory_space<hbm>> -> memref<4096xf32, #tpu.memory_space<hbm>>
    tpu.wait_dma2 semaphore(%arg12 : memref<!tpu.dma_semaphore, #tpu.memory_space<semaphore_mem>>) src(%dma_wait3A_525 : memref<4096xf32, #tpu.memory_space<hbm>>) dst(%dma_wait3A_522 : memref<4096xf32, #tpu.memory_space<vmem>>)
    %dma_wait3A_526 = arith.constant 3 : i32
    %dma_wait3A_527 = arith.constant 0 : i32
    %dma_wait3A_528 = tpu.memref_slice %arg9[%dma_wait3A_526, %dma_wait3A_527] : memref<8x4096xf32, #tpu.memory_space<vmem>> -> memref<1x4096xf32, #tpu.memory_space<vmem>>
    %dma_wait3A_529 = tpu.memref_squeeze %dma_wait3A_528 : memref<1x4096xf32, #tpu.memory_space<vmem>> -> memref<4096xf32, #tpu.memory_space<vmem>>
    %dma_wait3A_530 = arith.constant 0 : i32
    %dma_wait3A_531 = tpu.memref_slice %arg4[%add3A_168, %dma_wait3A_530] : memref<256x4096xf32, #tpu.memory_space<hbm>> -> memref<1x4096xf32, #tpu.memory_space<hbm>>
    %dma_wait3A_532 = tpu.memref_squeeze %dma_wait3A_531 : memref<1x4096xf32, #tpu.memory_space<hbm>> -> memref<4096xf32, #tpu.memory_space<hbm>>
    %dma_wait3A_533 = arith.constant 0 : i32
    %dma_wait3A_534 = tpu.memref_slice %arg9[%dma_wait3A_526, %dma_wait3A_533] : memref<8x4096xf32, #tpu.memory_space<vmem>> -> memref<1x4096xf32, #tpu.memory_space<vmem>>
    %dma_wait3A_535 = tpu.memref_squeeze %dma_wait3A_534 : memref<1x4096xf32, #tpu.memory_space<vmem>> -> memref<4096xf32, #tpu.memory_space<vmem>>
    %dma_wait3A_536 = arith.constant 0 : i32
    %dma_wait3A_537 = tpu.memref_slice %arg4[%add3A_168, %dma_wait3A_536] : memref<256x4096xf32, #tpu.memory_space<hbm>> -> memref<1x4096xf32, #tpu.memory_space<hbm>>
    %dma_wait3A_538 = tpu.memref_squeeze %dma_wait3A_537 : memref<1x4096xf32, #tpu.memory_space<hbm>> -> memref<4096xf32, #tpu.memory_space<hbm>>
    tpu.wait_dma2 semaphore(%arg12 : memref<!tpu.dma_semaphore, #tpu.memory_space<semaphore_mem>>) src(%dma_wait3A_538 : memref<4096xf32, #tpu.memory_space<hbm>>) dst(%dma_wait3A_535 : memref<4096xf32, #tpu.memory_space<vmem>>)
    %parallel_loop3A_539 = arith.constant 0 : i32
    %parallel_loop3A_540 = arith.constant 256 : i32
    %parallel_loop3A_541 = arith.constant 1 : i32
    %parallel_loop3A_542 = arith.constant 3072 : i32
    scf.for %parallel_loop3A_727 = %parallel_loop3A_539 to %parallel_loop3A_540 step %parallel_loop3A_541  : i32 {
      %parallel_loop3A_728 = arith.constant 16 : i32
      %parallel_loop3A_729 = arith.muli %parallel_loop3A_727, %parallel_loop3A_728 : i32
      %parallel_loop3A_730 = tpu.assume_multiple %parallel_loop3A_729, 16 : i32
      %parallel_loop3A_731 = arith.constant 3 : i32
      %parallel_loop3A_732 = arith.index_cast %parallel_loop3A_731 : i32 to index
      %parallel_loop3A_733 = arith.index_cast %parallel_loop3A_730 : i32 to index
      %parallel_loop3A_734 = tpu.vector_load %arg7[%parallel_loop3A_732, %parallel_loop3A_733] {strides = array<i32>} : memref<8x4096xi32, #tpu.memory_space<vmem>>, vector<16xi32>,
      %parallel_loop3A_735 = arith.constant 3 : i32
      %parallel_loop3A_736 = arith.index_cast %parallel_loop3A_735 : i32 to index
      %parallel_loop3A_737 = arith.index_cast %parallel_loop3A_730 : i32 to index
      %parallel_loop3A_738 = tpu.vector_load %arg8[%parallel_loop3A_736, %parallel_loop3A_737] {strides = array<i32>} : memref<8x4096xf32, #tpu.memory_space<vmem>>, vector<16xf32>,
      %parallel_loop3A_739 = arith.constant 3 : i32
      %parallel_loop3A_740 = arith.index_cast %parallel_loop3A_739 : i32 to index
      %parallel_loop3A_741 = arith.index_cast %parallel_loop3A_730 : i32 to index
      %parallel_loop3A_742 = tpu.vector_load %arg9[%parallel_loop3A_740, %parallel_loop3A_741] {strides = array<i32>} : memref<8x4096xf32, #tpu.memory_space<vmem>>, vector<16xf32>,
      %parallel_loop3A_743 = vector.shape_cast %min3A_369 : vector<16xi32> to vector<16x1xi32>
      %parallel_loop3A_744 = vector.shape_cast %parallel_loop3A_743 : vector<16x1xi32> to vector<16xi32>
      %parallel_loop3A_745 = tpu.dynamic_gather %parallel_loop3A_734[%parallel_loop3A_744] in [0] : vector<16xi32>, vector<16xi32> -> vector<16xi32>
      %parallel_loop3A_746 = arith.cmpi ne, %parallel_loop3A_734, %parallel_loop3A_745 : vector<16xi32>
      %parallel_loop3A_747 = arith.ori %parallel_loop3A_746, %eq3A_371 : vector<16xi1>
      %parallel_loop3A_748 = arith.constant true
      %parallel_loop3A_749 = vector.broadcast %parallel_loop3A_748 : i1 to vector<16xi1>
      %parallel_loop3A_750 = tpu.scan <sum>, %parallel_loop3A_738 masked %parallel_loop3A_749 : vector<16xf32>, vector<16xi1> -> vector<16xf32>
      %parallel_loop3A_751 = arith.constant true
      %parallel_loop3A_752 = vector.broadcast %parallel_loop3A_751 : i1 to vector<16xi1>
      %parallel_loop3A_753 = tpu.scan <sum>, %parallel_loop3A_742 masked %parallel_loop3A_752 : vector<16xf32>, vector<16xi1> -> vector<16xf32>
      %parallel_loop3A_754 = vector.broadcast %parallel_loop3A_542 : i32 to vector<16xi32>
      %parallel_loop3A_755 = arith.addi %parallel_loop3A_734, %parallel_loop3A_754 : vector<16xi32>
      %parallel_loop3A_756 = vector.broadcast %parallel_loop3A_542 : i32 to vector<16xi32>
      %parallel_loop3A_757 = arith.addi %parallel_loop3A_745, %parallel_loop3A_756 : vector<16xi32>
      tpu.vector_store_idx %arg10[%parallel_loop3A_755], %parallel_loop3A_750 masked %parallel_loop3A_747 {add = true} : memref<8192xf32, #tpu.memory_space<vmem>>[vector<16xi32>], vector<16xf32>, vector<16xi1>
      %parallel_loop3A_758 = arith.constant 0.000000e+00 : f32
      %parallel_loop3A_759 = vector.broadcast %parallel_loop3A_758 : f32 to vector<16xf32>
      %parallel_loop3A_760 = arith.subf %parallel_loop3A_759, %parallel_loop3A_750 : vector<16xf32>
      tpu.vector_store_idx %arg10[%parallel_loop3A_757], %parallel_loop3A_760 masked %parallel_loop3A_746 {add = true} : memref<8192xf32, #tpu.memory_space<vmem>>[vector<16xi32>], vector<16xf32>, vector<16xi1>
      tpu.vector_store_idx %arg11[%parallel_loop3A_755], %parallel_loop3A_753 masked %parallel_loop3A_747 {add = true} : memref<8192xf32, #tpu.memory_space<vmem>>[vector<16xi32>], vector<16xf32>, vector<16xi1>
      %parallel_loop3A_761 = arith.constant 0.000000e+00 : f32
      %parallel_loop3A_762 = vector.broadcast %parallel_loop3A_761 : f32 to vector<16xf32>
      %parallel_loop3A_763 = arith.subf %parallel_loop3A_762, %parallel_loop3A_753 : vector<16xf32>
      tpu.vector_store_idx %arg11[%parallel_loop3A_757], %parallel_loop3A_763 masked %parallel_loop3A_746 {add = true} : memref<8192xf32, #tpu.memory_space<vmem>>[vector<16xi32>], vector<16xf32>, vector<16xi1>
    } {sc.loop_unroll_factor = 8 : i64, sc.parallel_access}
    %dma_wait3A_543 = arith.constant 4 : i32
    %dma_wait3A_544 = arith.constant 0 : i32
    %dma_wait3A_545 = tpu.memref_slice %arg7[%dma_wait3A_543, %dma_wait3A_544] : memref<8x4096xi32, #tpu.memory_space<vmem>> -> memref<1x4096xi32, #tpu.memory_space<vmem>>
    %dma_wait3A_546 = tpu.memref_squeeze %dma_wait3A_545 : memref<1x4096xi32, #tpu.memory_space<vmem>> -> memref<4096xi32, #tpu.memory_space<vmem>>
    %dma_wait3A_547 = arith.constant 0 : i32
    %dma_wait3A_548 = tpu.memref_slice %arg2[%add3A_183, %dma_wait3A_547] : memref<256x4096xi32, #tpu.memory_space<hbm>> -> memref<1x4096xi32, #tpu.memory_space<hbm>>
    %dma_wait3A_549 = tpu.memref_squeeze %dma_wait3A_548 : memref<1x4096xi32, #tpu.memory_space<hbm>> -> memref<4096xi32, #tpu.memory_space<hbm>>
    %dma_wait3A_550 = arith.constant 0 : i32
    %dma_wait3A_551 = tpu.memref_slice %arg7[%dma_wait3A_543, %dma_wait3A_550] : memref<8x4096xi32, #tpu.memory_space<vmem>> -> memref<1x4096xi32, #tpu.memory_space<vmem>>
    %dma_wait3A_552 = tpu.memref_squeeze %dma_wait3A_551 : memref<1x4096xi32, #tpu.memory_space<vmem>> -> memref<4096xi32, #tpu.memory_space<vmem>>
    %dma_wait3A_553 = arith.constant 0 : i32
    %dma_wait3A_554 = tpu.memref_slice %arg2[%add3A_183, %dma_wait3A_553] : memref<256x4096xi32, #tpu.memory_space<hbm>> -> memref<1x4096xi32, #tpu.memory_space<hbm>>
    %dma_wait3A_555 = tpu.memref_squeeze %dma_wait3A_554 : memref<1x4096xi32, #tpu.memory_space<hbm>> -> memref<4096xi32, #tpu.memory_space<hbm>>
    tpu.wait_dma2 semaphore(%arg12 : memref<!tpu.dma_semaphore, #tpu.memory_space<semaphore_mem>>) src(%dma_wait3A_555 : memref<4096xi32, #tpu.memory_space<hbm>>) dst(%dma_wait3A_552 : memref<4096xi32, #tpu.memory_space<vmem>>)
    %dma_wait3A_556 = arith.constant 4 : i32
    %dma_wait3A_557 = arith.constant 0 : i32
    %dma_wait3A_558 = tpu.memref_slice %arg8[%dma_wait3A_556, %dma_wait3A_557] : memref<8x4096xf32, #tpu.memory_space<vmem>> -> memref<1x4096xf32, #tpu.memory_space<vmem>>
    %dma_wait3A_559 = tpu.memref_squeeze %dma_wait3A_558 : memref<1x4096xf32, #tpu.memory_space<vmem>> -> memref<4096xf32, #tpu.memory_space<vmem>>
    %dma_wait3A_560 = arith.constant 0 : i32
    %dma_wait3A_561 = tpu.memref_slice %arg3[%add3A_198, %dma_wait3A_560] : memref<256x4096xf32, #tpu.memory_space<hbm>> -> memref<1x4096xf32, #tpu.memory_space<hbm>>
    %dma_wait3A_562 = tpu.memref_squeeze %dma_wait3A_561 : memref<1x4096xf32, #tpu.memory_space<hbm>> -> memref<4096xf32, #tpu.memory_space<hbm>>
    %dma_wait3A_563 = arith.constant 0 : i32
    %dma_wait3A_564 = tpu.memref_slice %arg8[%dma_wait3A_556, %dma_wait3A_563] : memref<8x4096xf32, #tpu.memory_space<vmem>> -> memref<1x4096xf32, #tpu.memory_space<vmem>>
    %dma_wait3A_565 = tpu.memref_squeeze %dma_wait3A_564 : memref<1x4096xf32, #tpu.memory_space<vmem>> -> memref<4096xf32, #tpu.memory_space<vmem>>
    %dma_wait3A_566 = arith.constant 0 : i32
    %dma_wait3A_567 = tpu.memref_slice %arg3[%add3A_198, %dma_wait3A_566] : memref<256x4096xf32, #tpu.memory_space<hbm>> -> memref<1x4096xf32, #tpu.memory_space<hbm>>
    %dma_wait3A_568 = tpu.memref_squeeze %dma_wait3A_567 : memref<1x4096xf32, #tpu.memory_space<hbm>> -> memref<4096xf32, #tpu.memory_space<hbm>>
    tpu.wait_dma2 semaphore(%arg12 : memref<!tpu.dma_semaphore, #tpu.memory_space<semaphore_mem>>) src(%dma_wait3A_568 : memref<4096xf32, #tpu.memory_space<hbm>>) dst(%dma_wait3A_565 : memref<4096xf32, #tpu.memory_space<vmem>>)
    %dma_wait3A_569 = arith.constant 4 : i32
    %dma_wait3A_570 = arith.constant 0 : i32
    %dma_wait3A_571 = tpu.memref_slice %arg9[%dma_wait3A_569, %dma_wait3A_570] : memref<8x4096xf32, #tpu.memory_space<vmem>> -> memref<1x4096xf32, #tpu.memory_space<vmem>>
    %dma_wait3A_572 = tpu.memref_squeeze %dma_wait3A_571 : memref<1x4096xf32, #tpu.memory_space<vmem>> -> memref<4096xf32, #tpu.memory_space<vmem>>
    %dma_wait3A_573 = arith.constant 0 : i32
    %dma_wait3A_574 = tpu.memref_slice %arg4[%add3A_213, %dma_wait3A_573] : memref<256x4096xf32, #tpu.memory_space<hbm>> -> memref<1x4096xf32, #tpu.memory_space<hbm>>
    %dma_wait3A_575 = tpu.memref_squeeze %dma_wait3A_574 : memref<1x4096xf32, #tpu.memory_space<hbm>> -> memref<4096xf32, #tpu.memory_space<hbm>>
    %dma_wait3A_576 = arith.constant 0 : i32
    %dma_wait3A_577 = tpu.memref_slice %arg9[%dma_wait3A_569, %dma_wait3A_576] : memref<8x4096xf32, #tpu.memory_space<vmem>> -> memref<1x4096xf32, #tpu.memory_space<vmem>>
    %dma_wait3A_578 = tpu.memref_squeeze %dma_wait3A_577 : memref<1x4096xf32, #tpu.memory_space<vmem>> -> memref<4096xf32, #tpu.memory_space<vmem>>
    %dma_wait3A_579 = arith.constant 0 : i32
    %dma_wait3A_580 = tpu.memref_slice %arg4[%add3A_213, %dma_wait3A_579] : memref<256x4096xf32, #tpu.memory_space<hbm>> -> memref<1x4096xf32, #tpu.memory_space<hbm>>
    %dma_wait3A_581 = tpu.memref_squeeze %dma_wait3A_580 : memref<1x4096xf32, #tpu.memory_space<hbm>> -> memref<4096xf32, #tpu.memory_space<hbm>>
    tpu.wait_dma2 semaphore(%arg12 : memref<!tpu.dma_semaphore, #tpu.memory_space<semaphore_mem>>) src(%dma_wait3A_581 : memref<4096xf32, #tpu.memory_space<hbm>>) dst(%dma_wait3A_578 : memref<4096xf32, #tpu.memory_space<vmem>>)
    %parallel_loop3A_582 = arith.constant 0 : i32
    %parallel_loop3A_583 = arith.constant 256 : i32
    %parallel_loop3A_584 = arith.constant 1 : i32
    %parallel_loop3A_585 = arith.constant 4096 : i32
    scf.for %parallel_loop3A_727 = %parallel_loop3A_582 to %parallel_loop3A_583 step %parallel_loop3A_584  : i32 {
      %parallel_loop3A_728 = arith.constant 16 : i32
      %parallel_loop3A_729 = arith.muli %parallel_loop3A_727, %parallel_loop3A_728 : i32
      %parallel_loop3A_730 = tpu.assume_multiple %parallel_loop3A_729, 16 : i32
      %parallel_loop3A_731 = arith.constant 4 : i32
      %parallel_loop3A_732 = arith.index_cast %parallel_loop3A_731 : i32 to index
      %parallel_loop3A_733 = arith.index_cast %parallel_loop3A_730 : i32 to index
      %parallel_loop3A_734 = tpu.vector_load %arg7[%parallel_loop3A_732, %parallel_loop3A_733] {strides = array<i32>} : memref<8x4096xi32, #tpu.memory_space<vmem>>, vector<16xi32>,
      %parallel_loop3A_735 = arith.constant 4 : i32
      %parallel_loop3A_736 = arith.index_cast %parallel_loop3A_735 : i32 to index
      %parallel_loop3A_737 = arith.index_cast %parallel_loop3A_730 : i32 to index
      %parallel_loop3A_738 = tpu.vector_load %arg8[%parallel_loop3A_736, %parallel_loop3A_737] {strides = array<i32>} : memref<8x4096xf32, #tpu.memory_space<vmem>>, vector<16xf32>,
      %parallel_loop3A_739 = arith.constant 4 : i32
      %parallel_loop3A_740 = arith.index_cast %parallel_loop3A_739 : i32 to index
      %parallel_loop3A_741 = arith.index_cast %parallel_loop3A_730 : i32 to index
      %parallel_loop3A_742 = tpu.vector_load %arg9[%parallel_loop3A_740, %parallel_loop3A_741] {strides = array<i32>} : memref<8x4096xf32, #tpu.memory_space<vmem>>, vector<16xf32>,
      %parallel_loop3A_743 = vector.shape_cast %min3A_369 : vector<16xi32> to vector<16x1xi32>
      %parallel_loop3A_744 = vector.shape_cast %parallel_loop3A_743 : vector<16x1xi32> to vector<16xi32>
      %parallel_loop3A_745 = tpu.dynamic_gather %parallel_loop3A_734[%parallel_loop3A_744] in [0] : vector<16xi32>, vector<16xi32> -> vector<16xi32>
      %parallel_loop3A_746 = arith.cmpi ne, %parallel_loop3A_734, %parallel_loop3A_745 : vector<16xi32>
      %parallel_loop3A_747 = arith.ori %parallel_loop3A_746, %eq3A_371 : vector<16xi1>
      %parallel_loop3A_748 = arith.constant true
      %parallel_loop3A_749 = vector.broadcast %parallel_loop3A_748 : i1 to vector<16xi1>
      %parallel_loop3A_750 = tpu.scan <sum>, %parallel_loop3A_738 masked %parallel_loop3A_749 : vector<16xf32>, vector<16xi1> -> vector<16xf32>
      %parallel_loop3A_751 = arith.constant true
      %parallel_loop3A_752 = vector.broadcast %parallel_loop3A_751 : i1 to vector<16xi1>
      %parallel_loop3A_753 = tpu.scan <sum>, %parallel_loop3A_742 masked %parallel_loop3A_752 : vector<16xf32>, vector<16xi1> -> vector<16xf32>
      %parallel_loop3A_754 = vector.broadcast %parallel_loop3A_585 : i32 to vector<16xi32>
      %parallel_loop3A_755 = arith.addi %parallel_loop3A_734, %parallel_loop3A_754 : vector<16xi32>
      %parallel_loop3A_756 = vector.broadcast %parallel_loop3A_585 : i32 to vector<16xi32>
      %parallel_loop3A_757 = arith.addi %parallel_loop3A_745, %parallel_loop3A_756 : vector<16xi32>
      tpu.vector_store_idx %arg10[%parallel_loop3A_755], %parallel_loop3A_750 masked %parallel_loop3A_747 {add = true} : memref<8192xf32, #tpu.memory_space<vmem>>[vector<16xi32>], vector<16xf32>, vector<16xi1>
      %parallel_loop3A_758 = arith.constant 0.000000e+00 : f32
      %parallel_loop3A_759 = vector.broadcast %parallel_loop3A_758 : f32 to vector<16xf32>
      %parallel_loop3A_760 = arith.subf %parallel_loop3A_759, %parallel_loop3A_750 : vector<16xf32>
      tpu.vector_store_idx %arg10[%parallel_loop3A_757], %parallel_loop3A_760 masked %parallel_loop3A_746 {add = true} : memref<8192xf32, #tpu.memory_space<vmem>>[vector<16xi32>], vector<16xf32>, vector<16xi1>
      tpu.vector_store_idx %arg11[%parallel_loop3A_755], %parallel_loop3A_753 masked %parallel_loop3A_747 {add = true} : memref<8192xf32, #tpu.memory_space<vmem>>[vector<16xi32>], vector<16xf32>, vector<16xi1>
      %parallel_loop3A_761 = arith.constant 0.000000e+00 : f32
      %parallel_loop3A_762 = vector.broadcast %parallel_loop3A_761 : f32 to vector<16xf32>
      %parallel_loop3A_763 = arith.subf %parallel_loop3A_762, %parallel_loop3A_753 : vector<16xf32>
      tpu.vector_store_idx %arg11[%parallel_loop3A_757], %parallel_loop3A_763 masked %parallel_loop3A_746 {add = true} : memref<8192xf32, #tpu.memory_space<vmem>>[vector<16xi32>], vector<16xf32>, vector<16xi1>
    } {sc.loop_unroll_factor = 8 : i64, sc.parallel_access}
    %dma_wait3A_586 = arith.constant 5 : i32
    %dma_wait3A_587 = arith.constant 0 : i32
    %dma_wait3A_588 = tpu.memref_slice %arg7[%dma_wait3A_586, %dma_wait3A_587] : memref<8x4096xi32, #tpu.memory_space<vmem>> -> memref<1x4096xi32, #tpu.memory_space<vmem>>
    %dma_wait3A_589 = tpu.memref_squeeze %dma_wait3A_588 : memref<1x4096xi32, #tpu.memory_space<vmem>> -> memref<4096xi32, #tpu.memory_space<vmem>>
    %dma_wait3A_590 = arith.constant 0 : i32
    %dma_wait3A_591 = tpu.memref_slice %arg2[%add3A_228, %dma_wait3A_590] : memref<256x4096xi32, #tpu.memory_space<hbm>> -> memref<1x4096xi32, #tpu.memory_space<hbm>>
    %dma_wait3A_592 = tpu.memref_squeeze %dma_wait3A_591 : memref<1x4096xi32, #tpu.memory_space<hbm>> -> memref<4096xi32, #tpu.memory_space<hbm>>
    %dma_wait3A_593 = arith.constant 0 : i32
    %dma_wait3A_594 = tpu.memref_slice %arg7[%dma_wait3A_586, %dma_wait3A_593] : memref<8x4096xi32, #tpu.memory_space<vmem>> -> memref<1x4096xi32, #tpu.memory_space<vmem>>
    %dma_wait3A_595 = tpu.memref_squeeze %dma_wait3A_594 : memref<1x4096xi32, #tpu.memory_space<vmem>> -> memref<4096xi32, #tpu.memory_space<vmem>>
    %dma_wait3A_596 = arith.constant 0 : i32
    %dma_wait3A_597 = tpu.memref_slice %arg2[%add3A_228, %dma_wait3A_596] : memref<256x4096xi32, #tpu.memory_space<hbm>> -> memref<1x4096xi32, #tpu.memory_space<hbm>>
    %dma_wait3A_598 = tpu.memref_squeeze %dma_wait3A_597 : memref<1x4096xi32, #tpu.memory_space<hbm>> -> memref<4096xi32, #tpu.memory_space<hbm>>
    tpu.wait_dma2 semaphore(%arg12 : memref<!tpu.dma_semaphore, #tpu.memory_space<semaphore_mem>>) src(%dma_wait3A_598 : memref<4096xi32, #tpu.memory_space<hbm>>) dst(%dma_wait3A_595 : memref<4096xi32, #tpu.memory_space<vmem>>)
    %dma_wait3A_599 = arith.constant 5 : i32
    %dma_wait3A_600 = arith.constant 0 : i32
    %dma_wait3A_601 = tpu.memref_slice %arg8[%dma_wait3A_599, %dma_wait3A_600] : memref<8x4096xf32, #tpu.memory_space<vmem>> -> memref<1x4096xf32, #tpu.memory_space<vmem>>
    %dma_wait3A_602 = tpu.memref_squeeze %dma_wait3A_601 : memref<1x4096xf32, #tpu.memory_space<vmem>> -> memref<4096xf32, #tpu.memory_space<vmem>>
    %dma_wait3A_603 = arith.constant 0 : i32
    %dma_wait3A_604 = tpu.memref_slice %arg3[%add3A_243, %dma_wait3A_603] : memref<256x4096xf32, #tpu.memory_space<hbm>> -> memref<1x4096xf32, #tpu.memory_space<hbm>>
    %dma_wait3A_605 = tpu.memref_squeeze %dma_wait3A_604 : memref<1x4096xf32, #tpu.memory_space<hbm>> -> memref<4096xf32, #tpu.memory_space<hbm>>
    %dma_wait3A_606 = arith.constant 0 : i32
    %dma_wait3A_607 = tpu.memref_slice %arg8[%dma_wait3A_599, %dma_wait3A_606] : memref<8x4096xf32, #tpu.memory_space<vmem>> -> memref<1x4096xf32, #tpu.memory_space<vmem>>
    %dma_wait3A_608 = tpu.memref_squeeze %dma_wait3A_607 : memref<1x4096xf32, #tpu.memory_space<vmem>> -> memref<4096xf32, #tpu.memory_space<vmem>>
    %dma_wait3A_609 = arith.constant 0 : i32
    %dma_wait3A_610 = tpu.memref_slice %arg3[%add3A_243, %dma_wait3A_609] : memref<256x4096xf32, #tpu.memory_space<hbm>> -> memref<1x4096xf32, #tpu.memory_space<hbm>>
    %dma_wait3A_611 = tpu.memref_squeeze %dma_wait3A_610 : memref<1x4096xf32, #tpu.memory_space<hbm>> -> memref<4096xf32, #tpu.memory_space<hbm>>
    tpu.wait_dma2 semaphore(%arg12 : memref<!tpu.dma_semaphore, #tpu.memory_space<semaphore_mem>>) src(%dma_wait3A_611 : memref<4096xf32, #tpu.memory_space<hbm>>) dst(%dma_wait3A_608 : memref<4096xf32, #tpu.memory_space<vmem>>)
    %dma_wait3A_612 = arith.constant 5 : i32
    %dma_wait3A_613 = arith.constant 0 : i32
    %dma_wait3A_614 = tpu.memref_slice %arg9[%dma_wait3A_612, %dma_wait3A_613] : memref<8x4096xf32, #tpu.memory_space<vmem>> -> memref<1x4096xf32, #tpu.memory_space<vmem>>
    %dma_wait3A_615 = tpu.memref_squeeze %dma_wait3A_614 : memref<1x4096xf32, #tpu.memory_space<vmem>> -> memref<4096xf32, #tpu.memory_space<vmem>>
    %dma_wait3A_616 = arith.constant 0 : i32
    %dma_wait3A_617 = tpu.memref_slice %arg4[%add3A_258, %dma_wait3A_616] : memref<256x4096xf32, #tpu.memory_space<hbm>> -> memref<1x4096xf32, #tpu.memory_space<hbm>>
    %dma_wait3A_618 = tpu.memref_squeeze %dma_wait3A_617 : memref<1x4096xf32, #tpu.memory_space<hbm>> -> memref<4096xf32, #tpu.memory_space<hbm>>
    %dma_wait3A_619 = arith.constant 0 : i32
    %dma_wait3A_620 = tpu.memref_slice %arg9[%dma_wait3A_612, %dma_wait3A_619] : memref<8x4096xf32, #tpu.memory_space<vmem>> -> memref<1x4096xf32, #tpu.memory_space<vmem>>
    %dma_wait3A_621 = tpu.memref_squeeze %dma_wait3A_620 : memref<1x4096xf32, #tpu.memory_space<vmem>> -> memref<4096xf32, #tpu.memory_space<vmem>>
    %dma_wait3A_622 = arith.constant 0 : i32
    %dma_wait3A_623 = tpu.memref_slice %arg4[%add3A_258, %dma_wait3A_622] : memref<256x4096xf32, #tpu.memory_space<hbm>> -> memref<1x4096xf32, #tpu.memory_space<hbm>>
    %dma_wait3A_624 = tpu.memref_squeeze %dma_wait3A_623 : memref<1x4096xf32, #tpu.memory_space<hbm>> -> memref<4096xf32, #tpu.memory_space<hbm>>
    tpu.wait_dma2 semaphore(%arg12 : memref<!tpu.dma_semaphore, #tpu.memory_space<semaphore_mem>>) src(%dma_wait3A_624 : memref<4096xf32, #tpu.memory_space<hbm>>) dst(%dma_wait3A_621 : memref<4096xf32, #tpu.memory_space<vmem>>)
    %parallel_loop3A_625 = arith.constant 0 : i32
    %parallel_loop3A_626 = arith.constant 256 : i32
    %parallel_loop3A_627 = arith.constant 1 : i32
    %parallel_loop3A_628 = arith.constant 5120 : i32
    scf.for %parallel_loop3A_727 = %parallel_loop3A_625 to %parallel_loop3A_626 step %parallel_loop3A_627  : i32 {
      %parallel_loop3A_728 = arith.constant 16 : i32
      %parallel_loop3A_729 = arith.muli %parallel_loop3A_727, %parallel_loop3A_728 : i32
      %parallel_loop3A_730 = tpu.assume_multiple %parallel_loop3A_729, 16 : i32
      %parallel_loop3A_731 = arith.constant 5 : i32
      %parallel_loop3A_732 = arith.index_cast %parallel_loop3A_731 : i32 to index
      %parallel_loop3A_733 = arith.index_cast %parallel_loop3A_730 : i32 to index
      %parallel_loop3A_734 = tpu.vector_load %arg7[%parallel_loop3A_732, %parallel_loop3A_733] {strides = array<i32>} : memref<8x4096xi32, #tpu.memory_space<vmem>>, vector<16xi32>,
      %parallel_loop3A_735 = arith.constant 5 : i32
      %parallel_loop3A_736 = arith.index_cast %parallel_loop3A_735 : i32 to index
      %parallel_loop3A_737 = arith.index_cast %parallel_loop3A_730 : i32 to index
      %parallel_loop3A_738 = tpu.vector_load %arg8[%parallel_loop3A_736, %parallel_loop3A_737] {strides = array<i32>} : memref<8x4096xf32, #tpu.memory_space<vmem>>, vector<16xf32>,
      %parallel_loop3A_739 = arith.constant 5 : i32
      %parallel_loop3A_740 = arith.index_cast %parallel_loop3A_739 : i32 to index
      %parallel_loop3A_741 = arith.index_cast %parallel_loop3A_730 : i32 to index
      %parallel_loop3A_742 = tpu.vector_load %arg9[%parallel_loop3A_740, %parallel_loop3A_741] {strides = array<i32>} : memref<8x4096xf32, #tpu.memory_space<vmem>>, vector<16xf32>,
      %parallel_loop3A_743 = vector.shape_cast %min3A_369 : vector<16xi32> to vector<16x1xi32>
      %parallel_loop3A_744 = vector.shape_cast %parallel_loop3A_743 : vector<16x1xi32> to vector<16xi32>
      %parallel_loop3A_745 = tpu.dynamic_gather %parallel_loop3A_734[%parallel_loop3A_744] in [0] : vector<16xi32>, vector<16xi32> -> vector<16xi32>
      %parallel_loop3A_746 = arith.cmpi ne, %parallel_loop3A_734, %parallel_loop3A_745 : vector<16xi32>
      %parallel_loop3A_747 = arith.ori %parallel_loop3A_746, %eq3A_371 : vector<16xi1>
      %parallel_loop3A_748 = arith.constant true
      %parallel_loop3A_749 = vector.broadcast %parallel_loop3A_748 : i1 to vector<16xi1>
      %parallel_loop3A_750 = tpu.scan <sum>, %parallel_loop3A_738 masked %parallel_loop3A_749 : vector<16xf32>, vector<16xi1> -> vector<16xf32>
      %parallel_loop3A_751 = arith.constant true
      %parallel_loop3A_752 = vector.broadcast %parallel_loop3A_751 : i1 to vector<16xi1>
      %parallel_loop3A_753 = tpu.scan <sum>, %parallel_loop3A_742 masked %parallel_loop3A_752 : vector<16xf32>, vector<16xi1> -> vector<16xf32>
      %parallel_loop3A_754 = vector.broadcast %parallel_loop3A_628 : i32 to vector<16xi32>
      %parallel_loop3A_755 = arith.addi %parallel_loop3A_734, %parallel_loop3A_754 : vector<16xi32>
      %parallel_loop3A_756 = vector.broadcast %parallel_loop3A_628 : i32 to vector<16xi32>
      %parallel_loop3A_757 = arith.addi %parallel_loop3A_745, %parallel_loop3A_756 : vector<16xi32>
      tpu.vector_store_idx %arg10[%parallel_loop3A_755], %parallel_loop3A_750 masked %parallel_loop3A_747 {add = true} : memref<8192xf32, #tpu.memory_space<vmem>>[vector<16xi32>], vector<16xf32>, vector<16xi1>
      %parallel_loop3A_758 = arith.constant 0.000000e+00 : f32
      %parallel_loop3A_759 = vector.broadcast %parallel_loop3A_758 : f32 to vector<16xf32>
      %parallel_loop3A_760 = arith.subf %parallel_loop3A_759, %parallel_loop3A_750 : vector<16xf32>
      tpu.vector_store_idx %arg10[%parallel_loop3A_757], %parallel_loop3A_760 masked %parallel_loop3A_746 {add = true} : memref<8192xf32, #tpu.memory_space<vmem>>[vector<16xi32>], vector<16xf32>, vector<16xi1>
      tpu.vector_store_idx %arg11[%parallel_loop3A_755], %parallel_loop3A_753 masked %parallel_loop3A_747 {add = true} : memref<8192xf32, #tpu.memory_space<vmem>>[vector<16xi32>], vector<16xf32>, vector<16xi1>
      %parallel_loop3A_761 = arith.constant 0.000000e+00 : f32
      %parallel_loop3A_762 = vector.broadcast %parallel_loop3A_761 : f32 to vector<16xf32>
      %parallel_loop3A_763 = arith.subf %parallel_loop3A_762, %parallel_loop3A_753 : vector<16xf32>
      tpu.vector_store_idx %arg11[%parallel_loop3A_757], %parallel_loop3A_763 masked %parallel_loop3A_746 {add = true} : memref<8192xf32, #tpu.memory_space<vmem>>[vector<16xi32>], vector<16xf32>, vector<16xi1>
    } {sc.loop_unroll_factor = 8 : i64, sc.parallel_access}
    %dma_wait3A_629 = arith.constant 6 : i32
    %dma_wait3A_630 = arith.constant 0 : i32
    %dma_wait3A_631 = tpu.memref_slice %arg7[%dma_wait3A_629, %dma_wait3A_630] : memref<8x4096xi32, #tpu.memory_space<vmem>> -> memref<1x4096xi32, #tpu.memory_space<vmem>>
    %dma_wait3A_632 = tpu.memref_squeeze %dma_wait3A_631 : memref<1x4096xi32, #tpu.memory_space<vmem>> -> memref<4096xi32, #tpu.memory_space<vmem>>
    %dma_wait3A_633 = arith.constant 0 : i32
    %dma_wait3A_634 = tpu.memref_slice %arg2[%add3A_273, %dma_wait3A_633] : memref<256x4096xi32, #tpu.memory_space<hbm>> -> memref<1x4096xi32, #tpu.memory_space<hbm>>
    %dma_wait3A_635 = tpu.memref_squeeze %dma_wait3A_634 : memref<1x4096xi32, #tpu.memory_space<hbm>> -> memref<4096xi32, #tpu.memory_space<hbm>>
    %dma_wait3A_636 = arith.constant 0 : i32
    %dma_wait3A_637 = tpu.memref_slice %arg7[%dma_wait3A_629, %dma_wait3A_636] : memref<8x4096xi32, #tpu.memory_space<vmem>> -> memref<1x4096xi32, #tpu.memory_space<vmem>>
    %dma_wait3A_638 = tpu.memref_squeeze %dma_wait3A_637 : memref<1x4096xi32, #tpu.memory_space<vmem>> -> memref<4096xi32, #tpu.memory_space<vmem>>
    %dma_wait3A_639 = arith.constant 0 : i32
    %dma_wait3A_640 = tpu.memref_slice %arg2[%add3A_273, %dma_wait3A_639] : memref<256x4096xi32, #tpu.memory_space<hbm>> -> memref<1x4096xi32, #tpu.memory_space<hbm>>
    %dma_wait3A_641 = tpu.memref_squeeze %dma_wait3A_640 : memref<1x4096xi32, #tpu.memory_space<hbm>> -> memref<4096xi32, #tpu.memory_space<hbm>>
    tpu.wait_dma2 semaphore(%arg12 : memref<!tpu.dma_semaphore, #tpu.memory_space<semaphore_mem>>) src(%dma_wait3A_641 : memref<4096xi32, #tpu.memory_space<hbm>>) dst(%dma_wait3A_638 : memref<4096xi32, #tpu.memory_space<vmem>>)
    %dma_wait3A_642 = arith.constant 6 : i32
    %dma_wait3A_643 = arith.constant 0 : i32
    %dma_wait3A_644 = tpu.memref_slice %arg8[%dma_wait3A_642, %dma_wait3A_643] : memref<8x4096xf32, #tpu.memory_space<vmem>> -> memref<1x4096xf32, #tpu.memory_space<vmem>>
    %dma_wait3A_645 = tpu.memref_squeeze %dma_wait3A_644 : memref<1x4096xf32, #tpu.memory_space<vmem>> -> memref<4096xf32, #tpu.memory_space<vmem>>
    %dma_wait3A_646 = arith.constant 0 : i32
    %dma_wait3A_647 = tpu.memref_slice %arg3[%add3A_288, %dma_wait3A_646] : memref<256x4096xf32, #tpu.memory_space<hbm>> -> memref<1x4096xf32, #tpu.memory_space<hbm>>
    %dma_wait3A_648 = tpu.memref_squeeze %dma_wait3A_647 : memref<1x4096xf32, #tpu.memory_space<hbm>> -> memref<4096xf32, #tpu.memory_space<hbm>>
    %dma_wait3A_649 = arith.constant 0 : i32
    %dma_wait3A_650 = tpu.memref_slice %arg8[%dma_wait3A_642, %dma_wait3A_649] : memref<8x4096xf32, #tpu.memory_space<vmem>> -> memref<1x4096xf32, #tpu.memory_space<vmem>>
    %dma_wait3A_651 = tpu.memref_squeeze %dma_wait3A_650 : memref<1x4096xf32, #tpu.memory_space<vmem>> -> memref<4096xf32, #tpu.memory_space<vmem>>
    %dma_wait3A_652 = arith.constant 0 : i32
    %dma_wait3A_653 = tpu.memref_slice %arg3[%add3A_288, %dma_wait3A_652] : memref<256x4096xf32, #tpu.memory_space<hbm>> -> memref<1x4096xf32, #tpu.memory_space<hbm>>
    %dma_wait3A_654 = tpu.memref_squeeze %dma_wait3A_653 : memref<1x4096xf32, #tpu.memory_space<hbm>> -> memref<4096xf32, #tpu.memory_space<hbm>>
    tpu.wait_dma2 semaphore(%arg12 : memref<!tpu.dma_semaphore, #tpu.memory_space<semaphore_mem>>) src(%dma_wait3A_654 : memref<4096xf32, #tpu.memory_space<hbm>>) dst(%dma_wait3A_651 : memref<4096xf32, #tpu.memory_space<vmem>>)
    %dma_wait3A_655 = arith.constant 6 : i32
    %dma_wait3A_656 = arith.constant 0 : i32
    %dma_wait3A_657 = tpu.memref_slice %arg9[%dma_wait3A_655, %dma_wait3A_656] : memref<8x4096xf32, #tpu.memory_space<vmem>> -> memref<1x4096xf32, #tpu.memory_space<vmem>>
    %dma_wait3A_658 = tpu.memref_squeeze %dma_wait3A_657 : memref<1x4096xf32, #tpu.memory_space<vmem>> -> memref<4096xf32, #tpu.memory_space<vmem>>
    %dma_wait3A_659 = arith.constant 0 : i32
    %dma_wait3A_660 = tpu.memref_slice %arg4[%add3A_303, %dma_wait3A_659] : memref<256x4096xf32, #tpu.memory_space<hbm>> -> memref<1x4096xf32, #tpu.memory_space<hbm>>
    %dma_wait3A_661 = tpu.memref_squeeze %dma_wait3A_660 : memref<1x4096xf32, #tpu.memory_space<hbm>> -> memref<4096xf32, #tpu.memory_space<hbm>>
    %dma_wait3A_662 = arith.constant 0 : i32
    %dma_wait3A_663 = tpu.memref_slice %arg9[%dma_wait3A_655, %dma_wait3A_662] : memref<8x4096xf32, #tpu.memory_space<vmem>> -> memref<1x4096xf32, #tpu.memory_space<vmem>>
    %dma_wait3A_664 = tpu.memref_squeeze %dma_wait3A_663 : memref<1x4096xf32, #tpu.memory_space<vmem>> -> memref<4096xf32, #tpu.memory_space<vmem>>
    %dma_wait3A_665 = arith.constant 0 : i32
    %dma_wait3A_666 = tpu.memref_slice %arg4[%add3A_303, %dma_wait3A_665] : memref<256x4096xf32, #tpu.memory_space<hbm>> -> memref<1x4096xf32, #tpu.memory_space<hbm>>
    %dma_wait3A_667 = tpu.memref_squeeze %dma_wait3A_666 : memref<1x4096xf32, #tpu.memory_space<hbm>> -> memref<4096xf32, #tpu.memory_space<hbm>>
    tpu.wait_dma2 semaphore(%arg12 : memref<!tpu.dma_semaphore, #tpu.memory_space<semaphore_mem>>) src(%dma_wait3A_667 : memref<4096xf32, #tpu.memory_space<hbm>>) dst(%dma_wait3A_664 : memref<4096xf32, #tpu.memory_space<vmem>>)
    %parallel_loop3A_668 = arith.constant 0 : i32
    %parallel_loop3A_669 = arith.constant 256 : i32
    %parallel_loop3A_670 = arith.constant 1 : i32
    %parallel_loop3A_671 = arith.constant 6144 : i32
    scf.for %parallel_loop3A_727 = %parallel_loop3A_668 to %parallel_loop3A_669 step %parallel_loop3A_670  : i32 {
      %parallel_loop3A_728 = arith.constant 16 : i32
      %parallel_loop3A_729 = arith.muli %parallel_loop3A_727, %parallel_loop3A_728 : i32
      %parallel_loop3A_730 = tpu.assume_multiple %parallel_loop3A_729, 16 : i32
      %parallel_loop3A_731 = arith.constant 6 : i32
      %parallel_loop3A_732 = arith.index_cast %parallel_loop3A_731 : i32 to index
      %parallel_loop3A_733 = arith.index_cast %parallel_loop3A_730 : i32 to index
      %parallel_loop3A_734 = tpu.vector_load %arg7[%parallel_loop3A_732, %parallel_loop3A_733] {strides = array<i32>} : memref<8x4096xi32, #tpu.memory_space<vmem>>, vector<16xi32>,
      %parallel_loop3A_735 = arith.constant 6 : i32
      %parallel_loop3A_736 = arith.index_cast %parallel_loop3A_735 : i32 to index
      %parallel_loop3A_737 = arith.index_cast %parallel_loop3A_730 : i32 to index
      %parallel_loop3A_738 = tpu.vector_load %arg8[%parallel_loop3A_736, %parallel_loop3A_737] {strides = array<i32>} : memref<8x4096xf32, #tpu.memory_space<vmem>>, vector<16xf32>,
      %parallel_loop3A_739 = arith.constant 6 : i32
      %parallel_loop3A_740 = arith.index_cast %parallel_loop3A_739 : i32 to index
      %parallel_loop3A_741 = arith.index_cast %parallel_loop3A_730 : i32 to index
      %parallel_loop3A_742 = tpu.vector_load %arg9[%parallel_loop3A_740, %parallel_loop3A_741] {strides = array<i32>} : memref<8x4096xf32, #tpu.memory_space<vmem>>, vector<16xf32>,
      %parallel_loop3A_743 = vector.shape_cast %min3A_369 : vector<16xi32> to vector<16x1xi32>
      %parallel_loop3A_744 = vector.shape_cast %parallel_loop3A_743 : vector<16x1xi32> to vector<16xi32>
      %parallel_loop3A_745 = tpu.dynamic_gather %parallel_loop3A_734[%parallel_loop3A_744] in [0] : vector<16xi32>, vector<16xi32> -> vector<16xi32>
      %parallel_loop3A_746 = arith.cmpi ne, %parallel_loop3A_734, %parallel_loop3A_745 : vector<16xi32>
      %parallel_loop3A_747 = arith.ori %parallel_loop3A_746, %eq3A_371 : vector<16xi1>
      %parallel_loop3A_748 = arith.constant true
      %parallel_loop3A_749 = vector.broadcast %parallel_loop3A_748 : i1 to vector<16xi1>
      %parallel_loop3A_750 = tpu.scan <sum>, %parallel_loop3A_738 masked %parallel_loop3A_749 : vector<16xf32>, vector<16xi1> -> vector<16xf32>
      %parallel_loop3A_751 = arith.constant true
      %parallel_loop3A_752 = vector.broadcast %parallel_loop3A_751 : i1 to vector<16xi1>
      %parallel_loop3A_753 = tpu.scan <sum>, %parallel_loop3A_742 masked %parallel_loop3A_752 : vector<16xf32>, vector<16xi1> -> vector<16xf32>
      %parallel_loop3A_754 = vector.broadcast %parallel_loop3A_671 : i32 to vector<16xi32>
      %parallel_loop3A_755 = arith.addi %parallel_loop3A_734, %parallel_loop3A_754 : vector<16xi32>
      %parallel_loop3A_756 = vector.broadcast %parallel_loop3A_671 : i32 to vector<16xi32>
      %parallel_loop3A_757 = arith.addi %parallel_loop3A_745, %parallel_loop3A_756 : vector<16xi32>
      tpu.vector_store_idx %arg10[%parallel_loop3A_755], %parallel_loop3A_750 masked %parallel_loop3A_747 {add = true} : memref<8192xf32, #tpu.memory_space<vmem>>[vector<16xi32>], vector<16xf32>, vector<16xi1>
      %parallel_loop3A_758 = arith.constant 0.000000e+00 : f32
      %parallel_loop3A_759 = vector.broadcast %parallel_loop3A_758 : f32 to vector<16xf32>
      %parallel_loop3A_760 = arith.subf %parallel_loop3A_759, %parallel_loop3A_750 : vector<16xf32>
      tpu.vector_store_idx %arg10[%parallel_loop3A_757], %parallel_loop3A_760 masked %parallel_loop3A_746 {add = true} : memref<8192xf32, #tpu.memory_space<vmem>>[vector<16xi32>], vector<16xf32>, vector<16xi1>
      tpu.vector_store_idx %arg11[%parallel_loop3A_755], %parallel_loop3A_753 masked %parallel_loop3A_747 {add = true} : memref<8192xf32, #tpu.memory_space<vmem>>[vector<16xi32>], vector<16xf32>, vector<16xi1>
      %parallel_loop3A_761 = arith.constant 0.000000e+00 : f32
      %parallel_loop3A_762 = vector.broadcast %parallel_loop3A_761 : f32 to vector<16xf32>
      %parallel_loop3A_763 = arith.subf %parallel_loop3A_762, %parallel_loop3A_753 : vector<16xf32>
      tpu.vector_store_idx %arg11[%parallel_loop3A_757], %parallel_loop3A_763 masked %parallel_loop3A_746 {add = true} : memref<8192xf32, #tpu.memory_space<vmem>>[vector<16xi32>], vector<16xf32>, vector<16xi1>
    } {sc.loop_unroll_factor = 8 : i64, sc.parallel_access}
    %dma_wait3A_672 = arith.constant 7 : i32
    %dma_wait3A_673 = arith.constant 0 : i32
    %dma_wait3A_674 = tpu.memref_slice %arg7[%dma_wait3A_672, %dma_wait3A_673] : memref<8x4096xi32, #tpu.memory_space<vmem>> -> memref<1x4096xi32, #tpu.memory_space<vmem>>
    %dma_wait3A_675 = tpu.memref_squeeze %dma_wait3A_674 : memref<1x4096xi32, #tpu.memory_space<vmem>> -> memref<4096xi32, #tpu.memory_space<vmem>>
    %dma_wait3A_676 = arith.constant 0 : i32
    %dma_wait3A_677 = tpu.memref_slice %arg2[%add3A_318, %dma_wait3A_676] : memref<256x4096xi32, #tpu.memory_space<hbm>> -> memref<1x4096xi32, #tpu.memory_space<hbm>>
    %dma_wait3A_678 = tpu.memref_squeeze %dma_wait3A_677 : memref<1x4096xi32, #tpu.memory_space<hbm>> -> memref<4096xi32, #tpu.memory_space<hbm>>
    %dma_wait3A_679 = arith.constant 0 : i32
    %dma_wait3A_680 = tpu.memref_slice %arg7[%dma_wait3A_672, %dma_wait3A_679] : memref<8x4096xi32, #tpu.memory_space<vmem>> -> memref<1x4096xi32, #tpu.memory_space<vmem>>
    %dma_wait3A_681 = tpu.memref_squeeze %dma_wait3A_680 : memref<1x4096xi32, #tpu.memory_space<vmem>> -> memref<4096xi32, #tpu.memory_space<vmem>>
    %dma_wait3A_682 = arith.constant 0 : i32
    %dma_wait3A_683 = tpu.memref_slice %arg2[%add3A_318, %dma_wait3A_682] : memref<256x4096xi32, #tpu.memory_space<hbm>> -> memref<1x4096xi32, #tpu.memory_space<hbm>>
    %dma_wait3A_684 = tpu.memref_squeeze %dma_wait3A_683 : memref<1x4096xi32, #tpu.memory_space<hbm>> -> memref<4096xi32, #tpu.memory_space<hbm>>
    tpu.wait_dma2 semaphore(%arg12 : memref<!tpu.dma_semaphore, #tpu.memory_space<semaphore_mem>>) src(%dma_wait3A_684 : memref<4096xi32, #tpu.memory_space<hbm>>) dst(%dma_wait3A_681 : memref<4096xi32, #tpu.memory_space<vmem>>)
    %dma_wait3A_685 = arith.constant 7 : i32
    %dma_wait3A_686 = arith.constant 0 : i32
    %dma_wait3A_687 = tpu.memref_slice %arg8[%dma_wait3A_685, %dma_wait3A_686] : memref<8x4096xf32, #tpu.memory_space<vmem>> -> memref<1x4096xf32, #tpu.memory_space<vmem>>
    %dma_wait3A_688 = tpu.memref_squeeze %dma_wait3A_687 : memref<1x4096xf32, #tpu.memory_space<vmem>> -> memref<4096xf32, #tpu.memory_space<vmem>>
    %dma_wait3A_689 = arith.constant 0 : i32
    %dma_wait3A_690 = tpu.memref_slice %arg3[%add3A_333, %dma_wait3A_689] : memref<256x4096xf32, #tpu.memory_space<hbm>> -> memref<1x4096xf32, #tpu.memory_space<hbm>>
    %dma_wait3A_691 = tpu.memref_squeeze %dma_wait3A_690 : memref<1x4096xf32, #tpu.memory_space<hbm>> -> memref<4096xf32, #tpu.memory_space<hbm>>
    %dma_wait3A_692 = arith.constant 0 : i32
    %dma_wait3A_693 = tpu.memref_slice %arg8[%dma_wait3A_685, %dma_wait3A_692] : memref<8x4096xf32, #tpu.memory_space<vmem>> -> memref<1x4096xf32, #tpu.memory_space<vmem>>
    %dma_wait3A_694 = tpu.memref_squeeze %dma_wait3A_693 : memref<1x4096xf32, #tpu.memory_space<vmem>> -> memref<4096xf32, #tpu.memory_space<vmem>>
    %dma_wait3A_695 = arith.constant 0 : i32
    %dma_wait3A_696 = tpu.memref_slice %arg3[%add3A_333, %dma_wait3A_695] : memref<256x4096xf32, #tpu.memory_space<hbm>> -> memref<1x4096xf32, #tpu.memory_space<hbm>>
    %dma_wait3A_697 = tpu.memref_squeeze %dma_wait3A_696 : memref<1x4096xf32, #tpu.memory_space<hbm>> -> memref<4096xf32, #tpu.memory_space<hbm>>
    tpu.wait_dma2 semaphore(%arg12 : memref<!tpu.dma_semaphore, #tpu.memory_space<semaphore_mem>>) src(%dma_wait3A_697 : memref<4096xf32, #tpu.memory_space<hbm>>) dst(%dma_wait3A_694 : memref<4096xf32, #tpu.memory_space<vmem>>)
    %dma_wait3A_698 = arith.constant 7 : i32
    %dma_wait3A_699 = arith.constant 0 : i32
    %dma_wait3A_700 = tpu.memref_slice %arg9[%dma_wait3A_698, %dma_wait3A_699] : memref<8x4096xf32, #tpu.memory_space<vmem>> -> memref<1x4096xf32, #tpu.memory_space<vmem>>
    %dma_wait3A_701 = tpu.memref_squeeze %dma_wait3A_700 : memref<1x4096xf32, #tpu.memory_space<vmem>> -> memref<4096xf32, #tpu.memory_space<vmem>>
    %dma_wait3A_702 = arith.constant 0 : i32
    %dma_wait3A_703 = tpu.memref_slice %arg4[%add3A_348, %dma_wait3A_702] : memref<256x4096xf32, #tpu.memory_space<hbm>> -> memref<1x4096xf32, #tpu.memory_space<hbm>>
    %dma_wait3A_704 = tpu.memref_squeeze %dma_wait3A_703 : memref<1x4096xf32, #tpu.memory_space<hbm>> -> memref<4096xf32, #tpu.memory_space<hbm>>
    %dma_wait3A_705 = arith.constant 0 : i32
    %dma_wait3A_706 = tpu.memref_slice %arg9[%dma_wait3A_698, %dma_wait3A_705] : memref<8x4096xf32, #tpu.memory_space<vmem>> -> memref<1x4096xf32, #tpu.memory_space<vmem>>
    %dma_wait3A_707 = tpu.memref_squeeze %dma_wait3A_706 : memref<1x4096xf32, #tpu.memory_space<vmem>> -> memref<4096xf32, #tpu.memory_space<vmem>>
    %dma_wait3A_708 = arith.constant 0 : i32
    %dma_wait3A_709 = tpu.memref_slice %arg4[%add3A_348, %dma_wait3A_708] : memref<256x4096xf32, #tpu.memory_space<hbm>> -> memref<1x4096xf32, #tpu.memory_space<hbm>>
    %dma_wait3A_710 = tpu.memref_squeeze %dma_wait3A_709 : memref<1x4096xf32, #tpu.memory_space<hbm>> -> memref<4096xf32, #tpu.memory_space<hbm>>
    tpu.wait_dma2 semaphore(%arg12 : memref<!tpu.dma_semaphore, #tpu.memory_space<semaphore_mem>>) src(%dma_wait3A_710 : memref<4096xf32, #tpu.memory_space<hbm>>) dst(%dma_wait3A_707 : memref<4096xf32, #tpu.memory_space<vmem>>)
    %parallel_loop3A_711 = arith.constant 0 : i32
    %parallel_loop3A_712 = arith.constant 256 : i32
    %parallel_loop3A_713 = arith.constant 1 : i32
    %parallel_loop3A_714 = arith.constant 7168 : i32
    scf.for %parallel_loop3A_727 = %parallel_loop3A_711 to %parallel_loop3A_712 step %parallel_loop3A_713  : i32 {
      %parallel_loop3A_728 = arith.constant 16 : i32
      %parallel_loop3A_729 = arith.muli %parallel_loop3A_727, %parallel_loop3A_728 : i32
      %parallel_loop3A_730 = tpu.assume_multiple %parallel_loop3A_729, 16 : i32
      %parallel_loop3A_731 = arith.constant 7 : i32
      %parallel_loop3A_732 = arith.index_cast %parallel_loop3A_731 : i32 to index
      %parallel_loop3A_733 = arith.index_cast %parallel_loop3A_730 : i32 to index
      %parallel_loop3A_734 = tpu.vector_load %arg7[%parallel_loop3A_732, %parallel_loop3A_733] {strides = array<i32>} : memref<8x4096xi32, #tpu.memory_space<vmem>>, vector<16xi32>,
      %parallel_loop3A_735 = arith.constant 7 : i32
      %parallel_loop3A_736 = arith.index_cast %parallel_loop3A_735 : i32 to index
      %parallel_loop3A_737 = arith.index_cast %parallel_loop3A_730 : i32 to index
      %parallel_loop3A_738 = tpu.vector_load %arg8[%parallel_loop3A_736, %parallel_loop3A_737] {strides = array<i32>} : memref<8x4096xf32, #tpu.memory_space<vmem>>, vector<16xf32>,
      %parallel_loop3A_739 = arith.constant 7 : i32
      %parallel_loop3A_740 = arith.index_cast %parallel_loop3A_739 : i32 to index
      %parallel_loop3A_741 = arith.index_cast %parallel_loop3A_730 : i32 to index
      %parallel_loop3A_742 = tpu.vector_load %arg9[%parallel_loop3A_740, %parallel_loop3A_741] {strides = array<i32>} : memref<8x4096xf32, #tpu.memory_space<vmem>>, vector<16xf32>,
      %parallel_loop3A_743 = vector.shape_cast %min3A_369 : vector<16xi32> to vector<16x1xi32>
      %parallel_loop3A_744 = vector.shape_cast %parallel_loop3A_743 : vector<16x1xi32> to vector<16xi32>
      %parallel_loop3A_745 = tpu.dynamic_gather %parallel_loop3A_734[%parallel_loop3A_744] in [0] : vector<16xi32>, vector<16xi32> -> vector<16xi32>
      %parallel_loop3A_746 = arith.cmpi ne, %parallel_loop3A_734, %parallel_loop3A_745 : vector<16xi32>
      %parallel_loop3A_747 = arith.ori %parallel_loop3A_746, %eq3A_371 : vector<16xi1>
      %parallel_loop3A_748 = arith.constant true
      %parallel_loop3A_749 = vector.broadcast %parallel_loop3A_748 : i1 to vector<16xi1>
      %parallel_loop3A_750 = tpu.scan <sum>, %parallel_loop3A_738 masked %parallel_loop3A_749 : vector<16xf32>, vector<16xi1> -> vector<16xf32>
      %parallel_loop3A_751 = arith.constant true
      %parallel_loop3A_752 = vector.broadcast %parallel_loop3A_751 : i1 to vector<16xi1>
      %parallel_loop3A_753 = tpu.scan <sum>, %parallel_loop3A_742 masked %parallel_loop3A_752 : vector<16xf32>, vector<16xi1> -> vector<16xf32>
      %parallel_loop3A_754 = vector.broadcast %parallel_loop3A_714 : i32 to vector<16xi32>
      %parallel_loop3A_755 = arith.addi %parallel_loop3A_734, %parallel_loop3A_754 : vector<16xi32>
      %parallel_loop3A_756 = vector.broadcast %parallel_loop3A_714 : i32 to vector<16xi32>
      %parallel_loop3A_757 = arith.addi %parallel_loop3A_745, %parallel_loop3A_756 : vector<16xi32>
      tpu.vector_store_idx %arg10[%parallel_loop3A_755], %parallel_loop3A_750 masked %parallel_loop3A_747 {add = true} : memref<8192xf32, #tpu.memory_space<vmem>>[vector<16xi32>], vector<16xf32>, vector<16xi1>
      %parallel_loop3A_758 = arith.constant 0.000000e+00 : f32
      %parallel_loop3A_759 = vector.broadcast %parallel_loop3A_758 : f32 to vector<16xf32>
      %parallel_loop3A_760 = arith.subf %parallel_loop3A_759, %parallel_loop3A_750 : vector<16xf32>
      tpu.vector_store_idx %arg10[%parallel_loop3A_757], %parallel_loop3A_760 masked %parallel_loop3A_746 {add = true} : memref<8192xf32, #tpu.memory_space<vmem>>[vector<16xi32>], vector<16xf32>, vector<16xi1>
      tpu.vector_store_idx %arg11[%parallel_loop3A_755], %parallel_loop3A_753 masked %parallel_loop3A_747 {add = true} : memref<8192xf32, #tpu.memory_space<vmem>>[vector<16xi32>], vector<16xf32>, vector<16xi1>
      %parallel_loop3A_761 = arith.constant 0.000000e+00 : f32
      %parallel_loop3A_762 = vector.broadcast %parallel_loop3A_761 : f32 to vector<16xf32>
      %parallel_loop3A_763 = arith.subf %parallel_loop3A_762, %parallel_loop3A_753 : vector<16xf32>
      tpu.vector_store_idx %arg11[%parallel_loop3A_757], %parallel_loop3A_763 masked %parallel_loop3A_746 {add = true} : memref<8192xf32, #tpu.memory_space<vmem>>[vector<16xi32>], vector<16xf32>, vector<16xi1>
    } {sc.loop_unroll_factor = 8 : i64, sc.parallel_access}
    %mul3A_715 = arith.constant 1024 : i32
    %mul3A_716 = arith.muli %mul3A_2, %mul3A_715 : i32
    %dma_start3A_717 = tpu.memref_slice %arg5[%mul3A_716] : memref<262144xf32, #tpu.memory_space<hbm>> -> memref<8192xf32, #tpu.memory_space<hbm>>
    %dma_start3A_718 = tpu.memref_slice %arg5[%mul3A_716] : memref<262144xf32, #tpu.memory_space<hbm>> -> memref<8192xf32, #tpu.memory_space<hbm>>
    tpu.enqueue_dma source(%arg10 : memref<8192xf32, #tpu.memory_space<vmem>>) target(%dma_start3A_718 : memref<8192xf32, #tpu.memory_space<hbm>>) target_semaphore(%arg12 : memref<!tpu.dma_semaphore, #tpu.memory_space<semaphore_mem>>)
    %mul3A_719 = arith.constant 1024 : i32
    %mul3A_720 = arith.muli %mul3A_2, %mul3A_719 : i32
    %dma_start3A_721 = tpu.memref_slice %arg6[%mul3A_720] : memref<262144xf32, #tpu.memory_space<hbm>> -> memref<8192xf32, #tpu.memory_space<hbm>>
    %dma_start3A_722 = tpu.memref_slice %arg6[%mul3A_720] : memref<262144xf32, #tpu.memory_space<hbm>> -> memref<8192xf32, #tpu.memory_space<hbm>>
    tpu.enqueue_dma source(%arg11 : memref<8192xf32, #tpu.memory_space<vmem>>) target(%dma_start3A_722 : memref<8192xf32, #tpu.memory_space<hbm>>) target_semaphore(%arg12 : memref<!tpu.dma_semaphore, #tpu.memory_space<semaphore_mem>>)
    %dma_wait3A_723 = tpu.memref_slice %arg5[%mul3A_716] : memref<262144xf32, #tpu.memory_space<hbm>> -> memref<8192xf32, #tpu.memory_space<hbm>>
    %dma_wait3A_724 = tpu.memref_slice %arg5[%mul3A_716] : memref<262144xf32, #tpu.memory_space<hbm>> -> memref<8192xf32, #tpu.memory_space<hbm>>
    tpu.wait_dma2 semaphore(%arg12 : memref<!tpu.dma_semaphore, #tpu.memory_space<semaphore_mem>>) src(%arg10 : memref<8192xf32, #tpu.memory_space<vmem>>) dst(%dma_wait3A_724 : memref<8192xf32, #tpu.memory_space<hbm>>)
    %dma_wait3A_725 = tpu.memref_slice %arg6[%mul3A_720] : memref<262144xf32, #tpu.memory_space<hbm>> -> memref<8192xf32, #tpu.memory_space<hbm>>
    %dma_wait3A_726 = tpu.memref_slice %arg6[%mul3A_720] : memref<262144xf32, #tpu.memory_space<hbm>> -> memref<8192xf32, #tpu.memory_space<hbm>>
    tpu.wait_dma2 semaphore(%arg12 : memref<!tpu.dma_semaphore, #tpu.memory_space<semaphore_mem>>) src(%arg11 : memref<8192xf32, #tpu.memory_space<vmem>>) dst(%dma_wait3A_726 : memref<8192xf32, #tpu.memory_space<hbm>>)
    return
  }
}

module attributes {stable_mosaic.version = 14 : i64} {
  func.func @_tc_combine_body(%arg0: memref<256x1024xf32, #tpu.memory_space<vmem>>, %arg1: memref<256x1024xf32, #tpu.memory_space<vmem>>, %arg2: memref<256x1xi32, #tpu.memory_space<vmem>>, %arg3: memref<1x2xf32, #tpu.memory_space<vmem>>, %arg4: memref<1x1xf32, #tpu.memory_space<vmem>>) attributes {dimension_semantics = [], scalar_prefetch = 0 : i64, scratch_operands = 0 : i64, tpu.core_type = #tpu.core_type<tc>} {
    %get3A = arith.constant 0 : index
    %get3A_0 = arith.constant 0 : index
    %get3A_1 = vector.load %arg0[%get3A, %get3A_0] : memref<256x1024xf32, #tpu.memory_space<vmem>>, vector<256x1024xf32>
    %get3A_2 = arith.constant 0 : index
    %get3A_3 = arith.constant 0 : index
    %get3A_4 = vector.load %arg1[%get3A_2, %get3A_3] : memref<256x1024xf32, #tpu.memory_space<vmem>>, vector<256x1024xf32>
    %iota3A = tpu.iota {dimensions = array<i32: 1>} : vector<256x1024xi32>
    %add3A = arith.constant 1.000000e+00 : f32
    %add3A_5 = vector.broadcast %add3A : f32 to vector<256x1024xf32>
    %add3A_6 = arith.addf %get3A_1, %add3A_5 : vector<256x1024xf32>
    %log3A = math.log %add3A_6 : vector<256x1024xf32>
    %add3A_7 = arith.constant 1.000000e+00 : f32
    %add3A_8 = vector.broadcast %add3A_7 : f32 to vector<256x1024xf32>
    %add3A_9 = arith.addf %get3A_4, %add3A_8 : vector<256x1024xf32>
    %log3A_10 = math.log %add3A_9 : vector<256x1024xf32>
    %sub3A = arith.subf %log3A, %log3A_10 : vector<256x1024xf32>
    %eq3A = arith.constant 0 : i32
    %eq3A_11 = vector.broadcast %eq3A : i32 to vector<256x1024xi32>
    %eq3A_12 = arith.cmpi eq, %iota3A, %eq3A_11 : vector<256x1024xi32>
    %jit3A = arith.constant 0.000000e+00 : f32
    %broadcast_in_dim3A = vector.broadcast %jit3A : f32 to vector<256x1024xf32>
    %select_n3A = arith.select %eq3A_12, %broadcast_in_dim3A, %sub3A : vector<256x1024xi1>, vector<256x1024xf32>
    %mul3A = arith.mulf %select_n3A, %select_n3A : vector<256x1024xf32>
    %reduce_sum3A = vector.shape_cast %mul3A : vector<256x1024xf32> to vector<1x256x1024xf32>
    %reduce_sum3A_13 = arith.constant dense<0.000000e+00> : vector<1xf32>
    %reduce_sum3A_14 = vector.multi_reduction <add>, %reduce_sum3A, %reduce_sum3A_13 [1, 2] : vector<1x256x1024xf32> to vector<1xf32>
    %reduce_sum3A_15 = vector.shape_cast %reduce_sum3A_14 : vector<1xf32> to vector<1x1x1xf32>
    %reduce_sum3A_16 = vector.extract %reduce_sum3A_15[0, 0, 0] : f32 from vector<1x1x1xf32>
    %get3A_17 = arith.constant 0 : index
    %get3A_18 = arith.constant 0 : index
    %get3A_19 = vector.load %arg2[%get3A_17, %get3A_18] : memref<256x1xi32, #tpu.memory_space<vmem>>, vector<256x1xi32>
    %reduce_max3A = vector.shape_cast %get3A_19 : vector<256x1xi32> to vector<1x256x1xi32>
    %reduce_max3A_20 = arith.constant dense<-2147483648> : vector<1xi32>
    %reduce_max3A_21 = vector.multi_reduction <maxsi>, %reduce_max3A, %reduce_max3A_20 [1, 2] : vector<1x256x1xi32> to vector<1xi32>
    %reduce_max3A_22 = vector.shape_cast %reduce_max3A_21 : vector<1xi32> to vector<1x1x1xi32>
    %reduce_max3A_23 = vector.extract %reduce_max3A_22[0, 0, 0] : i32 from vector<1x1x1xi32>
    %convert_element_type3A = arith.sitofp %reduce_max3A_23 : i32 to f32
    %get3A_24 = arith.constant 0 : index
    %get3A_25 = arith.constant 0 : index
    %get3A_26 = vector.load %arg3[%get3A_24, %get3A_25] : memref<1x2xf32, #tpu.memory_space<vmem>>, vector<1x1xf32>
    %get3A_27 = vector.extract %get3A_26[0, 0] : f32 from vector<1x1xf32>
    %get3A_28 = arith.constant 0 : index
    %get3A_29 = arith.constant 1 : index
    %get3A_30 = vector.load %arg3[%get3A_28, %get3A_29] : memref<1x2xf32, #tpu.memory_space<vmem>>, vector<1x1xf32>
    %get3A_31 = vector.extract %get3A_30[0, 0] : f32 from vector<1x1xf32>
    %mul3A_32 = arith.constant 6.000000e-01 : f32
    %mul3A_33 = arith.mulf %mul3A_32, %get3A_27 : f32
    %div3A = arith.constant 0x49800000 : f32
    %div3A_34 = arith.divf %mul3A_33, %div3A : f32
    %mul3A_35 = arith.constant 3.000000e-01 : f32
    %mul3A_36 = arith.mulf %mul3A_35, %reduce_sum3A_16 : f32
    %mul3A_37 = arith.constant 2.560000e+02 : f32
    %mul3A_38 = arith.mulf %mul3A_37, %convert_element_type3A : f32
    %div3A_39 = arith.divf %mul3A_36, %mul3A_38 : f32
    %add3A_40 = arith.addf %div3A_34, %div3A_39 : f32
    %mul3A_41 = arith.constant 1.000000e-01 : f32
    %mul3A_42 = arith.mulf %mul3A_41, %get3A_31 : f32
    %div3A_43 = arith.constant 2.560000e+02 : f32
    %div3A_44 = arith.divf %mul3A_42, %div3A_43 : f32
    %add3A_45 = arith.addf %add3A_40, %div3A_44 : f32
    %reshape3A = vector.broadcast %add3A_45 : f32 to vector<1x1xf32>
    %swap3A = arith.constant 0 : index
    %swap3A_46 = arith.constant 0 : index
    %swap3A_47 = vector.load %arg4[%swap3A, %swap3A_46] : memref<1x1xf32, #tpu.memory_space<vmem>>, vector<1x1xf32>
    tpu.vector_store %arg4[%swap3A, %swap3A_46], %reshape3A {strides = array<i32>} : memref<1x1xf32, #tpu.memory_space<vmem>>, vector<1x1xf32>,
    return
  }
}

module attributes {stable_mosaic.version = 14 : i64} {
  func.func @_tc_dense_body(%arg0: memref<256x4096xf32, #tpu.memory_space<vmem>>, %arg1: memref<256x4096xf32, #tpu.memory_space<vmem>>, %arg2: memref<1x2xf32, #tpu.memory_space<vmem>>) attributes {dimension_semantics = [], scalar_prefetch = 0 : i64, scratch_operands = 0 : i64, tpu.core_type = #tpu.core_type<tc>} {
    %get3A = arith.constant 0 : index
    %get3A_0 = arith.constant 0 : index
    %get3A_1 = vector.load %arg0[%get3A, %get3A_0] : memref<256x4096xf32, #tpu.memory_space<vmem>>, vector<256x4096xf32>
    %get3A_2 = arith.constant 0 : index
    %get3A_3 = arith.constant 0 : index
    %get3A_4 = vector.load %arg1[%get3A_2, %get3A_3] : memref<256x4096xf32, #tpu.memory_space<vmem>>, vector<256x4096xf32>
    %add3A = arith.constant 1.000000e+00 : f32
    %add3A_5 = vector.broadcast %add3A : f32 to vector<256x4096xf32>
    %add3A_6 = arith.addf %get3A_1, %add3A_5 : vector<256x4096xf32>
    %log3A = math.log %add3A_6 : vector<256x4096xf32>
    %add3A_7 = arith.constant 1.000000e+00 : f32
    %add3A_8 = vector.broadcast %add3A_7 : f32 to vector<256x4096xf32>
    %add3A_9 = arith.addf %get3A_4, %add3A_8 : vector<256x4096xf32>
    %log3A_10 = math.log %add3A_9 : vector<256x4096xf32>
    %sub3A = arith.subf %log3A, %log3A_10 : vector<256x4096xf32>
    %mul3A = arith.mulf %sub3A, %sub3A : vector<256x4096xf32>
    %reduce_sum3A = vector.shape_cast %mul3A : vector<256x4096xf32> to vector<1x256x4096xf32>
    %reduce_sum3A_11 = arith.constant dense<0.000000e+00> : vector<1xf32>
    %reduce_sum3A_12 = vector.multi_reduction <add>, %reduce_sum3A, %reduce_sum3A_11 [1, 2] : vector<1x256x4096xf32> to vector<1xf32>
    %reduce_sum3A_13 = vector.shape_cast %reduce_sum3A_12 : vector<1xf32> to vector<1x1x1xf32>
    %reduce_sum3A_14 = vector.extract %reduce_sum3A_13[0, 0, 0] : f32 from vector<1x1x1xf32>
    %reduce_sum3A_15 = arith.constant dense<0.000000e+00> : vector<256xf32>
    %reduce_sum3A_16 = vector.multi_reduction <add>, %get3A_1, %reduce_sum3A_15 [1] : vector<256x4096xf32> to vector<256xf32>
    %broadcast_in_dim3A = vector.shape_cast %reduce_sum3A_16 : vector<256xf32> to vector<256x1xf32>
    %reduce_sum3A_17 = arith.constant dense<0.000000e+00> : vector<256xf32>
    %reduce_sum3A_18 = vector.multi_reduction <add>, %get3A_4, %reduce_sum3A_17 [1] : vector<256x4096xf32> to vector<256xf32>
    %broadcast_in_dim3A_19 = vector.shape_cast %reduce_sum3A_18 : vector<256xf32> to vector<256x1xf32>
    %add3A_20 = arith.constant 1.000000e+00 : f32
    %add3A_21 = vector.broadcast %add3A_20 : f32 to vector<256x1xf32>
    %add3A_22 = arith.addf %broadcast_in_dim3A, %add3A_21 : vector<256x1xf32>
    %log3A_23 = math.log %add3A_22 : vector<256x1xf32>
    %add3A_24 = arith.constant 1.000000e+00 : f32
    %add3A_25 = vector.broadcast %add3A_24 : f32 to vector<256x1xf32>
    %add3A_26 = arith.addf %broadcast_in_dim3A_19, %add3A_25 : vector<256x1xf32>
    %log3A_27 = math.log %add3A_26 : vector<256x1xf32>
    %sub3A_28 = arith.subf %log3A_23, %log3A_27 : vector<256x1xf32>
    %mul3A_29 = arith.mulf %sub3A_28, %sub3A_28 : vector<256x1xf32>
    %reduce_sum3A_30 = vector.shape_cast %mul3A_29 : vector<256x1xf32> to vector<1x256x1xf32>
    %reduce_sum3A_31 = arith.constant dense<0.000000e+00> : vector<1xf32>
    %reduce_sum3A_32 = vector.multi_reduction <add>, %reduce_sum3A_30, %reduce_sum3A_31 [1, 2] : vector<1x256x1xf32> to vector<1xf32>
    %reduce_sum3A_33 = vector.shape_cast %reduce_sum3A_32 : vector<1xf32> to vector<1x1x1xf32>
    %reduce_sum3A_34 = vector.extract %reduce_sum3A_33[0, 0, 0] : f32 from vector<1x1x1xf32>
    %reshape3A = vector.broadcast %reduce_sum3A_14 : f32 to vector<1x1xf32>
    %reshape3A_35 = vector.broadcast %reduce_sum3A_34 : f32 to vector<1x1xf32>
    %concatenate3A = tpu.concatenate %reshape3A, %reshape3A_35 in 1 : vector<1x1xf32>, vector<1x1xf32> -> vector<1x2xf32>
    %swap3A = arith.constant 0 : index
    %swap3A_36 = arith.constant 0 : index
    %swap3A_37 = vector.load %arg2[%swap3A, %swap3A_36] : memref<1x2xf32, #tpu.memory_space<vmem>>, vector<1x2xf32>
    tpu.vector_store %arg2[%swap3A, %swap3A_36], %concatenate3A {strides = array<i32>} : memref<1x2xf32, #tpu.memory_space<vmem>>, vector<1x2xf32>,
    return
  }
}

</mosaic_0001>

<sc_bundles>
// kernel: kernel.5.cloned.1.call-start
scs
__scs_entry_jumppad:
0x0: {  	(pc) =	sbr.rel $0x88, $3  }
0x1: {  	(tag) =	ssettag $0x0;
	lr =	simm.s32 $0x1  }
0x2: {  	[smem:$0x3F9E] =	sst lr;
	_ =	strace $0xD0000000  }
0x3: {  	_ = 	snop  }
0x4: {  	_ = 	snop  }
0x5: {  	_ = 	snop  }
0x6: {  	_ = 	snop  }
0x7: {  	_ = 	snop  }
__scs_overlays_trampoline_lowered:
0x8: {  	[smem:$0x3FAD] =	sst s0  }
0x9: {  	[smem:$0x3FAE] =	sst s1  }
0xa: {  	[smem:$0x3FAF] =	sst s2  }
0xb: {  	[smem:$0x3FB0] =	sst s3  }
0xc: {  	[smem:$0x3FB1] =	sst s4  }
0xd: {  	[smem:$0x3FB2] =	sst s5  }
0xe: {  	[smem:$0x3FB3] =	sst s6  }
0xf: {  	[smem:$0x3FB4] =	sst s7  }
0x10: {  	[smem:$0x3FB5] =	sst s8  }
0x11: {  	[smem:$0x3FB6] =	sst s9;
	s0 =	simm.s32 @!p0 $0x0  }
0x12: {  	s1 =	sld [smem:$0x3F9C];
	s0 =	simm.s32 @p0 $0x1  }
0x13: {  	[smem:$0x3FB7] =	sst s0;
	s0 =	simm.s32 @!p1 $0x0  }
0x14: {  	s2 =	sld [smem:$0x3F9B];
	s0 =	simm.s32 @p1 $0x1  }
0x15: {  	[smem:$0x3FB8] =	sst s0;
	s0 =	simm.s32 @!p2 $0x0  }
0x16: {  	s3 =	sld [smem:$0x3FDB];
	s0 =	simm.s32 @p2 $0x1  }
0x17: {  	s4 =	simm.s32 $0x1BF5;
	[smem:$0x3FBA] =	sst s0  }
0x18: {  	s0 =	sld [smem:$0x3F9D];
	_ =	swait.ge [sflag:s4], $0x0  }
0x19: {  	s7 =	sld [smem:$0x3F9E]  }
0x1a: {  	s8 =	sadd.s32 $0xFFFFE003, lr  }
0x1b: {  	s9 =	sadd.s32 $0xFFFFFEF7, lr;
	s5 =	simm.s32 $0xFFFFFFFF;
	p2 =	slt.u32 s8, $0xFFFFF086  }
0x1c: {  	p1 =	slt.u32 s9, $0xF7A;
	s5 =	simm.s32 @!p2 $0x0  }
0x1d: {  	s5 =	simm.s32 @p1 $0x1;
	p0 =	seq.s32 s7, s2  }
0x1e: {  	s7 =	smul.u32 @!p0 $0xF7A, s2;
	p2 =	seq.s32 @!p0 s5, $0x0  }
0x1f: {  	s9 =	smul.u32 $0xF7A, s1;
	s8 =	simm.s32 @!p0 $0x1BF5;
	p2 =	por !p2, p0  }
0x20: {  	[sflag:s8] =	ssyncset.s32 @!p0 $0xFFFFF086;
	s6 =	sadd.s32 @!p0 s3, s7;
	s7 =	simm.s32 @!p0 $0x108  }
0x21: {  	s3 =	sadd.s32 s3, s9;
	s6 =	sadd.s32 @!p0 $0x88, s6;
	s7 =	simm.s32 @p2 $0x1082  }
0x22: {  	[simem:s7], [sflag:s8] =	dma.local @!p0 [hbm:s6], $0xF7A  }
0x23: {  	s9 =	sor.u32 $0xD0000000, s2;
	s6 =	simm.s32 $0x108;
	_ =	swait.ge @!p0 [sflag:s8], $0x0  }
0x24: {  	s3 =	sadd.s32 $0x88, s3;
	s6 =	simm.s32 @!p1 $0x1082;
	[sflag:s4] =	ssyncset.s32 $0xFFFFF086  }
0x25: {  	[simem:s6], [sflag:s4] =	dma.local [hbm:s3], $0xF7A  }
0x26: {  	[smem:$0x3F9E] =	sst s1;
	(tag) =	ssettag s2;
	_ =	strace s9  }
0x27: {  	s1 =	sld [smem:$0x3FAE]  }
0x28: {  	s2 =	sld [smem:$0x3FAF]  }
0x29: {  	s4 =	sld [smem:$0x3FB1]  }
0x2a: {  	p0 =	seq.s32 s5, $0x0;
	s5 =	sld [smem:$0x3FB2]  }
0x2b: {  	s6 =	sld [smem:$0x3FB3]  }
0x2c: {  	s7 =	sld [smem:$0x3FB4]  }
0x2d: {  	s3 =	simm.s32 $0x108;
	s8 =	sld [smem:$0x3FB5]  }
0x2e: {  	s3 =	simm.s32 @!p0 $0x1082;
	s9 =	sld [smem:$0x3FB6]  }
0x2f: {  	lr =	sadd.s32 s0, s3;
	s0 =	sld [smem:$0x3FAD]  }
0x30: {  	s3 =	sld [smem:$0x3FB0]  }
0x31: {  	[smem:$0x3FB9] =	sst s10  }
0x32: {  	s10 =	sld [smem:$0x3FB7];
	_ =	sdelay $0x3  }
0x33: {  	p0 =	seq.s32 s10, $0x1;
	s10 =	sld [smem:$0x3FB9];
	_ =	sdelay $0x3  }
0x34: {  	[smem:$0x3FB9] =	sst s10  }
0x35: {  	s10 =	sld [smem:$0x3FB8];
	_ =	sdelay $0x3  }
0x36: {  	p1 =	seq.s32 s10, $0x1;
	s10 =	sld [smem:$0x3FB9];
	_ =	sdelay $0x3  }
0x37: {  	[smem:$0x3FB9] =	sst s10  }
0x38: {  	s10 =	sld [smem:$0x3FBA]  }
0x39: {  	_ = 	snop;
	(pc) =	sbr.ind lr, $3  }
0x3a: {  	_ = 	snop  }
0x3b: {  	_ = 	snop  }
0x3c: {  	p2 =	seq.s32 s10, $0x1;
	s10 =	sld [smem:$0x3FB9]  }
0x3d: {  	_ =	shalt  }
0x3e: {  	_ =	shalt  }
0x3f: {  	_ =	shalt  }
0x40: {  	_ =	shalt  }
0x41: {  	_ =	shalt  }
0x42: {  	_ =	shalt  }
0x43: {  	_ =	shalt  }
0x44: {  	_ =	shalt  }
0x45: {  	_ =	shalt  }
0x46: {  	_ =	shalt  }
0x47: {  	_ =	shalt  }
0x48: {  	_ =	shalt  }
0x49: {  	_ =	shalt  }
0x4a: {  	_ =	shalt  }
0x4b: {  	_ =	shalt  }
0x4c: {  	_ =	shalt  }
0x4d: {  	_ =	shalt  }
0x4e: {  	_ =	shalt  }
0x4f: {  	_ =	shalt  }
0x50: {  	_ =	shalt  }
0x51: {  	_ =	shalt  }
0x52: {  	_ =	shalt  }
0x53: {  	_ =	shalt  }
0x54: {  	_ =	shalt  }
0x55: {  	_ =	shalt  }
0x56: {  	_ =	shalt  }
0x57: {  	_ =	shalt  }
0x58: {  	_ =	shalt  }
0x59: {  	_ =	shalt  }
0x5a: {  	_ =	shalt  }
0x5b: {  	_ =	shalt  }
0x5c: {  	_ =	shalt  }
0x5d: {  	_ =	shalt  }
0x5e: {  	_ =	shalt  }
0x5f: {  	_ =	shalt  }
0x60: {  	_ =	shalt  }
0x61: {  	_ =	shalt  }
0x62: {  	_ =	shalt  }
0x63: {  	_ =	shalt  }
0x64: {  	_ =	shalt  }
0x65: {  	_ =	shalt  }
0x66: {  	_ =	shalt  }
0x67: {  	_ =	shalt  }
0x68: {  	_ =	shalt  }
0x69: {  	_ =	shalt  }
0x6a: {  	_ =	shalt  }
0x6b: {  	_ =	shalt  }
0x6c: {  	_ =	shalt  }
0x6d: {  	_ =	shalt  }
0x6e: {  	_ =	shalt  }
0x6f: {  	_ =	shalt  }
0x70: {  	_ =	shalt  }
0x71: {  	_ =	shalt  }
0x72: {  	_ =	shalt  }
0x73: {  	_ =	shalt  }
0x74: {  	_ =	shalt  }
0x75: {  	_ =	shalt  }
0x76: {  	_ =	shalt  }
0x77: {  	_ =	shalt  }
0x78: {  	_ =	shalt  }
0x79: {  	_ =	shalt  }
0x7a: {  	_ =	shalt  }
0x7b: {  	_ =	shalt  }
0x7c: {  	_ =	shalt  }
0x7d: {  	_ =	shalt  }
0x7e: {  	_ =	shalt  }
0x7f: {  	_ =	shalt  }
0x80: {  	_ =	shalt  }
0x81: {  	_ =	shalt  }
0x82: {  	_ =	shalt  }
0x83: {  	_ =	shalt  }
0x84: {  	_ =	shalt  }
0x85: {  	_ =	shalt  }
0x86: {  	_ =	shalt  }
0x87: {  	_ =	shalt  }
.Lfunc_end0:
.L_simem_size_0:
called_computation_lowered:
.L_overlay_start_0:
0x88: {  	s2 =	sld [smem:$0x3FD9]  }
0x89: {  	s3 =	sld [smem:$0x3FFE];
	_ =	sdelay $0x1  }
0x8a: {  	s1 =	srdreg.scid  }
0x8b: {  	s0 =	sand.u32 $0x1, s1  }
0x8c: {  	s17 =	sshll.u32 s0, $0xA;
	s2 =	sadd.s32 s3, s2  }
0x8d: {  	s2 =	sadd.s32 s2, s17  }
0x8e: {  	[smem:$0x3FC5] =	sst s2  }
0x8f: {  	_ = 	snop  }
0x90: {  	s2 =	sld [smem:$0x3FC9]  }
0x91: {  	s18 =	sld [smem:$0x3FC8]  }
0x92: {  	s4 =	sld [smem:$0x3FC7];
	(tm) =	ssettm $0x1  }
0x93: {  	s5 =	sld [smem:$0x3FFB];
	_ =	sdelay $0x3  }
0x94: {  	_ =	strace s5  }
0x95: {  	s5 =	sld [smem:$0x3FFC];
	_ =	sdelay $0x3  }
0x96: {  	_ =	strace s5  }
0x97: {  	s5 =	sld [smem:$0x3FFD];
	_ =	sdelay $0x3  }
0x98: {  	_ =	strace s5  }
0x99: {  	_ =	strace $0x8FFFFFFF  }
0x9a: {  	s19 =	sld [smem:$0x3FDB];
	_ =	sdelay $0x1  }
0x9b: {  	s6 =	simm.s32 $_scs_section_size  }
0x9c: {  	s7 =	simm.s32 $_size__tile_overlayer_lowered;
	s8 =	simm.s32 $_tile_overlayer_lowered  }
0x9d: {  	s22 =	simm.s32 $0x1BFF;
	s21 =	sshll.u32 s8, $0x1;
	s5 =	sadd.s32 s6, s19  }
0x9e: {  	s9 =	simm.s32 $0x0;
	s20 =	sshll.u32 s7, $0x1;
	s7 =	sadd.s32 s21, s5  }
0x9f: {  	[timem:s9], [sflag:s22] =	dma.local [hbm:s7], s20  }
0xa0: {  	_ =	swait.ge [sflag:s22], s20  }
0xa1: {  	s6 =	ssub.s32 $0x0, s20;
	[sflag:s22] =	ssyncset.done $0x0  }
0xa2: {  	[sflag:s22] =	ssyncadd.s32 s6;
	_ =	sdelay $0x1  }
0xa3: {  	s23 =	simm.s32 $0x1B8B  }
0xa4: {  	_ =	swait.ge [sflag:s23], $0x1  }
0xa5: {  	[sflag:s23] =	ssyncset.done $0x0  }
0xa6: {  	s25 =	simm.s32 $0x1B8E;
	s24 =	sld [smem:$0x3FFE];
	[sflag:s23] =	ssyncadd.s32 $0xFFFFFFFF  }
0xa7: {  	s26 =	simm.s32 $execute0_lowered;
	[smem:$0x3FD2] =	sst s25  }
0xa8: {  	s7 =	sshll.u32 s26, $0x1;
	_ =	strace $0x80000046;
	[dreg:$0x1] =	wrdreg $0xFFFFFFFF  }
0xa9: {  	s28 =	simm.s32 $_size_execute0_lowered;
	s5 =	sadd.s32 s5, s7;
	[dreg:$0x0] =	wrdreg $0x0  }
0xaa: {  	s7 =	sshll.u32 s28, $0x1;
	[dreg:$0x2] =	wrdreg s5  }
0xab: {  	[dreg:$0x3] =	wrdreg s7  }
0xac: {  	[dreg:$0x4] =	wrdreg $0xC0  }
0xad: {  	_ =	task [dreg:s9], $0x5FFFF  }
0xae: {  	[dreg:$0x1] =	wrdreg $0xFFFFFFFF  }
0xaf: {  	[dreg:$0x0] =	wrdreg $0x60  }
0xb0: {  	[dreg:$0x2] =	wrdreg s4  }
0xb1: {  	[dreg:$0x3] =	wrdreg s2  }
0xb2: {  	[dreg:$0x4] =	wrdreg s18  }
0xb3: {  	[dreg:$0x5] =	wrdreg s24  }
0xb4: {  	[dreg:$0x6] =	wrdreg $0x9  }
0xb5: {  	_ =	task.clear_ibuf [dreg:s9], $0x7FFFF;
	_ =	strace $0x90000046  }
0xb6: {  	s29 =	simm.s32 $0x9;
	_ =	strace $0x80000048  }
0xb7: {  	_ =	swait.ge [sflag:s29], $0x1  }
0xb8: {  	[sflag:s29] =	ssyncadd.s32 $0xFFFFFFFF  }
0xb9: {  	_ =	strace $0x90000048  }
0xba: {  	_ =	sfence  }
0xbb: {  	s30 =	sld [smem:$0x0];
	_ =	sdelay $0x2  }
0xbc: {  	s31 =	sshll.u32 s1, $0xD;
	s1 =	sshrl.u32 s1, $0x2  }
0xbd: {  	s3 =	sand.u32 $0x4000, s31;
	s1 =	sadd.s32 s1, s30  }
0xbe: {  	s0 =	sor.u32 s3, s0;
	s1 =	sshll.u32 s1, $0x11  }
0xbf: {  	s0 =	sor.u32 s1, s0  }
0xc0: {  	s0 =	sadd.s32 $0x8F2B, s0  }
0xc1: {  	[sflag:s0] =	ssyncadd.remote.s32 $0x1  }
0xc2: {  	_ =	sfence.sel $0xFFFF  }
0xc3: {  	[dreg:$0x0] =	wrdreg $0xFFFFFFFF;
	(pc) =	sbr.abs _section_cstart, $3  }
0xc4: {  	[dreg:$0x1] =	wrdreg $0xFFFFFFFF  }
0xc5: {  	_ =	task.clear_ibuf [dreg:s9], $0x2FFFF;
	_ =	strace $0x9FFFFFFF  }
0xc6: {  	(tm) =	ssettm $0x7FFFFFFF  }
0xc7: {  	_ =	shalt  }
tec
execute0_lowered:
.L_overlay_start_1:
0x0: {  	(tag) =	ssettag $0x1  }
0x1: {  	s0 =	rddreg [dreg:$0x0]  }
0x2: {  	s22 =	rddreg [dreg:$0x1]  }
0x3: {  	s26 =	rddreg [dreg:$0x2]  }
0x4: {  	s2 =	rddreg [dreg:$0x3]  }
0x5: {  	s3 =	srdreg.scid;
	s4 =	stileid.u32  }
0x6: {  	s1 =	simm.s32 $0x0;
	s3 =	sand.u32 $0x1, s3;
	s4 =	sshll.u32 s4, $0x1  }
0x7: {  	[smem:$0x7FF] =	sst s1;
	s4 =	sor.u32 s3, s4;
	s3 =	ssub.s32 $0x2, s3  }
0x8: {  	_ =	strace $0x80000047;
	s5 =	sshll.u32 s4, $0xA;
	s6 =	sshrl.u32 s3, $0x1  }
0x9: {  	s24 =	sshll.u32 s4, $0xC;
	s28 =	sadd.s32 s5, s2;
	s29 =	ssub.s32 s3, s6  }
0xa: {  	s4 =	sor.u32 $0x10, s24;
	s7 =	sor.u32 $0x20, s24;
	s10 =	sor.u32 $0x30, s24  }
0xb: {  	s13 =	sor.u32 $0x40, s24;
	s16 =	sor.u32 $0x50, s24;
	s19 =	sor.u32 $0x60, s24  }
0xc: {  	s20 =	sadd.s32 s0, s24;
	s21 =	sadd.s32 s22, s24;
	s23 =	sadd.s32 s26, s24  }
0xd: {  	s30 =	sor.u32 $0x70, s24;
	s2 =	sadd.s32 s0, s4;
	s3 =	sadd.s32 s22, s4  }
0xe: {  	s4 =	sadd.s32 s26, s4;
	s5 =	sadd.s32 s0, s7;
	s6 =	sadd.s32 s22, s7  }
0xf: {  	s7 =	sadd.s32 s26, s7;
	s8 =	sadd.s32 s0, s10;
	s9 =	sadd.s32 s22, s10  }
0x10: {  	v0 =	vimm.s32 $0xFFEDCBA9;
	v1 =	vimm.s32 $0x87654321;
	s10 =	sadd.s32 s26, s10;
	s11 =	sadd.s32 s0, s13;
	s12 =	sadd.s32 s22, s13  }
0x11: {  	v0 =	vunpack.c.l.s4.s8 v0;
	v1 =	vunpack.c.l.s4.s8 v1;
	s13 =	sadd.s32 s26, s13;
	s14 =	sadd.s32 s0, s16;
	s15 =	sadd.s32 s22, s16  }
0x12: {  	s16 =	sadd.s32 s26, s16;
	s17 =	sadd.s32 s0, s19;
	s18 =	sadd.s32 s22, s19  }
0x13: {  	v0 =	vunpack.c.0.s8.s32 v0;
	v1 =	vunpack.c.0.s8.s32 v1;
	s19 =	sadd.s32 s26, s19;
	s31 =	sadd.s32 s26, s30;
	s26 =	sadd.s32 $0xC00, s28  }
0x14: {  	s24 =	sadd.s32 s0, s30;
	s28 =	sadd.s32 $0x8C00, s28;
	[dreg:$0x6] =	wrdreg s26  }
0x15: {  	s25 =	sadd.s32 s22, s30;
	v1 =	vcombine.low v1, v0;
	s30 =	smax.u32 s29, $0x1;
	[dreg:$0x7] =	wrdreg s28  }
0x16: {  	s22 =	simm.s32 $0x18000;
	[dreg:$0x8] =	wrdreg s30  }
0x17: {  	vm0 =	vcmask $0x3F3C;
	v0 =	vimm.f32 $0.0e+00;
	s0 =	simm.s32 $0x1A000;
	s29 =	simm.s32 $0x0;
	[dreg:$0x5] =	wrdreg s31;
	v1 =	vand.u32 $0xF, v1  }
.LBB2_1:
0x18: {  	[dreg:$0x9] =	wrdreg s29;
	s26 =	simm.s32 $0x80  }
0x19: {  	s30 =	sadd.s32 $0x0, s20;
	s28 =	simm.s32 $0x400;
	s29 =	simm.s32 $0x0  }
.LBB2_2:
0x1a: {  	[tilespmem:s29], [sflag:$0x1] =	stream.linear.gather [hbm4b:s30+s1], $0x80, $0x38;
	[tilespmem:$0x1C000] =	vst v63  }
0x1b: {  	s30 =	smov.u32 s26;
	s29 =	smov.u32 s28;
	p0 =	sne.s32 s26, $0xF80  }
.Ltmp0:
0x1c: {  	s26 =	sadd.s32 $0x80, s26;
	(pc) =	sbr.rel @p0 .LBB2_2-.Ltmp0, $2  }
0x1d: {  	_ =	sdelay $0x2  }
0x1e: {  	s28 =	sadd.s32 $0x400, s28;
	s30 =	sadd.s32 s30, s20  }
0x1f: {  	[tilespmem:s29], [sflag:$0x1] =	stream.linear.gather [hbm4b:s30+s1], $0x80, $0x38;
	[tilespmem:$0x1C000] =	vst v63  }
0x20: {  	s26 =	simm.s32 $0x8000  }
0x21: {  	s28 =	simm.s32 $0x80;
	s30 =	sadd.s32 $0x0, s21;
	s29 =	simm.s32 $0x8400  }
.LBB2_4:
0x22: {  	[tilespmem:s26], [sflag:$0x1] =	stream.linear.gather [hbm4b:s30+s1], $0x80, $0x38;
	[tilespmem:$0x1C000] =	vst v63  }
0x23: {  	s30 =	smov.u32 s28;
	s26 =	smov.u32 s29;
	p0 =	sne.s32 s28, $0xF80  }
.Ltmp1:
0x24: {  	s28 =	sadd.s32 $0x80, s28;
	(pc) =	sbr.rel @p0 .LBB2_4-.Ltmp1, $2  }
0x25: {  	_ =	sdelay $0x2  }
0x26: {  	s29 =	sadd.s32 $0x400, s29;
	s30 =	sadd.s32 s30, s21  }
0x27: {  	[tilespmem:s26], [sflag:$0x1] =	stream.linear.gather [hbm4b:s30+s1], $0x80, $0x38;
	[tilespmem:$0x1C000] =	vst v63  }
0x28: {  	s26 =	simm.s32 $0x10000  }
0x29: {  	s28 =	simm.s32 $0x80;
	s30 =	sadd.s32 $0x0, s23;
	s29 =	simm.s32 $0x10400  }
.LBB2_6:
0x2a: {  	[tilespmem:s26], [sflag:$0x1] =	stream.linear.gather [hbm4b:s30+s1], $0x80, $0x38;
	[tilespmem:$0x1C000] =	vst v63  }
0x2b: {  	s30 =	smov.u32 s28;
	s26 =	smov.u32 s29;
	p0 =	sne.s32 s28, $0xF80  }
.Ltmp2:
0x2c: {  	s28 =	sadd.s32 $0x80, s28;
	(pc) =	sbr.rel @p0 .LBB2_6-.Ltmp2, $2  }
0x2d: {  	_ =	sdelay $0x2  }
0x2e: {  	s29 =	sadd.s32 $0x400, s29;
	s30 =	sadd.s32 s30, s23  }
0x2f: {  	[tilespmem:s26], [sflag:$0x1] =	stream.linear.gather [hbm4b:s30+s1], $0x80, $0x38;
	[tilespmem:$0x1C000] =	vst v63  }
0x30: {  	s26 =	simm.s32 $0x80  }
0x31: {  	s28 =	simm.s32 $0x80;
	s30 =	sadd.s32 $0x0, s2;
	s29 =	simm.s32 $0x480  }
.LBB2_8:
0x32: {  	[tilespmem:s26], [sflag:$0x1] =	stream.linear.gather [hbm4b:s30+s1], $0x80, $0x38;
	[tilespmem:$0x1C000] =	vst v63  }
0x33: {  	s30 =	smov.u32 s28;
	s26 =	smov.u32 s29;
	p0 =	sne.s32 s28, $0xF80  }
.Ltmp3:
0x34: {  	s28 =	sadd.s32 $0x80, s28;
	(pc) =	sbr.rel @p0 .LBB2_8-.Ltmp3, $2  }
0x35: {  	_ =	sdelay $0x2  }
0x36: {  	s29 =	sadd.s32 $0x400, s29;
	s30 =	sadd.s32 s30, s2  }
0x37: {  	[tilespmem:s26], [sflag:$0x1] =	stream.linear.gather [hbm4b:s30+s1], $0x80, $0x38;
	[tilespmem:$0x1C000] =	vst v63  }
0x38: {  	s26 =	simm.s32 $0x8080  }
0x39: {  	s28 =	simm.s32 $0x80;
	s30 =	sadd.s32 $0x0, s3;
	s29 =	simm.s32 $0x8480  }
.LBB2_10:
0x3a: {  	[tilespmem:s26], [sflag:$0x1] =	stream.linear.gather [hbm4b:s30+s1], $0x80, $0x38;
	[tilespmem:$0x1C000] =	vst v63  }
0x3b: {  	s30 =	smov.u32 s28;
	s26 =	smov.u32 s29;
	p0 =	sne.s32 s28, $0xF80  }
.Ltmp4:
0x3c: {  	s28 =	sadd.s32 $0x80, s28;
	(pc) =	sbr.rel @p0 .LBB2_10-.Ltmp4, $2  }
0x3d: {  	_ =	sdelay $0x2  }
0x3e: {  	s29 =	sadd.s32 $0x400, s29;
	s30 =	sadd.s32 s30, s3  }
0x3f: {  	[tilespmem:s26], [sflag:$0x1] =	stream.linear.gather [hbm4b:s30+s1], $0x80, $0x38;
	[tilespmem:$0x1C000] =	vst v63  }
0x40: {  	s26 =	simm.s32 $0x10080  }
0x41: {  	s28 =	simm.s32 $0x80;
	s30 =	sadd.s32 $0x0, s4;
	s29 =	simm.s32 $0x10480  }
.LBB2_12:
0x42: {  	[tilespmem:s26], [sflag:$0x1] =	stream.linear.gather [hbm4b:s30+s1], $0x80, $0x38;
	[tilespmem:$0x1C000] =	vst v63  }
0x43: {  	s30 =	smov.u32 s28;
	s26 =	smov.u32 s29;
	p0 =	sne.s32 s28, $0xF80  }
.Ltmp5:
0x44: {  	s28 =	sadd.s32 $0x80, s28;
	(pc) =	sbr.rel @p0 .LBB2_12-.Ltmp5, $2  }
0x45: {  	_ =	sdelay $0x2  }
0x46: {  	s29 =	sadd.s32 $0x400, s29;
	s30 =	sadd.s32 s30, s4  }
0x47: {  	[tilespmem:s26], [sflag:$0x1] =	stream.linear.gather [hbm4b:s30+s1], $0x80, $0x38;
	[tilespmem:$0x1C000] =	vst v63  }
0x48: {  	s26 =	simm.s32 $0x100  }
0x49: {  	s28 =	simm.s32 $0x80;
	s30 =	sadd.s32 $0x0, s5;
	s29 =	simm.s32 $0x500  }
.LBB2_14:
0x4a: {  	[tilespmem:s26], [sflag:$0x1] =	stream.linear.gather [hbm4b:s30+s1], $0x80, $0x38;
	[tilespmem:$0x1C000] =	vst v63  }
0x4b: {  	s30 =	smov.u32 s28;
	s26 =	smov.u32 s29;
	p0 =	sne.s32 s28, $0xF80  }
.Ltmp6:
0x4c: {  	s28 =	sadd.s32 $0x80, s28;
	(pc) =	sbr.rel @p0 .LBB2_14-.Ltmp6, $2  }
0x4d: {  	_ =	sdelay $0x2  }
0x4e: {  	s29 =	sadd.s32 $0x400, s29;
	s30 =	sadd.s32 s30, s5  }
0x4f: {  	[tilespmem:s26], [sflag:$0x1] =	stream.linear.gather [hbm4b:s30+s1], $0x80, $0x38;
	[tilespmem:$0x1C000] =	vst v63  }
0x50: {  	s26 =	simm.s32 $0x8100  }
0x51: {  	s28 =	simm.s32 $0x80;
	s30 =	sadd.s32 $0x0, s6;
	s29 =	simm.s32 $0x8500  }
.LBB2_16:
0x52: {  	[tilespmem:s26], [sflag:$0x1] =	stream.linear.gather [hbm4b:s30+s1], $0x80, $0x38;
	[tilespmem:$0x1C000] =	vst v63  }
0x53: {  	s30 =	smov.u32 s28;
	s26 =	smov.u32 s29;
	p0 =	sne.s32 s28, $0xF80  }
.Ltmp7:
0x54: {  	s28 =	sadd.s32 $0x80, s28;
	(pc) =	sbr.rel @p0 .LBB2_16-.Ltmp7, $2  }
0x55: {  	_ =	sdelay $0x2  }
0x56: {  	s29 =	sadd.s32 $0x400, s29;
	s30 =	sadd.s32 s30, s6  }
0x57: {  	[tilespmem:s26], [sflag:$0x1] =	stream.linear.gather [hbm4b:s30+s1], $0x80, $0x38;
	[tilespmem:$0x1C000] =	vst v63  }
0x58: {  	s26 =	simm.s32 $0x10100  }
0x59: {  	s28 =	simm.s32 $0x80;
	s30 =	sadd.s32 $0x0, s7;
	s29 =	simm.s32 $0x10500  }
.LBB2_18:
0x5a: {  	[tilespmem:s26], [sflag:$0x1] =	stream.linear.gather [hbm4b:s30+s1], $0x80, $0x38;
	[tilespmem:$0x1C000] =	vst v63  }
0x5b: {  	s30 =	smov.u32 s28;
	s26 =	smov.u32 s29;
	p0 =	sne.s32 s28, $0xF80  }
.Ltmp8:
0x5c: {  	s28 =	sadd.s32 $0x80, s28;
	(pc) =	sbr.rel @p0 .LBB2_18-.Ltmp8, $2  }
0x5d: {  	_ =	sdelay $0x2  }
0x5e: {  	s29 =	sadd.s32 $0x400, s29;
	s30 =	sadd.s32 s30, s7  }
0x5f: {  	[tilespmem:s26], [sflag:$0x1] =	stream.linear.gather [hbm4b:s30+s1], $0x80, $0x38;
	[tilespmem:$0x1C000] =	vst v63  }
0x60: {  	s26 =	simm.s32 $0x180  }
0x61: {  	s28 =	simm.s32 $0x80;
	s30 =	sadd.s32 $0x0, s8;
	s29 =	simm.s32 $0x580  }
.LBB2_20:
0x62: {  	[tilespmem:s26], [sflag:$0x1] =	stream.linear.gather [hbm4b:s30+s1], $0x80, $0x38;
	[tilespmem:$0x1C000] =	vst v63  }
0x63: {  	s30 =	smov.u32 s28;
	s26 =	smov.u32 s29;
	p0 =	sne.s32 s28, $0xF80  }
.Ltmp9:
0x64: {  	s28 =	sadd.s32 $0x80, s28;
	(pc) =	sbr.rel @p0 .LBB2_20-.Ltmp9, $2  }
0x65: {  	_ =	sdelay $0x2  }
0x66: {  	s29 =	sadd.s32 $0x400, s29;
	s30 =	sadd.s32 s30, s8  }
0x67: {  	[tilespmem:s26], [sflag:$0x1] =	stream.linear.gather [hbm4b:s30+s1], $0x80, $0x38;
	[tilespmem:$0x1C000] =	vst v63  }
0x68: {  	s26 =	simm.s32 $0x8180  }
0x69: {  	s28 =	simm.s32 $0x80;
	s30 =	sadd.s32 $0x0, s9;
	s29 =	simm.s32 $0x8580  }
.LBB2_22:
0x6a: {  	[tilespmem:s26], [sflag:$0x1] =	stream.linear.gather [hbm4b:s30+s1], $0x80, $0x38;
	[tilespmem:$0x1C000] =	vst v63  }
0x6b: {  	s30 =	smov.u32 s28;
	s26 =	smov.u32 s29;
	p0 =	sne.s32 s28, $0xF80  }
.Ltmp10:
0x6c: {  	s28 =	sadd.s32 $0x80, s28;
	(pc) =	sbr.rel @p0 .LBB2_22-.Ltmp10, $2  }
0x6d: {  	_ =	sdelay $0x2  }
0x6e: {  	s29 =	sadd.s32 $0x400, s29;
	s30 =	sadd.s32 s30, s9  }
0x6f: {  	[tilespmem:s26], [sflag:$0x1] =	stream.linear.gather [hbm4b:s30+s1], $0x80, $0x38;
	[tilespmem:$0x1C000] =	vst v63  }
0x70: {  	s26 =	simm.s32 $0x10180  }
0x71: {  	s28 =	simm.s32 $0x80;
	s30 =	sadd.s32 $0x0, s10;
	s29 =	simm.s32 $0x10580  }
.LBB2_24:
0x72: {  	[tilespmem:s26], [sflag:$0x1] =	stream.linear.gather [hbm4b:s30+s1], $0x80, $0x38;
	[tilespmem:$0x1C000] =	vst v63  }
0x73: {  	s30 =	smov.u32 s28;
	s26 =	smov.u32 s29;
	p0 =	sne.s32 s28, $0xF80  }
.Ltmp11:
0x74: {  	s28 =	sadd.s32 $0x80, s28;
	(pc) =	sbr.rel @p0 .LBB2_24-.Ltmp11, $2  }
0x75: {  	_ =	sdelay $0x2  }
0x76: {  	s29 =	sadd.s32 $0x400, s29;
	s30 =	sadd.s32 s30, s10  }
0x77: {  	[tilespmem:s26], [sflag:$0x1] =	stream.linear.gather [hbm4b:s30+s1], $0x80, $0x38;
	[tilespmem:$0x1C000] =	vst v63  }
0x78: {  	s26 =	simm.s32 $0x200  }
0x79: {  	s28 =	simm.s32 $0x80;
	s30 =	sadd.s32 $0x0, s11;
	s29 =	simm.s32 $0x600  }
.LBB2_26:
0x7a: {  	[tilespmem:s26], [sflag:$0x1] =	stream.linear.gather [hbm4b:s30+s1], $0x80, $0x38;
	[tilespmem:$0x1C000] =	vst v63  }
0x7b: {  	s30 =	smov.u32 s28;
	s26 =	smov.u32 s29;
	p0 =	sne.s32 s28, $0xF80  }
.Ltmp12:
0x7c: {  	s28 =	sadd.s32 $0x80, s28;
	(pc) =	sbr.rel @p0 .LBB2_26-.Ltmp12, $2  }
0x7d: {  	_ =	sdelay $0x2  }
0x7e: {  	s29 =	sadd.s32 $0x400, s29;
	s30 =	sadd.s32 s30, s11  }
0x7f: {  	[tilespmem:s26], [sflag:$0x1] =	stream.linear.gather [hbm4b:s30+s1], $0x80, $0x38;
	[tilespmem:$0x1C000] =	vst v63  }
0x80: {  	s26 =	simm.s32 $0x8200  }
0x81: {  	s28 =	simm.s32 $0x80;
	s30 =	sadd.s32 $0x0, s12;
	s29 =	simm.s32 $0x8600  }
.LBB2_28:
0x82: {  	[tilespmem:s26], [sflag:$0x1] =	stream.linear.gather [hbm4b:s30+s1], $0x80, $0x38;
	[tilespmem:$0x1C000] =	vst v63  }
0x83: {  	s30 =	smov.u32 s28;
	s26 =	smov.u32 s29;
	p0 =	sne.s32 s28, $0xF80  }
.Ltmp13:
0x84: {  	s28 =	sadd.s32 $0x80, s28;
	(pc) =	sbr.rel @p0 .LBB2_28-.Ltmp13, $2  }
0x85: {  	_ =	sdelay $0x2  }
0x86: {  	s29 =	sadd.s32 $0x400, s29;
	s30 =	sadd.s32 s30, s12  }
0x87: {  	[tilespmem:s26], [sflag:$0x1] =	stream.linear.gather [hbm4b:s30+s1], $0x80, $0x38;
	[tilespmem:$0x1C000] =	vst v63  }
0x88: {  	s26 =	simm.s32 $0x10200  }
0x89: {  	s28 =	simm.s32 $0x80;
	s30 =	sadd.s32 $0x0, s13;
	s29 =	simm.s32 $0x10600  }
.LBB2_30:
0x8a: {  	[tilespmem:s26], [sflag:$0x1] =	stream.linear.gather [hbm4b:s30+s1], $0x80, $0x38;
	[tilespmem:$0x1C000] =	vst v63  }
0x8b: {  	s30 =	smov.u32 s28;
	s26 =	smov.u32 s29;
	p0 =	sne.s32 s28, $0xF80  }
.Ltmp14:
0x8c: {  	s28 =	sadd.s32 $0x80, s28;
	(pc) =	sbr.rel @p0 .LBB2_30-.Ltmp14, $2  }
0x8d: {  	_ =	sdelay $0x2  }
0x8e: {  	s29 =	sadd.s32 $0x400, s29;
	s30 =	sadd.s32 s30, s13  }
0x8f: {  	[tilespmem:s26], [sflag:$0x1] =	stream.linear.gather [hbm4b:s30+s1], $0x80, $0x38;
	[tilespmem:$0x1C000] =	vst v63  }
0x90: {  	s26 =	simm.s32 $0x280  }
0x91: {  	s28 =	simm.s32 $0x80;
	s30 =	sadd.s32 $0x0, s14;
	s29 =	simm.s32 $0x680  }
.LBB2_32:
0x92: {  	[tilespmem:s26], [sflag:$0x1] =	stream.linear.gather [hbm4b:s30+s1], $0x80, $0x38;
	[tilespmem:$0x1C000] =	vst v63  }
0x93: {  	s30 =	smov.u32 s28;
	s26 =	smov.u32 s29;
	p0 =	sne.s32 s28, $0xF80  }
.Ltmp15:
0x94: {  	s28 =	sadd.s32 $0x80, s28;
	(pc) =	sbr.rel @p0 .LBB2_32-.Ltmp15, $2  }
0x95: {  	_ =	sdelay $0x2  }
0x96: {  	s29 =	sadd.s32 $0x400, s29;
	s30 =	sadd.s32 s30, s14  }
0x97: {  	[tilespmem:s26], [sflag:$0x1] =	stream.linear.gather [hbm4b:s30+s1], $0x80, $0x38;
	[tilespmem:$0x1C000] =	vst v63  }
0x98: {  	s26 =	simm.s32 $0x8280  }
0x99: {  	s28 =	simm.s32 $0x80;
	s30 =	sadd.s32 $0x0, s15;
	s29 =	simm.s32 $0x8680  }
.LBB2_34:
0x9a: {  	[tilespmem:s26], [sflag:$0x1] =	stream.linear.gather [hbm4b:s30+s1], $0x80, $0x38;
	[tilespmem:$0x1C000] =	vst v63  }
0x9b: {  	s30 =	smov.u32 s28;
	s26 =	smov.u32 s29;
	p0 =	sne.s32 s28, $0xF80  }
.Ltmp16:
0x9c: {  	s28 =	sadd.s32 $0x80, s28;
	(pc) =	sbr.rel @p0 .LBB2_34-.Ltmp16, $2  }
0x9d: {  	_ =	sdelay $0x2  }
0x9e: {  	s29 =	sadd.s32 $0x400, s29;
	s30 =	sadd.s32 s30, s15  }
0x9f: {  	[tilespmem:s26], [sflag:$0x1] =	stream.linear.gather [hbm4b:s30+s1], $0x80, $0x38;
	[tilespmem:$0x1C000] =	vst v63  }
0xa0: {  	s26 =	simm.s32 $0x10280  }
0xa1: {  	s28 =	simm.s32 $0x80;
	s30 =	sadd.s32 $0x0, s16;
	s29 =	simm.s32 $0x10680  }
.LBB2_36:
0xa2: {  	[tilespmem:s26], [sflag:$0x1] =	stream.linear.gather [hbm4b:s30+s1], $0x80, $0x38;
	[tilespmem:$0x1C000] =	vst v63  }
0xa3: {  	s30 =	smov.u32 s28;
	s26 =	smov.u32 s29;
	p0 =	sne.s32 s28, $0xF80  }
.Ltmp17:
0xa4: {  	s28 =	sadd.s32 $0x80, s28;
	(pc) =	sbr.rel @p0 .LBB2_36-.Ltmp17, $2  }
0xa5: {  	_ =	sdelay $0x2  }
0xa6: {  	s29 =	sadd.s32 $0x400, s29;
	s30 =	sadd.s32 s30, s16  }
0xa7: {  	[tilespmem:s26], [sflag:$0x1] =	stream.linear.gather [hbm4b:s30+s1], $0x80, $0x38;
	[tilespmem:$0x1C000] =	vst v63  }
0xa8: {  	s26 =	simm.s32 $0x300  }
0xa9: {  	s28 =	simm.s32 $0x80;
	s30 =	sadd.s32 $0x0, s17;
	s29 =	simm.s32 $0x700  }
.LBB2_38:
0xaa: {  	[tilespmem:s26], [sflag:$0x1] =	stream.linear.gather [hbm4b:s30+s1], $0x80, $0x38;
	[tilespmem:$0x1C000] =	vst v63  }
0xab: {  	s30 =	smov.u32 s28;
	s26 =	smov.u32 s29;
	p0 =	sne.s32 s28, $0xF80  }
.Ltmp18:
0xac: {  	s28 =	sadd.s32 $0x80, s28;
	(pc) =	sbr.rel @p0 .LBB2_38-.Ltmp18, $2  }
0xad: {  	_ =	sdelay $0x2  }
0xae: {  	s29 =	sadd.s32 $0x400, s29;
	s30 =	sadd.s32 s30, s17  }
0xaf: {  	[tilespmem:s26], [sflag:$0x1] =	stream.linear.gather [hbm4b:s30+s1], $0x80, $0x38;
	[tilespmem:$0x1C000] =	vst v63  }
0xb0: {  	s26 =	simm.s32 $0x8300  }
0xb1: {  	s28 =	simm.s32 $0x80;
	s30 =	sadd.s32 $0x0, s18;
	s29 =	simm.s32 $0x8700  }
.LBB2_40:
0xb2: {  	[tilespmem:s26], [sflag:$0x1] =	stream.linear.gather [hbm4b:s30+s1], $0x80, $0x38;
	[tilespmem:$0x1C000] =	vst v63  }
0xb3: {  	s30 =	smov.u32 s28;
	s26 =	smov.u32 s29;
	p0 =	sne.s32 s28, $0xF80  }
.Ltmp19:
0xb4: {  	s28 =	sadd.s32 $0x80, s28;
	(pc) =	sbr.rel @p0 .LBB2_40-.Ltmp19, $2  }
0xb5: {  	_ =	sdelay $0x2  }
0xb6: {  	s29 =	sadd.s32 $0x400, s29;
	s30 =	sadd.s32 s30, s18  }
0xb7: {  	[tilespmem:s26], [sflag:$0x1] =	stream.linear.gather [hbm4b:s30+s1], $0x80, $0x38;
	[tilespmem:$0x1C000] =	vst v63  }
0xb8: {  	s26 =	simm.s32 $0x10300  }
0xb9: {  	s28 =	simm.s32 $0x80;
	s30 =	sadd.s32 $0x0, s19;
	s29 =	simm.s32 $0x10700  }
.LBB2_42:
0xba: {  	[tilespmem:s26], [sflag:$0x1] =	stream.linear.gather [hbm4b:s30+s1], $0x80, $0x38;
	[tilespmem:$0x1C000] =	vst v63  }
0xbb: {  	s30 =	smov.u32 s28;
	s26 =	smov.u32 s29;
	p0 =	sne.s32 s28, $0xF80  }
.Ltmp20:
0xbc: {  	s28 =	sadd.s32 $0x80, s28;
	(pc) =	sbr.rel @p0 .LBB2_42-.Ltmp20, $2  }
0xbd: {  	_ =	sdelay $0x2  }
0xbe: {  	s29 =	sadd.s32 $0x400, s29;
	s30 =	sadd.s32 s30, s19  }
0xbf: {  	[tilespmem:s26], [sflag:$0x1] =	stream.linear.gather [hbm4b:s30+s1], $0x80, $0x38;
	[tilespmem:$0x1C000] =	vst v63  }
0xc0: {  	s26 =	simm.s32 $0x380  }
0xc1: {  	s28 =	simm.s32 $0x80;
	s30 =	sadd.s32 $0x0, s24;
	s29 =	simm.s32 $0x780  }
.LBB2_44:
0xc2: {  	[tilespmem:s26], [sflag:$0x1] =	stream.linear.gather [hbm4b:s30+s1], $0x80, $0x38;
	[tilespmem:$0x1C000] =	vst v63  }
0xc3: {  	s30 =	smov.u32 s28;
	s26 =	smov.u32 s29;
	p0 =	sne.s32 s28, $0xF80  }
.Ltmp21:
0xc4: {  	s28 =	sadd.s32 $0x80, s28;
	(pc) =	sbr.rel @p0 .LBB2_44-.Ltmp21, $2  }
0xc5: {  	_ =	sdelay $0x2  }
0xc6: {  	s29 =	sadd.s32 $0x400, s29;
	s30 =	sadd.s32 s30, s24  }
0xc7: {  	[tilespmem:s26], [sflag:$0x1] =	stream.linear.gather [hbm4b:s30+s1], $0x80, $0x38;
	[tilespmem:$0x1C000] =	vst v63  }
0xc8: {  	s26 =	simm.s32 $0x8380  }
0xc9: {  	s28 =	simm.s32 $0x80;
	s30 =	sadd.s32 $0x0, s25;
	s29 =	simm.s32 $0x8780  }
.LBB2_46:
0xca: {  	[tilespmem:s26], [sflag:$0x1] =	stream.linear.gather [hbm4b:s30+s1], $0x80, $0x38;
	[tilespmem:$0x1C000] =	vst v63  }
0xcb: {  	s30 =	smov.u32 s28;
	s26 =	smov.u32 s29;
	p0 =	sne.s32 s28, $0xF80  }
.Ltmp22:
0xcc: {  	s28 =	sadd.s32 $0x80, s28;
	(pc) =	sbr.rel @p0 .LBB2_46-.Ltmp22, $2  }
0xcd: {  	_ =	sdelay $0x2  }
0xce: {  	s29 =	sadd.s32 $0x400, s29;
	s30 =	sadd.s32 s30, s25  }
0xcf: {  	[tilespmem:s26], [sflag:$0x1] =	stream.linear.gather [hbm4b:s30+s1], $0x80, $0x38;
	[tilespmem:$0x1C000] =	vst v63  }
0xd0: {  	s26 =	simm.s32 $0x0;
	s28 =	simm.s32 $0x10380  }
.LBB2_48:
0xd1: {  	p0 =	sne.s32 s26, $0xF80  }
.Ltmp23:
0xd2: {  	_ = 	snop;
	(pc) =	sbr.rel @p0 .LBB2_48-.Ltmp23, $4  }
0xd3: {  	_ = 	snop  }
0xd4: {  	s29 =	sadd.s32 s26, s31  }
0xd5: {  	[tilespmem:s28], [sflag:$0x1] =	stream.linear.gather [hbm4b:s29+s1], $0x80, $0x38;
	[tilespmem:$0x1C000] =	vst v63  }
0xd6: {  	s26 =	sadd.s32 $0x80, s26;
	s28 =	sadd.s32 $0x400, s28  }
0xd7: {  	s26 =	simm.s32 $0x18040  }
0xd8: {  	[tilespmem:s26+$0x30] =	vst v0  }
0xd9: {  	[tilespmem:s26+$0xFFFFFFF0] =	vst v0  }
0xda: {  	[tilespmem:s26+$0xFFFFFFC0] =	vst v0  }
0xdb: {  	[tilespmem:s26+$0xFFFFFFE0] =	vst v0  }
0xdc: {  	[tilespmem:s26+$0x10] =	vst v0  }
0xdd: {  	[tilespmem:s26+$0x20] =	vst v0  }
0xde: {  	[tilespmem:s26+$0x0] =	vst v0  }
0xdf: {  	s28 =	simm.s32 $0x1A040;
	[tilespmem:s26+$0xFFFFFFD0] =	vst v0  }
0xe0: {  	[tilespmem:s28+$0xFFFFFFC0] =	vst v0  }
0xe1: {  	[tilespmem:s28+$0x30] =	vst v0  }
0xe2: {  	[tilespmem:s28+$0x20] =	vst v0  }
0xe3: {  	[tilespmem:s28+$0x10] =	vst v0  }
0xe4: {  	[tilespmem:s28+$0xFFFFFFE0] =	vst v0  }
0xe5: {  	[tilespmem:s28+$0x0] =	vst v0  }
0xe6: {  	s29 =	simm.s32 $0x0;
	[tilespmem:s28+$0xFFFFFFF0] =	vst v0  }
.LBB2_50:
0xe7: {  	s29 =	sadd.s32 $0x8, s29;
	[tilespmem:s28+$0xFFFFFFD0] =	vst v0;
	s26 =	sadd.s32 $0x80, s26;
	s28 =	sadd.s32 $0x80, s28  }
0xe8: {  	[tilespmem:s26+$0x30] =	vst v0;
	p0 =	slt.u32 s29, $0x1F8  }
0xe9: {  	[tilespmem:s26+$0xFFFFFFF0] =	vst v0  }
0xea: {  	[tilespmem:s26+$0xFFFFFFC0] =	vst v0  }
0xeb: {  	[tilespmem:s28+$0xFFFFFFC0] =	vst v0  }
0xec: {  	[tilespmem:s28+$0x30] =	vst v0  }
0xed: {  	[tilespmem:s26+$0xFFFFFFE0] =	vst v0  }
0xee: {  	[tilespmem:s26+$0x10] =	vst v0  }
0xef: {  	[tilespmem:s26+$0x20] =	vst v0  }
0xf0: {  	[tilespmem:s28+$0x20] =	vst v0  }
0xf1: {  	[tilespmem:s28+$0x10] =	vst v0  }
.Ltmp24:
0xf2: {  	[tilespmem:s28+$0xFFFFFFE0] =	vst v0;
	(pc) =	sbr.rel @p0 .LBB2_50-.Ltmp24, $4  }
0xf3: {  	[tilespmem:s26+$0x0] =	vst v0  }
0xf4: {  	[tilespmem:s28+$0x0] =	vst v0  }
0xf5: {  	[tilespmem:s28+$0xFFFFFFF0] =	vst v0  }
0xf6: {  	[tilespmem:s26+$0xFFFFFFD0] =	vst v0  }
0xf7: {  	[tilespmem:s28+$0xFFFFFFD0] =	vst v0;
	s26 =	simm.s32 $0x1  }
0xf8: {  	_ =	swait.ge [sflag:s26], $0x1000  }
0xf9: {  	[sflag:s26] =	ssyncset.done $0x0  }
0xfa: {  	[sflag:s26] =	ssyncadd.s32 $0xFFFFF000  }
0xfb: {  	_ =	swait.ge [sflag:s26], $0x1000  }
0xfc: {  	[sflag:s26] =	ssyncset.done $0x0  }
0xfd: {  	[sflag:s26] =	ssyncadd.s32 $0xFFFFF000  }
0xfe: {  	_ =	swait.ge [sflag:s26], $0x1000  }
0xff: {  	[sflag:s26] =	ssyncset.done $0x0  }
0x100: {  	s29 =	simm.s32 $0x10040;
	[sflag:s26] =	ssyncadd.s32 $0xFFFFF000  }
0x101: {  	s30 =	simm.s32 $0x8040;
	v3 =	vld [tilespmem:s29+$0x30]  }
0x102: {  	s28 =	simm.s32 $0x40;
	v4 =	vld [tilespmem:s30+$0x30]  }
0x103: {  	v6 =	vld [tilespmem:s28+$0x30]  }
0x104: {  	v5 =	vld [tilespmem:s29+$0x20]  }
0x105: {  	v2 =	vld [tilespmem:s28+$0x10]  }
0x106: {  	v11 =	vld [tilespmem:s28+$0x20]  }
0x107: {  	v9 =	vld [tilespmem:s30+$0x0]  }
0x108: {  	v7 =	vld [tilespmem:s30+$0xFFFFFFF0];
	(xrf2) =	vadd.scan.msk.f32 $0xffff, v3  }
0x109: {  	v3 =	vld [tilespmem:s30+$0x20];
	(xrf2) =	vadd.scan.msk.f32 $0xffff, v4  }
0x10a: {  	v8 =	vld [tilespmem:s30+$0xFFFFFFE0]  }
0x10b: {  	v19 =	vld [tilespmem:s30+$0xFFFFFFC0]  }
0x10c: {  	v20 =	vld [tilespmem:s29+$0x10];
	v16 =	vperm.xlane v6, v1  }
0x10d: {  	v13 =	vld [tilespmem:s29+$0x0];
	(xrf2) =	vadd.scan.msk.f32 $0xffff, v5  }
0x10e: {  	v15 =	vld [tilespmem:s28+$0xFFFFFFE0];
	vm1 =	vne.s32 v6, v16;
	(xrf2) =	vadd.scan.msk.f32 $0xffff, v3  }
0x10f: {  	v22 =	vld [tilespmem:s29+$0xFFFFFFE0];
	vm2 =	vmor vm1, vm0  }
0x110: {  	v18 =	vld [tilespmem:s29+$0xFFFFFFC0];
	v21 =	vperm.xlane v11, v1  }
0x111: {  	v17 =	vld [tilespmem:s30+$0x10]  }
0x112: {  	v4 =	vld [tilespmem:s30+$0xFFFFFFD0];
	vm3 =	vne.s32 v11, v21;
	v14, _, _ =	vpop (xrf2)  }
0x113: {  	v5 =	vld [tilespmem:s28+$0x0];
	vm4 =	vmor vm3, vm0;
	v10, _, _ =	vpop (xrf2)  }
0x114: {  	v3 =	vld [tilespmem:s28+$0xFFFFFFD0];
	(xrf2) =	vadd.scan.msk.f32 $0xffff, v8;
	v12 =	vsub.f32 $0.0e+00, v10  }
0x115: {  	(xrf2) =	vadd.scan.msk.f32 $0xffff, v7;
	[tilespmem:v6+s22+$0x0] =	vst.idx.add.f32.msk vm2, v10  }
0x116: {  	[tilespmem:v16+s22+$0x0] =	vst.idx.add.f32.msk vm1, v12;
	v12 =	vperm.xlane v15, v1  }
0x117: {  	v8 =	vld [tilespmem:s28+$0xFFFFFFF0];
	(xrf2) =	vadd.scan.msk.f32 $0xffff, v20;
	v23, _, _ =	vpop (xrf2)  }
0x118: {  	[tilespmem:v6+s0+$0x0] =	vst.idx.add.f32.msk vm2, v14;
	v6, _, _ =	vpop (xrf2);
	vm6 =	vne.s32 v15, v12  }
0x119: {  	[tilespmem:v11+s22+$0x0] =	vst.idx.add.f32.msk vm4, v6;
	v6 =	vsub.f32 $0.0e+00, v6;
	vm8 =	vmor vm6, vm0  }
0x11a: {  	v24 =	vsub.f32 $0.0e+00, v14;
	(xrf2) =	vadd.scan.msk.f32 $0xffff, v19;
	v14 =	vld [tilespmem:s28+$0xFFFFFFC0]  }
0x11b: {  	v7 =	vperm.xlane v5, v1;
	v10 =	vperm.xlane v2, v1;
	[tilespmem:v21+s22+$0x0] =	vst.idx.add.f32.msk vm3, v6  }
0x11c: {  	v6 =	vperm.xlane v3, v1;
	[tilespmem:v11+s0+$0x0] =	vst.idx.add.f32.msk vm4, v23;
	v11 =	vsub.f32 $0.0e+00, v23  }
0x11d: {  	(xrf2) =	vadd.scan.msk.f32 $0xffff, v22;
	vm2 =	vne.s32 v5, v7;
	[tilespmem:v16+s0+$0x0] =	vst.idx.add.f32.msk vm1, v24;
	vm4 =	vne.s32 v2, v10  }
0x11e: {  	v20, _, _ =	vpop (xrf2);
	vm1 =	vne.s32 v3, v6;
	[tilespmem:v21+s0+$0x0] =	vst.idx.add.f32.msk vm3, v11;
	v11 =	vperm.xlane v8, v1  }
0x11f: {  	s31 =	simm.s32 $0x10440;
	s26 =	simm.s32 $0x0;
	vm5 =	vmor vm2, vm0;
	v19, _, _ =	vpop (xrf2);
	vm7 =	vmor vm4, vm0;
	vm3 =	vmor vm1, vm0;
	[tilespmem:v15+s22+$0x0] =	vst.idx.add.f32.msk vm8, v20  }
.LBB2_52:
0x120: {  	s26 =	sadd.s32 $0x8, s26;
	v20 =	vsub.f32 $0.0e+00, v20;
	v21 =	vld [tilespmem:s29+$0xFFFFFFF0];
	vm9 =	vne.s32 v8, v11;
	s28 =	sadd.s32 $0x400, s28;
	s30 =	sadd.s32 $0x400, s30;
	(xrf2) =	vadd.scan.msk.f32 $0xffff, v17  }
0x121: {  	v17 =	vld [tilespmem:s28+$0x30];
	p0 =	slt.u32 s26, $0xF8;
	vm10 =	vmor vm9, vm0;
	v22, _, _ =	vpop (xrf2)  }
0x122: {  	v24 =	vperm.xlane v14, v1;
	v23 =	vld [tilespmem:s31+$0x20];
	v25 =	vsub.f32 $0.0e+00, v22  }
0x123: {  	v26 =	vld [tilespmem:s31+$0x30];
	(xrf2) =	vadd.scan.msk.f32 $0xffff, v9  }
0x124: {  	vm11 =	vne.s32 v14, v24;
	v9 =	vld [tilespmem:s28+$0x10];
	v27, _, _ =	vpop (xrf2)  }
0x125: {  	vm12 =	vmor vm11, vm0;
	v16 =	vld [tilespmem:s28+$0x20]  }
0x126: {  	[tilespmem:v12+s22+$0x0] =	vst.idx.add.f32.msk vm6, v20;
	(xrf2) =	vadd.scan.msk.f32 $0xffff, v13  }
0x127: {  	[tilespmem:v8+s22+$0x0] =	vst.idx.add.f32.msk vm10, v19;
	v13, _, _ =	vpop (xrf2)  }
0x128: {  	v20 =	vld [tilespmem:s30+$0x20]  }
0x129: {  	[tilespmem:v15+s0+$0x0] =	vst.idx.add.f32.msk vm8, v13;
	v15 =	vsub.f32 $0.0e+00, v19;
	(xrf2) =	vadd.scan.msk.f32 $0xffff, v18  }
0x12a: {  	v18 =	vld [tilespmem:s30+$0x30];
	v19, _, _ =	vpop (xrf2)  }
0x12b: {  	[tilespmem:v2+s22+$0x0] =	vst.idx.add.f32.msk vm7, v19;
	v29 =	vsub.f32 $0.0e+00, v19  }
0x12c: {  	v28 =	vld [tilespmem:s29+$0xFFFFFFD0];
	(xrf2) =	vadd.scan.msk.f32 $0xffff, v21;
	s29 =	smov.u32 s31  }
0x12d: {  	[tilespmem:v10+s22+$0x0] =	vst.idx.add.f32.msk vm4, v29;
	v19, _, _ =	vpop (xrf2)  }
0x12e: {  	[tilespmem:v2+s0+$0x0] =	vst.idx.add.f32.msk vm7, v22;
	v2 =	vmov v9  }
0x12f: {  	v9 =	vsub.f32 $0.0e+00, v13;
	[tilespmem:v10+s0+$0x0] =	vst.idx.add.f32.msk vm4, v25;
	(xrf2) =	vadd.scan.msk.f32 $0xffff, v4  }
0x130: {  	v4 =	vsub.f32 $0.0e+00, v27;
	[tilespmem:v14+s22+$0x0] =	vst.idx.add.f32.msk vm12, v27;
	v10, _, _ =	vpop (xrf2)  }
0x131: {  	[tilespmem:v12+s0+$0x0] =	vst.idx.add.f32.msk vm6, v9  }
0x132: {  	v9 =	vsub.f32 $0.0e+00, v19;
	v12 =	vsub.f32 $0.0e+00, v10;
	[tilespmem:v11+s22+$0x0] =	vst.idx.add.f32.msk vm9, v15;
	(xrf2) =	vadd.scan.msk.f32 $0xffff, v28  }
0x133: {  	[tilespmem:v5+s22+$0x0] =	vst.idx.add.f32.msk vm5, v19;
	v13, _, _ =	vpop (xrf2)  }
0x134: {  	[tilespmem:v7+s22+$0x0] =	vst.idx.add.f32.msk vm2, v9  }
0x135: {  	[tilespmem:v5+s0+$0x0] =	vst.idx.add.f32.msk vm5, v10  }
0x136: {  	[tilespmem:v24+s22+$0x0] =	vst.idx.add.f32.msk vm11, v4;
	v5, _, _ =	vpop (xrf2)  }
0x137: {  	[tilespmem:v14+s0+$0x0] =	vst.idx.add.f32.msk vm12, v13  }
0x138: {  	[tilespmem:v8+s0+$0x0] =	vst.idx.add.f32.msk vm10, v5  }
0x139: {  	v8 =	vsub.f32 $0.0e+00, v13;
	v4 =	vld [tilespmem:s30+$0xFFFFFFD0];
	v10, _, _ =	vpop (xrf2)  }
0x13a: {  	[tilespmem:v3+s22+$0x0] =	vst.idx.add.f32.msk vm3, v10  }
0x13b: {  	[tilespmem:v24+s0+$0x0] =	vst.idx.add.f32.msk vm11, v8  }
0x13c: {  	(xrf2) =	vadd.scan.msk.f32 $0xffff, v26;
	[tilespmem:v7+s0+$0x0] =	vst.idx.add.f32.msk vm2, v12;
	v7, _, _ =	vpop (xrf2)  }
0x13d: {  	v9 =	vld [tilespmem:s30+$0x0]  }
0x13e: {  	v5 =	vsub.f32 $0.0e+00, v5;
	v8 =	vld [tilespmem:s30+$0xFFFFFFF0]  }
0x13f: {  	v12 =	vld [tilespmem:s30+$0xFFFFFFE0];
	(xrf2) =	vadd.scan.msk.f32 $0xffff, v18  }
0x140: {  	v19 =	vperm.xlane v17, v1;
	v10 =	vsub.f32 $0.0e+00, v10;
	[tilespmem:v11+s0+$0x0] =	vst.idx.add.f32.msk vm9, v5  }
0x141: {  	v11 =	vld [tilespmem:s30+$0xFFFFFFC0]  }
0x142: {  	vm9 =	vne.s32 v17, v19;
	v5 =	vsub.f32 $0.0e+00, v7;
	v14 =	vld [tilespmem:s31+$0x10];
	(xrf2) =	vadd.scan.msk.f32 $0xffff, v23  }
0x143: {  	v21 =	vperm.xlane v16, v1;
	vm2 =	vmor vm9, vm0;
	[tilespmem:v6+s22+$0x0] =	vst.idx.add.f32.msk vm1, v10  }
0x144: {  	[tilespmem:v3+s0+$0x0] =	vst.idx.add.f32.msk vm3, v7  }
0x145: {  	vm10 =	vne.s32 v16, v21;
	(xrf2) =	vadd.scan.msk.f32 $0xffff, v20;
	[tilespmem:v6+s0+$0x0] =	vst.idx.add.f32.msk vm1, v5  }
0x146: {  	v10 =	vperm.xlane v2, v1;
	vm1 =	vmor vm10, vm0;
	v13 =	vld [tilespmem:s31+$0x0];
	v20, _, _ =	vpop (xrf2)  }
0x147: {  	v5 =	vld [tilespmem:s28+$0x0]  }
0x148: {  	vm4 =	vne.s32 v2, v10;
	v15 =	vld [tilespmem:s28+$0xFFFFFFE0];
	(xrf2) =	vadd.scan.msk.f32 $0xffff, v12  }
0x149: {  	vm7 =	vmor vm4, vm0;
	v22 =	vld [tilespmem:s31+$0xFFFFFFE0];
	v6, _, _ =	vpop (xrf2)  }
0x14a: {  	v3 =	vld [tilespmem:s28+$0xFFFFFFD0];
	v12 =	vsub.f32 $0.0e+00, v6  }
0x14b: {  	[tilespmem:v17+s22+$0x0] =	vst.idx.add.f32.msk vm2, v6  }
0x14c: {  	v7 =	vperm.xlane v5, v1;
	[tilespmem:v19+s22+$0x0] =	vst.idx.add.f32.msk vm9, v12;
	(xrf2) =	vadd.scan.msk.f32 $0xffff, v8;
	v23, _, _ =	vpop (xrf2)  }
0x14d: {  	v12 =	vperm.xlane v15, v1;
	[tilespmem:v17+s0+$0x0] =	vst.idx.add.f32.msk vm2, v20  }
0x14e: {  	v8 =	vld [tilespmem:s28+$0xFFFFFFF0];
	vm2 =	vne.s32 v5, v7  }
0x14f: {  	v18 =	vld [tilespmem:s31+$0xFFFFFFC0];
	vm6 =	vne.s32 v15, v12;
	vm5 =	vmor vm2, vm0;
	(xrf2) =	vadd.scan.msk.f32 $0xffff, v14;
	v6, _, _ =	vpop (xrf2)  }
0x150: {  	vm8 =	vmor vm6, vm0;
	[tilespmem:v16+s22+$0x0] =	vst.idx.add.f32.msk vm1, v6;
	v14 =	vsub.f32 $0.0e+00, v6  }
0x151: {  	v17 =	vld [tilespmem:s30+$0x10]  }
0x152: {  	v24 =	vsub.f32 $0.0e+00, v20;
	v6 =	vperm.xlane v3, v1;
	[tilespmem:v21+s22+$0x0] =	vst.idx.add.f32.msk vm10, v14;
	(xrf2) =	vadd.scan.msk.f32 $0xffff, v11;
	v20, _, _ =	vpop (xrf2)  }
.Ltmp25:
0x153: {  	[tilespmem:v16+s0+$0x0] =	vst.idx.add.f32.msk vm1, v23;
	(pc) =	sbr.rel @p0 .LBB2_52-.Ltmp25, $4  }
0x154: {  	vm1 =	vne.s32 v3, v6;
	v16 =	vsub.f32 $0.0e+00, v23;
	v14 =	vld [tilespmem:s28+$0xFFFFFFC0]  }
0x155: {  	vm3 =	vmor vm1, vm0;
	[tilespmem:v19+s0+$0x0] =	vst.idx.add.f32.msk vm9, v24;
	(xrf2) =	vadd.scan.msk.f32 $0xffff, v22  }
0x156: {  	v11 =	vperm.xlane v8, v1;
	[tilespmem:v21+s0+$0x0] =	vst.idx.add.f32.msk vm10, v16;
	v19, _, _ =	vpop (xrf2)  }
0x157: {  	s31 =	sadd.s32 $0x400, s31;
	[tilespmem:v15+s22+$0x0] =	vst.idx.add.f32.msk vm8, v20  }
0x158: {  	(xrf2) =	vadd.scan.msk.f32 $0xffff, v17  }
0x159: {  	vm9 =	vne.s32 v8, v11  }
0x15a: {  	vm10 =	vmor vm9, vm0  }
0x15b: {  	v21 =	vperm.xlane v14, v1  }
0x15c: {  	v16 =	vsub.f32 $0.0e+00, v20  }
0x15d: {  	vm11 =	vne.s32 v14, v21  }
0x15e: {  	v17 =	vld [tilespmem:s29+$0xFFFFFFF0];
	v20, _, _ =	vpop (xrf2);
	(xrf2) =	vadd.scan.msk.f32 $0xffff, v9;
	vm12 =	vmor vm11, vm0  }
0x15f: {  	[tilespmem:v12+s22+$0x0] =	vst.idx.add.f32.msk vm6, v16;
	v9, _, _ =	vpop (xrf2)  }
0x160: {  	[tilespmem:v8+s22+$0x0] =	vst.idx.add.f32.msk vm10, v19;
	v16, _, _ =	vpop (xrf2)  }
0x161: {  	(xrf2) =	vadd.scan.msk.f32 $0xffff, v13;
	[tilespmem:v15+s0+$0x0] =	vst.idx.add.f32.msk vm8, v16  }
0x162: {  	(xrf2) =	vadd.scan.msk.f32 $0xffff, v18;
	v15 =	vld [tilespmem:s29+$0xFFFFFFD0];
	v13, _, _ =	vpop (xrf2)  }
0x163: {  	(xrf2) =	vadd.scan.msk.f32 $0xffff, v17;
	[tilespmem:v2+s22+$0x0] =	vst.idx.add.f32.msk vm7, v13;
	v13 =	vsub.f32 $0.0e+00, v13  }
0x164: {  	[tilespmem:v14+s22+$0x0] =	vst.idx.add.f32.msk vm12, v9;
	(xrf2) =	vadd.scan.msk.f32 $0xffff, v4;
	v4 =	vsub.f32 $0.0e+00, v19  }
0x165: {  	[tilespmem:v10+s22+$0x0] =	vst.idx.add.f32.msk vm4, v13  }
0x166: {  	v18 =	vsub.f32 $0.0e+00, v20;
	[tilespmem:v11+s22+$0x0] =	vst.idx.add.f32.msk vm9, v4  }
0x167: {  	[tilespmem:v2+s0+$0x0] =	vst.idx.add.f32.msk vm7, v20;
	v2 =	vsub.f32 $0.0e+00, v16  }
0x168: {  	v4 =	vsub.f32 $0.0e+00, v9;
	[tilespmem:v10+s0+$0x0] =	vst.idx.add.f32.msk vm4, v18;
	v10, _, _ =	vpop (xrf2)  }
0x169: {  	(xrf2) =	vadd.scan.msk.f32 $0xffff, v15;
	[tilespmem:v12+s0+$0x0] =	vst.idx.add.f32.msk vm6, v2;
	v2 =	vsub.f32 $0.0e+00, v10  }
0x16a: {  	[tilespmem:v21+s22+$0x0] =	vst.idx.add.f32.msk vm11, v4  }
0x16b: {  	[tilespmem:v5+s22+$0x0] =	vst.idx.add.f32.msk vm5, v10  }
0x16c: {  	v9, _, _ =	vpop (xrf2);
	[tilespmem:v7+s22+$0x0] =	vst.idx.add.f32.msk vm2, v2  }
0x16d: {  	[tilespmem:v5+s0+$0x0] =	vst.idx.add.f32.msk vm5, v9;
	v2, _, _ =	vpop (xrf2)  }
0x16e: {  	v4, _, _ =	vpop (xrf2);
	[tilespmem:v14+s0+$0x0] =	vst.idx.add.f32.msk vm12, v2  }
0x16f: {  	v2 =	vsub.f32 $0.0e+00, v2;
	[tilespmem:v8+s0+$0x0] =	vst.idx.add.f32.msk vm10, v4;
	v5, _, _ =	vpop (xrf2)  }
0x170: {  	v8 =	vsub.f32 $0.0e+00, v9;
	[tilespmem:v3+s22+$0x0] =	vst.idx.add.f32.msk vm3, v5  }
0x171: {  	[tilespmem:v21+s0+$0x0] =	vst.idx.add.f32.msk vm11, v2;
	v2 =	vsub.f32 $0.0e+00, v4  }
0x172: {  	v4 =	vsub.f32 $0.0e+00, v5;
	[tilespmem:v7+s0+$0x0] =	vst.idx.add.f32.msk vm2, v8  }
0x173: {  	v5, _, _ =	vpop (xrf2);
	[tilespmem:v11+s0+$0x0] =	vst.idx.add.f32.msk vm9, v2  }
0x174: {  	[tilespmem:v6+s22+$0x0] =	vst.idx.add.f32.msk vm1, v4;
	v2 =	vsub.f32 $0.0e+00, v5  }
0x175: {  	[tilespmem:v3+s0+$0x0] =	vst.idx.add.f32.msk vm3, v5  }
0x176: {  	s26 =	simm.s32 $0x1;
	[tilespmem:v6+s0+$0x0] =	vst.idx.add.f32.msk vm1, v2  }
0x177: {  	_ =	swait.ge [sflag:s26], $0x1000  }
0x178: {  	[sflag:s26] =	ssyncset.done $0x0  }
0x179: {  	[sflag:s26] =	ssyncadd.s32 $0xFFFFF000  }
0x17a: {  	_ =	swait.ge [sflag:s26], $0x1000  }
0x17b: {  	[sflag:s26] =	ssyncset.done $0x0  }
0x17c: {  	[sflag:s26] =	ssyncadd.s32 $0xFFFFF000  }
0x17d: {  	_ =	swait.ge [sflag:s26], $0x1000  }
0x17e: {  	[sflag:s26] =	ssyncset.done $0x0  }
0x17f: {  	s31 =	simm.s32 $0x100F0;
	[sflag:s26] =	ssyncadd.s32 $0xFFFFF000  }
0x180: {  	s29 =	simm.s32 $0x80F0;
	v2 =	vld [tilespmem:s31+$0xFFFFFFF0]  }
0x181: {  	v3 =	vld [tilespmem:s29+$0xFFFFFFF0]  }
0x182: {  	v4 =	vld [tilespmem:s29+$0xFFFFFFE0]  }
0x183: {  	v5 =	vld [tilespmem:s29+$0xFFFFFFD0]  }
0x184: {  	s30 =	simm.s32 $0xF0;
	v6 =	vld [tilespmem:s31+$0x0]  }
0x185: {  	v8 =	vld [tilespmem:s30+$0xFFFFFFF0]  }
0x186: {  	v11 =	vld [tilespmem:s30+$0x0]  }
0x187: {  	v7 =	vld [tilespmem:s29+$0x0];
	(xrf2) =	vadd.scan.msk.f32 $0xffff, v4  }
0x188: {  	v12 =	vld [tilespmem:s31+$0xFFFFFFE0];
	(xrf2) =	vadd.scan.msk.f32 $0xffff, v5  }
0x189: {  	v9 =	vld [tilespmem:s29+$0xFFFFFFC0];
	(xrf2) =	vadd.scan.msk.f32 $0xffff, v2  }
0x18a: {  	v13 =	vld [tilespmem:s29+$0xFFFFFFA0];
	(xrf2) =	vadd.scan.msk.f32 $0xffff, v3  }
0x18b: {  	v19 =	vld [tilespmem:s31+$0xFFFFFFD0];
	(xrf2) =	vadd.scan.msk.f32 $0xffff, v6  }
0x18c: {  	v16 =	vld [tilespmem:s31+$0xFFFFFFB0];
	(xrf2) =	vadd.scan.msk.f32 $0xffff, v7  }
0x18d: {  	v18 =	vld [tilespmem:s30+$0xFFFFFFD0];
	v14 =	vperm.xlane v8, v1  }
0x18e: {  	v21 =	vld [tilespmem:s31+$0xFFFFFFC0];
	v15 =	vperm.xlane v11, v1  }
0x18f: {  	v17 =	vld [tilespmem:s30+$0xFFFFFFC0];
	vm1 =	vne.s32 v8, v14  }
0x190: {  	v5 =	vld [tilespmem:s30+$0xFFFFFFE0];
	vm4 =	vne.s32 v11, v15;
	vm2 =	vmor vm1, vm0  }
0x191: {  	v24 =	vld [tilespmem:s30+$0xFFFFFFA0];
	v8 =	vadd.s32 $0x400, v8;
	vm6 =	vmor vm4, vm0;
	v3, _, _ =	vpop (xrf2)  }
0x192: {  	v4 =	vld [tilespmem:s29+$0xFFFFFF90];
	v11 =	vadd.s32 $0x400, v11;
	v10, _, _ =	vpop (xrf2)  }
0x193: {  	v2 =	vld [tilespmem:s31+$0xFFFFFFA0];
	v22 =	vadd.s32 $0x400, v14;
	v20, _, _ =	vpop (xrf2)  }
0x194: {  	v15 =	vadd.s32 $0x400, v15;
	v6 =	vld [tilespmem:s29+$0xFFFFFFB0];
	(xrf2) =	vadd.scan.msk.f32 $0xffff, v12;
	v14, _, _ =	vpop (xrf2)  }
0x195: {  	v7 =	vld [tilespmem:s30+$0xFFFFFFB0];
	v25 =	vperm.xlane v5, v1;
	v23, _, _ =	vpop (xrf2)  }
0x196: {  	(xrf2) =	vadd.scan.msk.f32 $0xffff, v16;
	[tilespmem:v8+s22+$0x0] =	vst.idx.add.f32.msk vm2, v14;
	v12 =	vsub.f32 $0.0e+00, v14;
	v14, _, _ =	vpop (xrf2)  }
0x197: {  	vm3 =	vne.s32 v5, v25;
	[tilespmem:v11+s22+$0x0] =	vst.idx.add.f32.msk vm6, v14;
	v14 =	vsub.f32 $0.0e+00, v14  }
0x198: {  	vm5 =	vmor vm3, vm0;
	(xrf2) =	vadd.scan.msk.f32 $0xffff, v13;
	[tilespmem:v22+s22+$0x0] =	vst.idx.add.f32.msk vm1, v12  }
0x199: {  	v12 =	vadd.s32 $0x400, v5;
	v5 =	vperm.xlane v18, v1;
	[tilespmem:v15+s22+$0x0] =	vst.idx.add.f32.msk vm4, v14;
	v14 =	vsub.f32 $0.0e+00, v23  }
0x19a: {  	[tilespmem:v11+s0+$0x0] =	vst.idx.add.f32.msk vm6, v23  }
0x19b: {  	(xrf2) =	vadd.scan.msk.f32 $0xffff, v21;
	[tilespmem:v15+s0+$0x0] =	vst.idx.add.f32.msk vm4, v14;
	vm4 =	vne.s32 v18, v5  }
0x19c: {  	[tilespmem:v8+s0+$0x0] =	vst.idx.add.f32.msk vm2, v20;
	v11 =	vsub.f32 $0.0e+00, v20;
	vm6 =	vmor vm4, vm0  }
0x19d: {  	v16 =	vadd.s32 $0x400, v18;
	v8 =	vperm.xlane v7, v1;
	v15 =	vperm.xlane v24, v1;
	v18 =	vld [tilespmem:s31+$0xFFFFFF90]  }
0x19e: {  	v13 =	vadd.s32 $0x400, v5;
	[tilespmem:v22+s0+$0x0] =	vst.idx.add.f32.msk vm1, v11;
	v22 =	vperm.xlane v17, v1;
	v20, _, _ =	vpop (xrf2);
	(xrf2) =	vadd.scan.msk.f32 $0xffff, v19  }
0x19f: {  	v14 =	vadd.s32 $0x400, v25;
	v5 =	vadd.s32 $0x400, v24;
	[tilespmem:v12+s22+$0x0] =	vst.idx.add.f32.msk vm5, v3;
	vm1 =	vne.s32 v24, v15  }
0x1a0: {  	s28 =	simm.s32 $0x0;
	s26 =	simm.s32 $0x104F0;
	v19 =	vld [tilespmem:s30+$0xFFFFFF90];
	vm2 =	vmor vm1, vm0;
	v21 =	vsub.f32 $0.0e+00, v20;
	v11, _, _ =	vpop (xrf2);
	vm7 =	vne.s32 v17, v22  }
.LBB2_54:
0x1a1: {  	v23 =	vld [tilespmem:s26+$0xFFFFFFF0];
	s28 =	sadd.s32 $0x8, s28;
	vm9 =	vmor vm7, vm0;
	s29 =	sadd.s32 $0x400, s29;
	s30 =	sadd.s32 $0x400, s30;
	(xrf2) =	vadd.scan.msk.f32 $0xffff, v9  }
0x1a2: {  	v9 =	vadd.s32 $0x400, v17;
	p0 =	slt.u32 s28, $0xF8;
	[tilespmem:v16+s22+$0x0] =	vst.idx.add.f32.msk vm6, v10;
	v10 =	vsub.f32 $0.0e+00, v10;
	v17, _, _ =	vpop (xrf2)  }
0x1a3: {  	v24 =	vld [tilespmem:s29+$0xFFFFFFF0]  }
0x1a4: {  	v22 =	vadd.s32 $0x400, v22;
	[tilespmem:v13+s22+$0x0] =	vst.idx.add.f32.msk vm4, v10;
	(xrf2) =	vadd.scan.msk.f32 $0xffff, v6  }
0x1a5: {  	vm8 =	vne.s32 v7, v8;
	v6 =	vld [tilespmem:s26+$0x0];
	v10 =	vperm.xlane v19, v1;
	v25, _, _ =	vpop (xrf2)  }
0x1a6: {  	vm10 =	vmor vm8, vm0;
	v26 =	vld [tilespmem:s30+$0xFFFFFFF0]  }
0x1a7: {  	v7 =	vadd.s32 $0x400, v7;
	v3 =	vsub.f32 $0.0e+00, v3;
	v27 =	vld [tilespmem:s30+$0x0];
	(xrf2) =	vadd.scan.msk.f32 $0xffff, v4  }
0x1a8: {  	v4 =	vld [tilespmem:s29+$0x0];
	v28, _, _ =	vpop (xrf2)  }
0x1a9: {  	v15 =	vadd.s32 $0x400, v15;
	v29 =	vsub.f32 $0.0e+00, v25;
	[tilespmem:v14+s22+$0x0] =	vst.idx.add.f32.msk vm3, v3  }
0x1aa: {  	v3 =	vld [tilespmem:s29+$0xFFFFFFE0]  }
0x1ab: {  	[tilespmem:v12+s0+$0x0] =	vst.idx.add.f32.msk vm5, v20;
	(xrf2) =	vadd.scan.msk.f32 $0xffff, v18;
	v12, _, _ =	vpop (xrf2)  }
0x1ac: {  	v18 =	vld [tilespmem:s26+$0xFFFFFFE0]  }
0x1ad: {  	v20 =	vld [tilespmem:s30+$0xFFFFFFE0]  }
0x1ae: {  	vm5 =	vne.s32 v19, v10;
	[tilespmem:v14+s0+$0x0] =	vst.idx.add.f32.msk vm3, v21;
	v14, _, _ =	vpop (xrf2)  }
0x1af: {  	vm3 =	vmor vm5, vm0;
	(xrf2) =	vadd.scan.msk.f32 $0xffff, v3;
	[tilespmem:v16+s0+$0x0] =	vst.idx.add.f32.msk vm6, v28  }
0x1b0: {  	v16 =	vadd.s32 $0x400, v19;
	v3 =	vsub.f32 $0.0e+00, v12;
	[tilespmem:v9+s22+$0x0] =	vst.idx.add.f32.msk vm9, v12  }
0x1b1: {  	v19 =	vadd.s32 $0x400, v10;
	v12 =	vld [tilespmem:s29+$0xFFFFFFD0];
	v10, _, _ =	vpop (xrf2)  }
0x1b2: {  	[tilespmem:v22+s22+$0x0] =	vst.idx.add.f32.msk vm7, v3;
	v3 =	vsub.f32 $0.0e+00, v28;
	(xrf2) =	vadd.scan.msk.f32 $0xffff, v2  }
0x1b3: {  	v2 =	vadd.s32 $0x400, v8;
	[tilespmem:v9+s0+$0x0] =	vst.idx.add.f32.msk vm9, v25  }
0x1b4: {  	[tilespmem:v13+s0+$0x0] =	vst.idx.add.f32.msk vm4, v3  }
0x1b5: {  	[tilespmem:v7+s22+$0x0] =	vst.idx.add.f32.msk vm10, v14;
	v8, _, _ =	vpop (xrf2)  }
0x1b6: {  	(xrf2) =	vadd.scan.msk.f32 $0xffff, v12;
	v12 =	vsub.f32 $0.0e+00, v14;
	[tilespmem:v22+s0+$0x0] =	vst.idx.add.f32.msk vm7, v29  }
0x1b7: {  	[tilespmem:v16+s22+$0x0] =	vst.idx.add.f32.msk vm3, v10  }
0x1b8: {  	v9 =	vsub.f32 $0.0e+00, v11;
	[tilespmem:v2+s22+$0x0] =	vst.idx.add.f32.msk vm8, v12  }
0x1b9: {  	v3, _, _ =	vpop (xrf2);
	(xrf2) =	vadd.scan.msk.f32 $0xffff, v23;
	[tilespmem:v7+s0+$0x0] =	vst.idx.add.f32.msk vm10, v11  }
0x1ba: {  	v10 =	vsub.f32 $0.0e+00, v10;
	[tilespmem:v2+s0+$0x0] =	vst.idx.add.f32.msk vm8, v9  }
0x1bb: {  	v2 =	vsub.f32 $0.0e+00, v17;
	[tilespmem:v5+s22+$0x0] =	vst.idx.add.f32.msk vm2, v17  }
0x1bc: {  	(xrf2) =	vadd.scan.msk.f32 $0xffff, v24;
	[tilespmem:v19+s22+$0x0] =	vst.idx.add.f32.msk vm5, v10;
	v7, _, _ =	vpop (xrf2)  }
0x1bd: {  	[tilespmem:v15+s22+$0x0] =	vst.idx.add.f32.msk vm1, v2;
	v2 =	vsub.f32 $0.0e+00, v7  }
0x1be: {  	v11 =	vperm.xlane v26, v1;
	v9 =	vsub.f32 $0.0e+00, v8;
	[tilespmem:v5+s0+$0x0] =	vst.idx.add.f32.msk vm2, v7  }
0x1bf: {  	(xrf2) =	vadd.scan.msk.f32 $0xffff, v6;
	[tilespmem:v16+s0+$0x0] =	vst.idx.add.f32.msk vm3, v8  }
0x1c0: {  	v5 =	vperm.xlane v27, v1;
	v10, _, _ =	vpop (xrf2);
	[tilespmem:v15+s0+$0x0] =	vst.idx.add.f32.msk vm1, v2  }
0x1c1: {  	[tilespmem:v19+s0+$0x0] =	vst.idx.add.f32.msk vm5, v9  }
0x1c2: {  	v9 =	vld [tilespmem:s29+$0xFFFFFFC0]  }
0x1c3: {  	v6 =	vld [tilespmem:s29+$0xFFFFFFB0];
	v19, _, _ =	vpop (xrf2)  }
0x1c4: {  	v14 =	vperm.xlane v20, v1;
	v13 =	vld [tilespmem:s29+$0xFFFFFFA0];
	(xrf2) =	vadd.scan.msk.f32 $0xffff, v4  }
0x1c5: {  	vm1 =	vne.s32 v27, v5;
	v4 =	vld [tilespmem:s29+$0xFFFFFF90]  }
0x1c6: {  	vm8 =	vmor vm1, vm0;
	v23 =	vld [tilespmem:s26+$0xFFFFFFD0];
	v15, _, _ =	vpop (xrf2)  }
0x1c7: {  	vm7 =	vne.s32 v26, v11;
	v2 =	vld [tilespmem:s26+$0xFFFFFFA0]  }
0x1c8: {  	vm2 =	vmor vm7, vm0;
	v8 =	vld [tilespmem:s26+$0xFFFFFFB0]  }
0x1c9: {  	v21 =	vadd.s32 $0x400, v26;
	vm3 =	vne.s32 v20, v14;
	v7 =	vld [tilespmem:s30+$0xFFFFFFB0];
	(xrf2) =	vadd.scan.msk.f32 $0xffff, v18;
	v16, _, _ =	vpop (xrf2)  }
0x1ca: {  	v22 =	vadd.s32 $0x400, v27;
	vm5 =	vmor vm3, vm0;
	v18 =	vld [tilespmem:s30+$0xFFFFFFD0]  }
0x1cb: {  	v11 =	vadd.s32 $0x400, v11;
	v24 =	vld [tilespmem:s26+$0xFFFFFFC0]  }
0x1cc: {  	v12 =	vadd.s32 $0x400, v20;
	v5 =	vadd.s32 $0x400, v5;
	v17 =	vld [tilespmem:s30+$0xFFFFFFC0]  }
0x1cd: {  	v25 =	vld [tilespmem:s30+$0xFFFFFFA0];
	(xrf2) =	vadd.scan.msk.f32 $0xffff, v8  }
0x1ce: {  	v14 =	vadd.s32 $0x400, v14;
	v8 =	vperm.xlane v7, v1;
	[tilespmem:v21+s22+$0x0] =	vst.idx.add.f32.msk vm2, v15;
	v15 =	vsub.f32 $0.0e+00, v15;
	v20, _, _ =	vpop (xrf2)  }
0x1cf: {  	v26 =	vperm.xlane v18, v1;
	[tilespmem:v22+s22+$0x0] =	vst.idx.add.f32.msk vm8, v20;
	v20 =	vsub.f32 $0.0e+00, v20  }
0x1d0: {  	[tilespmem:v11+s22+$0x0] =	vst.idx.add.f32.msk vm7, v15;
	(xrf2) =	vadd.scan.msk.f32 $0xffff, v13  }
0x1d1: {  	v13 =	vsub.f32 $0.0e+00, v16;
	vm4 =	vne.s32 v18, v26;
	[tilespmem:v5+s22+$0x0] =	vst.idx.add.f32.msk vm1, v20  }
0x1d2: {  	v15 =	vperm.xlane v25, v1;
	vm6 =	vmor vm4, vm0;
	[tilespmem:v22+s0+$0x0] =	vst.idx.add.f32.msk vm8, v16  }
0x1d3: {  	v16 =	vadd.s32 $0x400, v18;
	v18 =	vsub.f32 $0.0e+00, v19;
	[tilespmem:v5+s0+$0x0] =	vst.idx.add.f32.msk vm1, v13;
	(xrf2) =	vadd.scan.msk.f32 $0xffff, v24;
	v20, _, _ =	vpop (xrf2)  }
.Ltmp26:
0x1d4: {  	v13 =	vadd.s32 $0x400, v26;
	vm1 =	vne.s32 v25, v15;
	[tilespmem:v21+s0+$0x0] =	vst.idx.add.f32.msk vm2, v19;
	(pc) =	sbr.rel @p0 .LBB2_54-.Ltmp26, $4  }
0x1d5: {  	v21 =	vsub.f32 $0.0e+00, v20;
	vm2 =	vmor vm1, vm0;
	[tilespmem:v11+s0+$0x0] =	vst.idx.add.f32.msk vm7, v18  }
0x1d6: {  	v22 =	vperm.xlane v17, v1;
	v5 =	vadd.s32 $0x400, v25;
	v18 =	vld [tilespmem:s26+$0xFFFFFF90];
	(xrf2) =	vadd.scan.msk.f32 $0xffff, v23  }
0x1d7: {  	[tilespmem:v12+s22+$0x0] =	vst.idx.add.f32.msk vm5, v3;
	v11, _, _ =	vpop (xrf2)  }
0x1d8: {  	vm7 =	vne.s32 v17, v22;
	s26 =	sadd.s32 $0x400, s26;
	v19 =	vld [tilespmem:s30+$0xFFFFFF90]  }
0x1d9: {  	_ = 	snop  }
0x1da: {  	(xrf2) =	vadd.scan.msk.f32 $0xffff, v9  }
0x1db: {  	(xrf2) =	vadd.scan.msk.f32 $0xffff, v6;
	_ =	sdelay $0x1  }
0x1dc: {  	v9 =	vsub.f32 $0.0e+00, v10  }
0x1dd: {  	[tilespmem:v16+s22+$0x0] =	vst.idx.add.f32.msk vm6, v10;
	v3 =	vsub.f32 $0.0e+00, v3  }
0x1de: {  	vm9 =	vmor vm7, vm0;
	vm8 =	vne.s32 v7, v8;
	[tilespmem:v13+s22+$0x0] =	vst.idx.add.f32.msk vm4, v9  }
0x1df: {  	v6 =	vadd.s32 $0x400, v17;
	v10, _, _ =	vpop (xrf2);
	vm10 =	vmor vm8, vm0;
	[tilespmem:v14+s22+$0x0] =	vst.idx.add.f32.msk vm3, v3  }
0x1e0: {  	v7 =	vadd.s32 $0x400, v7;
	(xrf2) =	vadd.scan.msk.f32 $0xffff, v4;
	[tilespmem:v5+s22+$0x0] =	vst.idx.add.f32.msk vm2, v10  }
0x1e1: {  	v4 =	vadd.s32 $0x400, v22;
	[tilespmem:v12+s0+$0x0] =	vst.idx.add.f32.msk vm5, v20;
	v9, _, _ =	vpop (xrf2)  }
0x1e2: {  	[tilespmem:v14+s0+$0x0] =	vst.idx.add.f32.msk vm3, v21;
	v17, _, _ =	vpop (xrf2)  }
0x1e3: {  	v3 =	vperm.xlane v19, v1;
	[tilespmem:v16+s0+$0x0] =	vst.idx.add.f32.msk vm6, v17;
	v12, _, _ =	vpop (xrf2);
	(xrf2) =	vadd.scan.msk.f32 $0xffff, v18  }
0x1e4: {  	v14 =	vsub.f32 $0.0e+00, v12;
	[tilespmem:v6+s22+$0x0] =	vst.idx.add.f32.msk vm9, v12;
	(xrf2) =	vadd.scan.msk.f32 $0xffff, v2;
	v2 =	vadd.s32 $0x400, v8;
	v8, _, _ =	vpop (xrf2)  }
0x1e5: {  	vm3 =	vne.s32 v19, v3;
	[tilespmem:v7+s22+$0x0] =	vst.idx.add.f32.msk vm10, v8  }
0x1e6: {  	vm5 =	vmor vm3, vm0;
	[tilespmem:v4+s22+$0x0] =	vst.idx.add.f32.msk vm7, v14;
	v14 =	vsub.f32 $0.0e+00, v17  }
0x1e7: {  	v12 =	vadd.s32 $0x400, v19;
	[tilespmem:v6+s0+$0x0] =	vst.idx.add.f32.msk vm9, v9;
	v6 =	vsub.f32 $0.0e+00, v9  }
0x1e8: {  	v8 =	vsub.f32 $0.0e+00, v8;
	[tilespmem:v13+s0+$0x0] =	vst.idx.add.f32.msk vm4, v14  }
0x1e9: {  	v3 =	vadd.s32 $0x400, v3;
	[tilespmem:v4+s0+$0x0] =	vst.idx.add.f32.msk vm7, v6  }
0x1ea: {  	v9, _, _ =	vpop (xrf2);
	v4 =	vadd.s32 $0x400, v15;
	[tilespmem:v2+s22+$0x0] =	vst.idx.add.f32.msk vm8, v8;
	v6 =	vsub.f32 $0.0e+00, v11  }
0x1eb: {  	[tilespmem:v7+s0+$0x0] =	vst.idx.add.f32.msk vm10, v11;
	v7 =	vsub.f32 $0.0e+00, v9  }
0x1ec: {  	[tilespmem:v12+s22+$0x0] =	vst.idx.add.f32.msk vm5, v9  }
0x1ed: {  	[tilespmem:v2+s0+$0x0] =	vst.idx.add.f32.msk vm8, v6;
	v2 =	vsub.f32 $0.0e+00, v10  }
0x1ee: {  	[tilespmem:v3+s22+$0x0] =	vst.idx.add.f32.msk vm3, v7;
	v6, _, _ =	vpop (xrf2)  }
0x1ef: {  	v7, _, _ =	vpop (xrf2);
	[tilespmem:v4+s22+$0x0] =	vst.idx.add.f32.msk vm1, v2  }
0x1f0: {  	[tilespmem:v12+s0+$0x0] =	vst.idx.add.f32.msk vm5, v6;
	v2 =	vsub.f32 $0.0e+00, v7  }
0x1f1: {  	[tilespmem:v5+s0+$0x0] =	vst.idx.add.f32.msk vm2, v7;
	v5 =	vsub.f32 $0.0e+00, v6  }
0x1f2: {  	[tilespmem:v4+s0+$0x0] =	vst.idx.add.f32.msk vm1, v2  }
0x1f3: {  	s26 =	simm.s32 $0x1;
	[tilespmem:v3+s0+$0x0] =	vst.idx.add.f32.msk vm3, v5  }
0x1f4: {  	_ =	swait.ge [sflag:s26], $0x1000  }
0x1f5: {  	[sflag:s26] =	ssyncset.done $0x0  }
0x1f6: {  	[sflag:s26] =	ssyncadd.s32 $0xFFFFF000  }
0x1f7: {  	_ =	swait.ge [sflag:s26], $0x1000  }
0x1f8: {  	[sflag:s26] =	ssyncset.done $0x0  }
0x1f9: {  	[sflag:s26] =	ssyncadd.s32 $0xFFFFF000  }
0x1fa: {  	_ =	swait.ge [sflag:s26], $0x1000  }
0x1fb: {  	[sflag:s26] =	ssyncset.done $0x0  }
0x1fc: {  	[sflag:s26] =	ssyncadd.s32 $0xFFFFF000;
	s26 =	simm.s32 $0x10170  }
0x1fd: {  	s29 =	simm.s32 $0x8170;
	v2 =	vld [tilespmem:s26+$0xFFFFFFF0]  }
0x1fe: {  	v3 =	vld [tilespmem:s29+$0xFFFFFFF0]  }
0x1ff: {  	v4 =	vld [tilespmem:s29+$0xFFFFFFE0]  }
0x200: {  	v5 =	vld [tilespmem:s29+$0xFFFFFFD0]  }
0x201: {  	s30 =	simm.s32 $0x170;
	v6 =	vld [tilespmem:s26+$0x0]  }
0x202: {  	v8 =	vld [tilespmem:s30+$0xFFFFFFF0]  }
0x203: {  	v11 =	vld [tilespmem:s30+$0x0]  }
0x204: {  	v7 =	vld [tilespmem:s29+$0x0];
	(xrf2) =	vadd.scan.msk.f32 $0xffff, v4  }
0x205: {  	v12 =	vld [tilespmem:s26+$0xFFFFFFE0];
	(xrf2) =	vadd.scan.msk.f32 $0xffff, v5  }
0x206: {  	v9 =	vld [tilespmem:s29+$0xFFFFFFC0];
	(xrf2) =	vadd.scan.msk.f32 $0xffff, v2  }
0x207: {  	v13 =	vld [tilespmem:s29+$0xFFFFFFA0];
	(xrf2) =	vadd.scan.msk.f32 $0xffff, v3  }
0x208: {  	v19 =	vld [tilespmem:s26+$0xFFFFFFD0];
	(xrf2) =	vadd.scan.msk.f32 $0xffff, v6  }
0x209: {  	v16 =	vld [tilespmem:s26+$0xFFFFFFB0];
	(xrf2) =	vadd.scan.msk.f32 $0xffff, v7  }
0x20a: {  	v18 =	vld [tilespmem:s30+$0xFFFFFFD0];
	v14 =	vperm.xlane v8, v1  }
0x20b: {  	v21 =	vld [tilespmem:s26+$0xFFFFFFC0];
	v15 =	vperm.xlane v11, v1  }
0x20c: {  	v17 =	vld [tilespmem:s30+$0xFFFFFFC0];
	vm1 =	vne.s32 v8, v14  }
0x20d: {  	v5 =	vld [tilespmem:s30+$0xFFFFFFE0];
	vm4 =	vne.s32 v11, v15;
	vm2 =	vmor vm1, vm0  }
0x20e: {  	v24 =	vld [tilespmem:s30+$0xFFFFFFA0];
	v8 =	vadd.s32 $0x800, v8;
	vm6 =	vmor vm4, vm0;
	v3, _, _ =	vpop (xrf2)  }
0x20f: {  	v4 =	vld [tilespmem:s29+$0xFFFFFF90];
	v11 =	vadd.s32 $0x800, v11;
	v10, _, _ =	vpop (xrf2)  }
0x210: {  	v2 =	vld [tilespmem:s26+$0xFFFFFFA0];
	v22 =	vadd.s32 $0x800, v14;
	v20, _, _ =	vpop (xrf2)  }
0x211: {  	v15 =	vadd.s32 $0x800, v15;
	v6 =	vld [tilespmem:s29+$0xFFFFFFB0];
	(xrf2) =	vadd.scan.msk.f32 $0xffff, v12;
	v14, _, _ =	vpop (xrf2)  }
0x212: {  	v7 =	vld [tilespmem:s30+$0xFFFFFFB0];
	v25 =	vperm.xlane v5, v1;
	v23, _, _ =	vpop (xrf2)  }
0x213: {  	(xrf2) =	vadd.scan.msk.f32 $0xffff, v16;
	[tilespmem:v8+s22+$0x0] =	vst.idx.add.f32.msk vm2, v14;
	v12 =	vsub.f32 $0.0e+00, v14;
	v14, _, _ =	vpop (xrf2)  }
0x214: {  	vm3 =	vne.s32 v5, v25;
	[tilespmem:v11+s22+$0x0] =	vst.idx.add.f32.msk vm6, v14;
	v14 =	vsub.f32 $0.0e+00, v14  }
0x215: {  	vm5 =	vmor vm3, vm0;
	(xrf2) =	vadd.scan.msk.f32 $0xffff, v13;
	[tilespmem:v22+s22+$0x0] =	vst.idx.add.f32.msk vm1, v12  }
0x216: {  	v12 =	vadd.s32 $0x800, v5;
	v5 =	vperm.xlane v18, v1;
	[tilespmem:v15+s22+$0x0] =	vst.idx.add.f32.msk vm4, v14;
	v14 =	vsub.f32 $0.0e+00, v23  }
0x217: {  	[tilespmem:v11+s0+$0x0] =	vst.idx.add.f32.msk vm6, v23  }
0x218: {  	(xrf2) =	vadd.scan.msk.f32 $0xffff, v21;
	[tilespmem:v15+s0+$0x0] =	vst.idx.add.f32.msk vm4, v14;
	vm4 =	vne.s32 v18, v5  }
0x219: {  	[tilespmem:v8+s0+$0x0] =	vst.idx.add.f32.msk vm2, v20;
	v11 =	vsub.f32 $0.0e+00, v20;
	vm6 =	vmor vm4, vm0  }
0x21a: {  	v16 =	vadd.s32 $0x800, v18;
	v8 =	vperm.xlane v7, v1;
	v15 =	vperm.xlane v24, v1;
	v18 =	vld [tilespmem:s26+$0xFFFFFF90]  }
0x21b: {  	v13 =	vadd.s32 $0x800, v5;
	[tilespmem:v22+s0+$0x0] =	vst.idx.add.f32.msk vm1, v11;
	v22 =	vperm.xlane v17, v1;
	v20, _, _ =	vpop (xrf2);
	(xrf2) =	vadd.scan.msk.f32 $0xffff, v19  }
0x21c: {  	v14 =	vadd.s32 $0x800, v25;
	v5 =	vadd.s32 $0x800, v24;
	[tilespmem:v12+s22+$0x0] =	vst.idx.add.f32.msk vm5, v3;
	vm1 =	vne.s32 v24, v15  }
0x21d: {  	s28 =	simm.s32 $0x0;
	s26 =	simm.s32 $0x10570;
	v19 =	vld [tilespmem:s30+$0xFFFFFF90];
	s31 =	rddreg [dreg:$0x5];
	vm2 =	vmor vm1, vm0;
	v21 =	vsub.f32 $0.0e+00, v20;
	v11, _, _ =	vpop (xrf2);
	vm7 =	vne.s32 v17, v22  }
.LBB2_56:
0x21e: {  	v23 =	vld [tilespmem:s26+$0xFFFFFFF0];
	s28 =	sadd.s32 $0x8, s28;
	vm9 =	vmor vm7, vm0;
	s29 =	sadd.s32 $0x400, s29;
	s30 =	sadd.s32 $0x400, s30;
	(xrf2) =	vadd.scan.msk.f32 $0xffff, v9  }
0x21f: {  	v9 =	vadd.s32 $0x800, v17;
	p0 =	slt.u32 s28, $0xF8;
	[tilespmem:v16+s22+$0x0] =	vst.idx.add.f32.msk vm6, v10;
	v10 =	vsub.f32 $0.0e+00, v10;
	v17, _, _ =	vpop (xrf2)  }
0x220: {  	v24 =	vld [tilespmem:s29+$0xFFFFFFF0]  }
0x221: {  	v22 =	vadd.s32 $0x800, v22;
	[tilespmem:v13+s22+$0x0] =	vst.idx.add.f32.msk vm4, v10;
	(xrf2) =	vadd.scan.msk.f32 $0xffff, v6  }
0x222: {  	vm8 =	vne.s32 v7, v8;
	v6 =	vld [tilespmem:s26+$0x0];
	v10 =	vperm.xlane v19, v1;
	v25, _, _ =	vpop (xrf2)  }
0x223: {  	vm10 =	vmor vm8, vm0;
	v26 =	vld [tilespmem:s30+$0xFFFFFFF0]  }
0x224: {  	v7 =	vadd.s32 $0x800, v7;
	v3 =	vsub.f32 $0.0e+00, v3;
	v27 =	vld [tilespmem:s30+$0x0];
	(xrf2) =	vadd.scan.msk.f32 $0xffff, v4  }
0x225: {  	v4 =	vld [tilespmem:s29+$0x0];
	v28, _, _ =	vpop (xrf2)  }
0x226: {  	v15 =	vadd.s32 $0x800, v15;
	v29 =	vsub.f32 $0.0e+00, v25;
	[tilespmem:v14+s22+$0x0] =	vst.idx.add.f32.msk vm3, v3  }
0x227: {  	v3 =	vld [tilespmem:s29+$0xFFFFFFE0]  }
0x228: {  	[tilespmem:v12+s0+$0x0] =	vst.idx.add.f32.msk vm5, v20;
	(xrf2) =	vadd.scan.msk.f32 $0xffff, v18;
	v12, _, _ =	vpop (xrf2)  }
0x229: {  	v18 =	vld [tilespmem:s26+$0xFFFFFFE0]  }
0x22a: {  	v20 =	vld [tilespmem:s30+$0xFFFFFFE0]  }
0x22b: {  	vm5 =	vne.s32 v19, v10;
	[tilespmem:v14+s0+$0x0] =	vst.idx.add.f32.msk vm3, v21;
	v14, _, _ =	vpop (xrf2)  }
0x22c: {  	vm3 =	vmor vm5, vm0;
	(xrf2) =	vadd.scan.msk.f32 $0xffff, v3;
	[tilespmem:v16+s0+$0x0] =	vst.idx.add.f32.msk vm6, v28  }
0x22d: {  	v16 =	vadd.s32 $0x800, v19;
	v3 =	vsub.f32 $0.0e+00, v12;
	[tilespmem:v9+s22+$0x0] =	vst.idx.add.f32.msk vm9, v12  }
0x22e: {  	v19 =	vadd.s32 $0x800, v10;
	v12 =	vld [tilespmem:s29+$0xFFFFFFD0];
	v10, _, _ =	vpop (xrf2)  }
0x22f: {  	[tilespmem:v22+s22+$0x0] =	vst.idx.add.f32.msk vm7, v3;
	v3 =	vsub.f32 $0.0e+00, v28;
	(xrf2) =	vadd.scan.msk.f32 $0xffff, v2  }
0x230: {  	v2 =	vadd.s32 $0x800, v8;
	[tilespmem:v9+s0+$0x0] =	vst.idx.add.f32.msk vm9, v25  }
0x231: {  	[tilespmem:v13+s0+$0x0] =	vst.idx.add.f32.msk vm4, v3  }
0x232: {  	[tilespmem:v7+s22+$0x0] =	vst.idx.add.f32.msk vm10, v14;
	v8, _, _ =	vpop (xrf2)  }
0x233: {  	(xrf2) =	vadd.scan.msk.f32 $0xffff, v12;
	v12 =	vsub.f32 $0.0e+00, v14;
	[tilespmem:v22+s0+$0x0] =	vst.idx.add.f32.msk vm7, v29  }
0x234: {  	[tilespmem:v16+s22+$0x0] =	vst.idx.add.f32.msk vm3, v10  }
0x235: {  	v9 =	vsub.f32 $0.0e+00, v11;
	[tilespmem:v2+s22+$0x0] =	vst.idx.add.f32.msk vm8, v12  }
0x236: {  	v3, _, _ =	vpop (xrf2);
	(xrf2) =	vadd.scan.msk.f32 $0xffff, v23;
	[tilespmem:v7+s0+$0x0] =	vst.idx.add.f32.msk vm10, v11  }
0x237: {  	v10 =	vsub.f32 $0.0e+00, v10;
	[tilespmem:v2+s0+$0x0] =	vst.idx.add.f32.msk vm8, v9  }
0x238: {  	v2 =	vsub.f32 $0.0e+00, v17;
	[tilespmem:v5+s22+$0x0] =	vst.idx.add.f32.msk vm2, v17  }
0x239: {  	(xrf2) =	vadd.scan.msk.f32 $0xffff, v24;
	[tilespmem:v19+s22+$0x0] =	vst.idx.add.f32.msk vm5, v10;
	v7, _, _ =	vpop (xrf2)  }
0x23a: {  	[tilespmem:v15+s22+$0x0] =	vst.idx.add.f32.msk vm1, v2;
	v2 =	vsub.f32 $0.0e+00, v7  }
0x23b: {  	v11 =	vperm.xlane v26, v1;
	v9 =	vsub.f32 $0.0e+00, v8;
	[tilespmem:v5+s0+$0x0] =	vst.idx.add.f32.msk vm2, v7  }
0x23c: {  	(xrf2) =	vadd.scan.msk.f32 $0xffff, v6;
	[tilespmem:v16+s0+$0x0] =	vst.idx.add.f32.msk vm3, v8  }
0x23d: {  	v5 =	vperm.xlane v27, v1;
	v10, _, _ =	vpop (xrf2);
	[tilespmem:v15+s0+$0x0] =	vst.idx.add.f32.msk vm1, v2  }
0x23e: {  	[tilespmem:v19+s0+$0x0] =	vst.idx.add.f32.msk vm5, v9  }
0x23f: {  	v9 =	vld [tilespmem:s29+$0xFFFFFFC0]  }
0x240: {  	v6 =	vld [tilespmem:s29+$0xFFFFFFB0];
	v19, _, _ =	vpop (xrf2)  }
0x241: {  	v14 =	vperm.xlane v20, v1;
	v13 =	vld [tilespmem:s29+$0xFFFFFFA0];
	(xrf2) =	vadd.scan.msk.f32 $0xffff, v4  }
0x242: {  	vm1 =	vne.s32 v27, v5;
	v4 =	vld [tilespmem:s29+$0xFFFFFF90]  }
0x243: {  	vm8 =	vmor vm1, vm0;
	v23 =	vld [tilespmem:s26+$0xFFFFFFD0];
	v15, _, _ =	vpop (xrf2)  }
0x244: {  	vm7 =	vne.s32 v26, v11;
	v2 =	vld [tilespmem:s26+$0xFFFFFFA0]  }
0x245: {  	vm2 =	vmor vm7, vm0;
	v8 =	vld [tilespmem:s26+$0xFFFFFFB0]  }
0x246: {  	v21 =	vadd.s32 $0x800, v26;
	vm3 =	vne.s32 v20, v14;
	v7 =	vld [tilespmem:s30+$0xFFFFFFB0];
	(xrf2) =	vadd.scan.msk.f32 $0xffff, v18;
	v16, _, _ =	vpop (xrf2)  }
0x247: {  	v22 =	vadd.s32 $0x800, v27;
	vm5 =	vmor vm3, vm0;
	v18 =	vld [tilespmem:s30+$0xFFFFFFD0]  }
0x248: {  	v11 =	vadd.s32 $0x800, v11;
	v24 =	vld [tilespmem:s26+$0xFFFFFFC0]  }
0x249: {  	v12 =	vadd.s32 $0x800, v20;
	v5 =	vadd.s32 $0x800, v5;
	v17 =	vld [tilespmem:s30+$0xFFFFFFC0]  }
0x24a: {  	v25 =	vld [tilespmem:s30+$0xFFFFFFA0];
	(xrf2) =	vadd.scan.msk.f32 $0xffff, v8  }
0x24b: {  	v14 =	vadd.s32 $0x800, v14;
	v8 =	vperm.xlane v7, v1;
	[tilespmem:v21+s22+$0x0] =	vst.idx.add.f32.msk vm2, v15;
	v15 =	vsub.f32 $0.0e+00, v15;
	v20, _, _ =	vpop (xrf2)  }
0x24c: {  	v26 =	vperm.xlane v18, v1;
	[tilespmem:v22+s22+$0x0] =	vst.idx.add.f32.msk vm8, v20;
	v20 =	vsub.f32 $0.0e+00, v20  }
0x24d: {  	[tilespmem:v11+s22+$0x0] =	vst.idx.add.f32.msk vm7, v15;
	(xrf2) =	vadd.scan.msk.f32 $0xffff, v13  }
0x24e: {  	v13 =	vsub.f32 $0.0e+00, v16;
	vm4 =	vne.s32 v18, v26;
	[tilespmem:v5+s22+$0x0] =	vst.idx.add.f32.msk vm1, v20  }
0x24f: {  	v15 =	vperm.xlane v25, v1;
	vm6 =	vmor vm4, vm0;
	[tilespmem:v22+s0+$0x0] =	vst.idx.add.f32.msk vm8, v16  }
0x250: {  	v16 =	vadd.s32 $0x800, v18;
	v18 =	vsub.f32 $0.0e+00, v19;
	[tilespmem:v5+s0+$0x0] =	vst.idx.add.f32.msk vm1, v13;
	(xrf2) =	vadd.scan.msk.f32 $0xffff, v24;
	v20, _, _ =	vpop (xrf2)  }
.Ltmp27:
0x251: {  	v13 =	vadd.s32 $0x800, v26;
	vm1 =	vne.s32 v25, v15;
	[tilespmem:v21+s0+$0x0] =	vst.idx.add.f32.msk vm2, v19;
	(pc) =	sbr.rel @p0 .LBB2_56-.Ltmp27, $4  }
0x252: {  	v21 =	vsub.f32 $0.0e+00, v20;
	vm2 =	vmor vm1, vm0;
	[tilespmem:v11+s0+$0x0] =	vst.idx.add.f32.msk vm7, v18  }
0x253: {  	v22 =	vperm.xlane v17, v1;
	v5 =	vadd.s32 $0x800, v25;
	v18 =	vld [tilespmem:s26+$0xFFFFFF90];
	(xrf2) =	vadd.scan.msk.f32 $0xffff, v23  }
0x254: {  	[tilespmem:v12+s22+$0x0] =	vst.idx.add.f32.msk vm5, v3;
	v11, _, _ =	vpop (xrf2)  }
0x255: {  	vm7 =	vne.s32 v17, v22;
	s26 =	sadd.s32 $0x400, s26;
	v19 =	vld [tilespmem:s30+$0xFFFFFF90]  }
0x256: {  	_ = 	snop  }
0x257: {  	(xrf2) =	vadd.scan.msk.f32 $0xffff, v9  }
0x258: {  	(xrf2) =	vadd.scan.msk.f32 $0xffff, v6;
	_ =	sdelay $0x1  }
0x259: {  	v9 =	vsub.f32 $0.0e+00, v10  }
0x25a: {  	[tilespmem:v16+s22+$0x0] =	vst.idx.add.f32.msk vm6, v10;
	v3 =	vsub.f32 $0.0e+00, v3  }
0x25b: {  	vm9 =	vmor vm7, vm0;
	vm8 =	vne.s32 v7, v8;
	[tilespmem:v13+s22+$0x0] =	vst.idx.add.f32.msk vm4, v9  }
0x25c: {  	v6 =	vadd.s32 $0x800, v17;
	v10, _, _ =	vpop (xrf2);
	vm10 =	vmor vm8, vm0;
	[tilespmem:v14+s22+$0x0] =	vst.idx.add.f32.msk vm3, v3  }
0x25d: {  	v7 =	vadd.s32 $0x800, v7;
	(xrf2) =	vadd.scan.msk.f32 $0xffff, v4;
	[tilespmem:v5+s22+$0x0] =	vst.idx.add.f32.msk vm2, v10  }
0x25e: {  	v4 =	vadd.s32 $0x800, v22;
	[tilespmem:v12+s0+$0x0] =	vst.idx.add.f32.msk vm5, v20;
	v9, _, _ =	vpop (xrf2)  }
0x25f: {  	[tilespmem:v14+s0+$0x0] =	vst.idx.add.f32.msk vm3, v21;
	v17, _, _ =	vpop (xrf2)  }
0x260: {  	v3 =	vperm.xlane v19, v1;
	[tilespmem:v16+s0+$0x0] =	vst.idx.add.f32.msk vm6, v17;
	v12, _, _ =	vpop (xrf2);
	(xrf2) =	vadd.scan.msk.f32 $0xffff, v18  }
0x261: {  	v14 =	vsub.f32 $0.0e+00, v12;
	[tilespmem:v6+s22+$0x0] =	vst.idx.add.f32.msk vm9, v12;
	(xrf2) =	vadd.scan.msk.f32 $0xffff, v2;
	v2 =	vadd.s32 $0x800, v8;
	v8, _, _ =	vpop (xrf2)  }
0x262: {  	vm3 =	vne.s32 v19, v3;
	[tilespmem:v7+s22+$0x0] =	vst.idx.add.f32.msk vm10, v8  }
0x263: {  	vm5 =	vmor vm3, vm0;
	[tilespmem:v4+s22+$0x0] =	vst.idx.add.f32.msk vm7, v14;
	v14 =	vsub.f32 $0.0e+00, v17  }
0x264: {  	v12 =	vadd.s32 $0x800, v19;
	[tilespmem:v6+s0+$0x0] =	vst.idx.add.f32.msk vm9, v9;
	v6 =	vsub.f32 $0.0e+00, v9  }
0x265: {  	v8 =	vsub.f32 $0.0e+00, v8;
	[tilespmem:v13+s0+$0x0] =	vst.idx.add.f32.msk vm4, v14  }
0x266: {  	v3 =	vadd.s32 $0x800, v3;
	[tilespmem:v4+s0+$0x0] =	vst.idx.add.f32.msk vm7, v6  }
0x267: {  	v9, _, _ =	vpop (xrf2);
	v4 =	vadd.s32 $0x800, v15;
	[tilespmem:v2+s22+$0x0] =	vst.idx.add.f32.msk vm8, v8;
	v6 =	vsub.f32 $0.0e+00, v11  }
0x268: {  	[tilespmem:v7+s0+$0x0] =	vst.idx.add.f32.msk vm10, v11;
	v7 =	vsub.f32 $0.0e+00, v9  }
0x269: {  	[tilespmem:v12+s22+$0x0] =	vst.idx.add.f32.msk vm5, v9  }
0x26a: {  	[tilespmem:v2+s0+$0x0] =	vst.idx.add.f32.msk vm8, v6;
	v2 =	vsub.f32 $0.0e+00, v10  }
0x26b: {  	[tilespmem:v3+s22+$0x0] =	vst.idx.add.f32.msk vm3, v7;
	v6, _, _ =	vpop (xrf2)  }
0x26c: {  	v7, _, _ =	vpop (xrf2);
	[tilespmem:v4+s22+$0x0] =	vst.idx.add.f32.msk vm1, v2  }
0x26d: {  	[tilespmem:v12+s0+$0x0] =	vst.idx.add.f32.msk vm5, v6;
	v2 =	vsub.f32 $0.0e+00, v7  }
0x26e: {  	[tilespmem:v5+s0+$0x0] =	vst.idx.add.f32.msk vm2, v7;
	v5 =	vsub.f32 $0.0e+00, v6  }
0x26f: {  	[tilespmem:v4+s0+$0x0] =	vst.idx.add.f32.msk vm1, v2  }
0x270: {  	s26 =	simm.s32 $0x1;
	[tilespmem:v3+s0+$0x0] =	vst.idx.add.f32.msk vm3, v5  }
0x271: {  	_ =	swait.ge [sflag:s26], $0x1000  }
0x272: {  	[sflag:s26] =	ssyncset.done $0x0  }
0x273: {  	[sflag:s26] =	ssyncadd.s32 $0xFFFFF000  }
0x274: {  	_ =	swait.ge [sflag:s26], $0x1000  }
0x275: {  	[sflag:s26] =	ssyncset.done $0x0  }
0x276: {  	[sflag:s26] =	ssyncadd.s32 $0xFFFFF000  }
0x277: {  	_ =	swait.ge [sflag:s26], $0x1000  }
0x278: {  	[sflag:s26] =	ssyncset.done $0x0  }
0x279: {  	[sflag:s26] =	ssyncadd.s32 $0xFFFFF000;
	s26 =	simm.s32 $0x101F0  }
0x27a: {  	s29 =	simm.s32 $0x81F0;
	v2 =	vld [tilespmem:s26+$0xFFFFFFF0]  }
0x27b: {  	v3 =	vld [tilespmem:s29+$0xFFFFFFF0]  }
0x27c: {  	v4 =	vld [tilespmem:s29+$0xFFFFFFE0]  }
0x27d: {  	v5 =	vld [tilespmem:s29+$0xFFFFFFD0]  }
0x27e: {  	s30 =	simm.s32 $0x1F0;
	v6 =	vld [tilespmem:s26+$0x0]  }
0x27f: {  	v8 =	vld [tilespmem:s30+$0xFFFFFFF0]  }
0x280: {  	v11 =	vld [tilespmem:s30+$0x0]  }
0x281: {  	v7 =	vld [tilespmem:s29+$0x0];
	(xrf2) =	vadd.scan.msk.f32 $0xffff, v4  }
0x282: {  	v12 =	vld [tilespmem:s26+$0xFFFFFFE0];
	(xrf2) =	vadd.scan.msk.f32 $0xffff, v5  }
0x283: {  	v9 =	vld [tilespmem:s29+$0xFFFFFFC0];
	(xrf2) =	vadd.scan.msk.f32 $0xffff, v2  }
0x284: {  	v13 =	vld [tilespmem:s29+$0xFFFFFFA0];
	(xrf2) =	vadd.scan.msk.f32 $0xffff, v3  }
0x285: {  	v19 =	vld [tilespmem:s26+$0xFFFFFFD0];
	(xrf2) =	vadd.scan.msk.f32 $0xffff, v6  }
0x286: {  	v16 =	vld [tilespmem:s26+$0xFFFFFFB0];
	(xrf2) =	vadd.scan.msk.f32 $0xffff, v7  }
0x287: {  	v18 =	vld [tilespmem:s30+$0xFFFFFFD0];
	v14 =	vperm.xlane v8, v1  }
0x288: {  	v21 =	vld [tilespmem:s26+$0xFFFFFFC0];
	v15 =	vperm.xlane v11, v1  }
0x289: {  	v17 =	vld [tilespmem:s30+$0xFFFFFFC0];
	vm1 =	vne.s32 v8, v14  }
0x28a: {  	v5 =	vld [tilespmem:s30+$0xFFFFFFE0];
	vm4 =	vne.s32 v11, v15;
	vm2 =	vmor vm1, vm0  }
0x28b: {  	v24 =	vld [tilespmem:s30+$0xFFFFFFA0];
	v8 =	vadd.s32 $0xC00, v8;
	vm6 =	vmor vm4, vm0;
	v3, _, _ =	vpop (xrf2)  }
0x28c: {  	v4 =	vld [tilespmem:s29+$0xFFFFFF90];
	v11 =	vadd.s32 $0xC00, v11;
	v10, _, _ =	vpop (xrf2)  }
0x28d: {  	v2 =	vld [tilespmem:s26+$0xFFFFFFA0];
	v22 =	vadd.s32 $0xC00, v14;
	v20, _, _ =	vpop (xrf2)  }
0x28e: {  	v15 =	vadd.s32 $0xC00, v15;
	v6 =	vld [tilespmem:s29+$0xFFFFFFB0];
	(xrf2) =	vadd.scan.msk.f32 $0xffff, v12;
	v14, _, _ =	vpop (xrf2)  }
0x28f: {  	v7 =	vld [tilespmem:s30+$0xFFFFFFB0];
	v25 =	vperm.xlane v5, v1;
	v23, _, _ =	vpop (xrf2)  }
0x290: {  	(xrf2) =	vadd.scan.msk.f32 $0xffff, v16;
	[tilespmem:v8+s22+$0x0] =	vst.idx.add.f32.msk vm2, v14;
	v12 =	vsub.f32 $0.0e+00, v14;
	v14, _, _ =	vpop (xrf2)  }
0x291: {  	vm3 =	vne.s32 v5, v25;
	[tilespmem:v11+s22+$0x0] =	vst.idx.add.f32.msk vm6, v14;
	v14 =	vsub.f32 $0.0e+00, v14  }
0x292: {  	vm5 =	vmor vm3, vm0;
	(xrf2) =	vadd.scan.msk.f32 $0xffff, v13;
	[tilespmem:v22+s22+$0x0] =	vst.idx.add.f32.msk vm1, v12  }
0x293: {  	v12 =	vadd.s32 $0xC00, v5;
	v5 =	vperm.xlane v18, v1;
	[tilespmem:v15+s22+$0x0] =	vst.idx.add.f32.msk vm4, v14;
	v14 =	vsub.f32 $0.0e+00, v23  }
0x294: {  	[tilespmem:v11+s0+$0x0] =	vst.idx.add.f32.msk vm6, v23  }
0x295: {  	(xrf2) =	vadd.scan.msk.f32 $0xffff, v21;
	[tilespmem:v15+s0+$0x0] =	vst.idx.add.f32.msk vm4, v14;
	vm4 =	vne.s32 v18, v5  }
0x296: {  	[tilespmem:v8+s0+$0x0] =	vst.idx.add.f32.msk vm2, v20;
	v11 =	vsub.f32 $0.0e+00, v20;
	vm6 =	vmor vm4, vm0  }
0x297: {  	v16 =	vadd.s32 $0xC00, v18;
	v8 =	vperm.xlane v7, v1;
	v15 =	vperm.xlane v24, v1;
	v18 =	vld [tilespmem:s26+$0xFFFFFF90]  }
0x298: {  	v13 =	vadd.s32 $0xC00, v5;
	[tilespmem:v22+s0+$0x0] =	vst.idx.add.f32.msk vm1, v11;
	v22 =	vperm.xlane v17, v1;
	v20, _, _ =	vpop (xrf2);
	(xrf2) =	vadd.scan.msk.f32 $0xffff, v19  }
0x299: {  	v14 =	vadd.s32 $0xC00, v25;
	v5 =	vadd.s32 $0xC00, v24;
	[tilespmem:v12+s22+$0x0] =	vst.idx.add.f32.msk vm5, v3;
	vm1 =	vne.s32 v24, v15  }
0x29a: {  	s28 =	simm.s32 $0x0;
	s26 =	simm.s32 $0x105F0;
	v19 =	vld [tilespmem:s30+$0xFFFFFF90];
	vm2 =	vmor vm1, vm0;
	v21 =	vsub.f32 $0.0e+00, v20;
	v11, _, _ =	vpop (xrf2);
	vm7 =	vne.s32 v17, v22  }
.LBB2_58:
0x29b: {  	v23 =	vld [tilespmem:s26+$0xFFFFFFF0];
	s28 =	sadd.s32 $0x8, s28;
	vm9 =	vmor vm7, vm0;
	s29 =	sadd.s32 $0x400, s29;
	s30 =	sadd.s32 $0x400, s30;
	(xrf2) =	vadd.scan.msk.f32 $0xffff, v9  }
0x29c: {  	v9 =	vadd.s32 $0xC00, v17;
	p0 =	slt.u32 s28, $0xF8;
	[tilespmem:v16+s22+$0x0] =	vst.idx.add.f32.msk vm6, v10;
	v10 =	vsub.f32 $0.0e+00, v10;
	v17, _, _ =	vpop (xrf2)  }
0x29d: {  	v24 =	vld [tilespmem:s29+$0xFFFFFFF0]  }
0x29e: {  	v22 =	vadd.s32 $0xC00, v22;
	[tilespmem:v13+s22+$0x0] =	vst.idx.add.f32.msk vm4, v10;
	(xrf2) =	vadd.scan.msk.f32 $0xffff, v6  }
0x29f: {  	vm8 =	vne.s32 v7, v8;
	v6 =	vld [tilespmem:s26+$0x0];
	v10 =	vperm.xlane v19, v1;
	v25, _, _ =	vpop (xrf2)  }
0x2a0: {  	vm10 =	vmor vm8, vm0;
	v26 =	vld [tilespmem:s30+$0xFFFFFFF0]  }
0x2a1: {  	v7 =	vadd.s32 $0xC00, v7;
	v3 =	vsub.f32 $0.0e+00, v3;
	v27 =	vld [tilespmem:s30+$0x0];
	(xrf2) =	vadd.scan.msk.f32 $0xffff, v4  }
0x2a2: {  	v4 =	vld [tilespmem:s29+$0x0];
	v28, _, _ =	vpop (xrf2)  }
0x2a3: {  	v15 =	vadd.s32 $0xC00, v15;
	v29 =	vsub.f32 $0.0e+00, v25;
	[tilespmem:v14+s22+$0x0] =	vst.idx.add.f32.msk vm3, v3  }
0x2a4: {  	v3 =	vld [tilespmem:s29+$0xFFFFFFE0]  }
0x2a5: {  	[tilespmem:v12+s0+$0x0] =	vst.idx.add.f32.msk vm5, v20;
	(xrf2) =	vadd.scan.msk.f32 $0xffff, v18;
	v12, _, _ =	vpop (xrf2)  }
0x2a6: {  	v18 =	vld [tilespmem:s26+$0xFFFFFFE0]  }
0x2a7: {  	v20 =	vld [tilespmem:s30+$0xFFFFFFE0]  }
0x2a8: {  	vm5 =	vne.s32 v19, v10;
	[tilespmem:v14+s0+$0x0] =	vst.idx.add.f32.msk vm3, v21;
	v14, _, _ =	vpop (xrf2)  }
0x2a9: {  	vm3 =	vmor vm5, vm0;
	(xrf2) =	vadd.scan.msk.f32 $0xffff, v3;
	[tilespmem:v16+s0+$0x0] =	vst.idx.add.f32.msk vm6, v28  }
0x2aa: {  	v16 =	vadd.s32 $0xC00, v19;
	v3 =	vsub.f32 $0.0e+00, v12;
	[tilespmem:v9+s22+$0x0] =	vst.idx.add.f32.msk vm9, v12  }
0x2ab: {  	v19 =	vadd.s32 $0xC00, v10;
	v12 =	vld [tilespmem:s29+$0xFFFFFFD0];
	v10, _, _ =	vpop (xrf2)  }
0x2ac: {  	[tilespmem:v22+s22+$0x0] =	vst.idx.add.f32.msk vm7, v3;
	v3 =	vsub.f32 $0.0e+00, v28;
	(xrf2) =	vadd.scan.msk.f32 $0xffff, v2  }
0x2ad: {  	v2 =	vadd.s32 $0xC00, v8;
	[tilespmem:v9+s0+$0x0] =	vst.idx.add.f32.msk vm9, v25  }
0x2ae: {  	[tilespmem:v13+s0+$0x0] =	vst.idx.add.f32.msk vm4, v3  }
0x2af: {  	[tilespmem:v7+s22+$0x0] =	vst.idx.add.f32.msk vm10, v14;
	v8, _, _ =	vpop (xrf2)  }
0x2b0: {  	(xrf2) =	vadd.scan.msk.f32 $0xffff, v12;
	v12 =	vsub.f32 $0.0e+00, v14;
	[tilespmem:v22+s0+$0x0] =	vst.idx.add.f32.msk vm7, v29  }
0x2b1: {  	[tilespmem:v16+s22+$0x0] =	vst.idx.add.f32.msk vm3, v10  }
0x2b2: {  	v9 =	vsub.f32 $0.0e+00, v11;
	[tilespmem:v2+s22+$0x0] =	vst.idx.add.f32.msk vm8, v12  }
0x2b3: {  	v3, _, _ =	vpop (xrf2);
	(xrf2) =	vadd.scan.msk.f32 $0xffff, v23;
	[tilespmem:v7+s0+$0x0] =	vst.idx.add.f32.msk vm10, v11  }
0x2b4: {  	v10 =	vsub.f32 $0.0e+00, v10;
	[tilespmem:v2+s0+$0x0] =	vst.idx.add.f32.msk vm8, v9  }
0x2b5: {  	v2 =	vsub.f32 $0.0e+00, v17;
	[tilespmem:v5+s22+$0x0] =	vst.idx.add.f32.msk vm2, v17  }
0x2b6: {  	(xrf2) =	vadd.scan.msk.f32 $0xffff, v24;
	[tilespmem:v19+s22+$0x0] =	vst.idx.add.f32.msk vm5, v10;
	v7, _, _ =	vpop (xrf2)  }
0x2b7: {  	[tilespmem:v15+s22+$0x0] =	vst.idx.add.f32.msk vm1, v2;
	v2 =	vsub.f32 $0.0e+00, v7  }
0x2b8: {  	v11 =	vperm.xlane v26, v1;
	v9 =	vsub.f32 $0.0e+00, v8;
	[tilespmem:v5+s0+$0x0] =	vst.idx.add.f32.msk vm2, v7  }
0x2b9: {  	(xrf2) =	vadd.scan.msk.f32 $0xffff, v6;
	[tilespmem:v16+s0+$0x0] =	vst.idx.add.f32.msk vm3, v8  }
0x2ba: {  	v5 =	vperm.xlane v27, v1;
	v10, _, _ =	vpop (xrf2);
	[tilespmem:v15+s0+$0x0] =	vst.idx.add.f32.msk vm1, v2  }
0x2bb: {  	[tilespmem:v19+s0+$0x0] =	vst.idx.add.f32.msk vm5, v9  }
0x2bc: {  	v9 =	vld [tilespmem:s29+$0xFFFFFFC0]  }
0x2bd: {  	v6 =	vld [tilespmem:s29+$0xFFFFFFB0];
	v19, _, _ =	vpop (xrf2)  }
0x2be: {  	v14 =	vperm.xlane v20, v1;
	v13 =	vld [tilespmem:s29+$0xFFFFFFA0];
	(xrf2) =	vadd.scan.msk.f32 $0xffff, v4  }
0x2bf: {  	vm1 =	vne.s32 v27, v5;
	v4 =	vld [tilespmem:s29+$0xFFFFFF90]  }
0x2c0: {  	vm8 =	vmor vm1, vm0;
	v23 =	vld [tilespmem:s26+$0xFFFFFFD0];
	v15, _, _ =	vpop (xrf2)  }
0x2c1: {  	vm7 =	vne.s32 v26, v11;
	v2 =	vld [tilespmem:s26+$0xFFFFFFA0]  }
0x2c2: {  	vm2 =	vmor vm7, vm0;
	v8 =	vld [tilespmem:s26+$0xFFFFFFB0]  }
0x2c3: {  	v21 =	vadd.s32 $0xC00, v26;
	vm3 =	vne.s32 v20, v14;
	v7 =	vld [tilespmem:s30+$0xFFFFFFB0];
	(xrf2) =	vadd.scan.msk.f32 $0xffff, v18;
	v16, _, _ =	vpop (xrf2)  }
0x2c4: {  	v22 =	vadd.s32 $0xC00, v27;
	vm5 =	vmor vm3, vm0;
	v18 =	vld [tilespmem:s30+$0xFFFFFFD0]  }
0x2c5: {  	v11 =	vadd.s32 $0xC00, v11;
	v24 =	vld [tilespmem:s26+$0xFFFFFFC0]  }
0x2c6: {  	v12 =	vadd.s32 $0xC00, v20;
	v5 =	vadd.s32 $0xC00, v5;
	v17 =	vld [tilespmem:s30+$0xFFFFFFC0]  }
0x2c7: {  	v25 =	vld [tilespmem:s30+$0xFFFFFFA0];
	(xrf2) =	vadd.scan.msk.f32 $0xffff, v8  }
0x2c8: {  	v14 =	vadd.s32 $0xC00, v14;
	v8 =	vperm.xlane v7, v1;
	[tilespmem:v21+s22+$0x0] =	vst.idx.add.f32.msk vm2, v15;
	v15 =	vsub.f32 $0.0e+00, v15;
	v20, _, _ =	vpop (xrf2)  }
0x2c9: {  	v26 =	vperm.xlane v18, v1;
	[tilespmem:v22+s22+$0x0] =	vst.idx.add.f32.msk vm8, v20;
	v20 =	vsub.f32 $0.0e+00, v20  }
0x2ca: {  	[tilespmem:v11+s22+$0x0] =	vst.idx.add.f32.msk vm7, v15;
	(xrf2) =	vadd.scan.msk.f32 $0xffff, v13  }
0x2cb: {  	v13 =	vsub.f32 $0.0e+00, v16;
	vm4 =	vne.s32 v18, v26;
	[tilespmem:v5+s22+$0x0] =	vst.idx.add.f32.msk vm1, v20  }
0x2cc: {  	v15 =	vperm.xlane v25, v1;
	vm6 =	vmor vm4, vm0;
	[tilespmem:v22+s0+$0x0] =	vst.idx.add.f32.msk vm8, v16  }
0x2cd: {  	v16 =	vadd.s32 $0xC00, v18;
	v18 =	vsub.f32 $0.0e+00, v19;
	[tilespmem:v5+s0+$0x0] =	vst.idx.add.f32.msk vm1, v13;
	(xrf2) =	vadd.scan.msk.f32 $0xffff, v24;
	v20, _, _ =	vpop (xrf2)  }
.Ltmp28:
0x2ce: {  	v13 =	vadd.s32 $0xC00, v26;
	vm1 =	vne.s32 v25, v15;
	[tilespmem:v21+s0+$0x0] =	vst.idx.add.f32.msk vm2, v19;
	(pc) =	sbr.rel @p0 .LBB2_58-.Ltmp28, $4  }
0x2cf: {  	v21 =	vsub.f32 $0.0e+00, v20;
	vm2 =	vmor vm1, vm0;
	[tilespmem:v11+s0+$0x0] =	vst.idx.add.f32.msk vm7, v18  }
0x2d0: {  	v22 =	vperm.xlane v17, v1;
	v5 =	vadd.s32 $0xC00, v25;
	v18 =	vld [tilespmem:s26+$0xFFFFFF90];
	(xrf2) =	vadd.scan.msk.f32 $0xffff, v23  }
0x2d1: {  	[tilespmem:v12+s22+$0x0] =	vst.idx.add.f32.msk vm5, v3;
	v11, _, _ =	vpop (xrf2)  }
0x2d2: {  	vm7 =	vne.s32 v17, v22;
	s26 =	sadd.s32 $0x400, s26;
	v19 =	vld [tilespmem:s30+$0xFFFFFF90]  }
0x2d3: {  	_ = 	snop  }
0x2d4: {  	(xrf2) =	vadd.scan.msk.f32 $0xffff, v9  }
0x2d5: {  	(xrf2) =	vadd.scan.msk.f32 $0xffff, v6;
	_ =	sdelay $0x1  }
0x2d6: {  	v9 =	vsub.f32 $0.0e+00, v10  }
0x2d7: {  	[tilespmem:v16+s22+$0x0] =	vst.idx.add.f32.msk vm6, v10;
	v3 =	vsub.f32 $0.0e+00, v3  }
0x2d8: {  	vm9 =	vmor vm7, vm0;
	vm8 =	vne.s32 v7, v8;
	[tilespmem:v13+s22+$0x0] =	vst.idx.add.f32.msk vm4, v9  }
0x2d9: {  	v6 =	vadd.s32 $0xC00, v17;
	v10, _, _ =	vpop (xrf2);
	vm10 =	vmor vm8, vm0;
	[tilespmem:v14+s22+$0x0] =	vst.idx.add.f32.msk vm3, v3  }
0x2da: {  	v7 =	vadd.s32 $0xC00, v7;
	(xrf2) =	vadd.scan.msk.f32 $0xffff, v4;
	[tilespmem:v5+s22+$0x0] =	vst.idx.add.f32.msk vm2, v10  }
0x2db: {  	v4 =	vadd.s32 $0xC00, v22;
	[tilespmem:v12+s0+$0x0] =	vst.idx.add.f32.msk vm5, v20;
	v9, _, _ =	vpop (xrf2)  }
0x2dc: {  	[tilespmem:v14+s0+$0x0] =	vst.idx.add.f32.msk vm3, v21;
	v17, _, _ =	vpop (xrf2)  }
0x2dd: {  	v3 =	vperm.xlane v19, v1;
	[tilespmem:v16+s0+$0x0] =	vst.idx.add.f32.msk vm6, v17;
	v12, _, _ =	vpop (xrf2);
	(xrf2) =	vadd.scan.msk.f32 $0xffff, v18  }
0x2de: {  	v14 =	vsub.f32 $0.0e+00, v12;
	[tilespmem:v6+s22+$0x0] =	vst.idx.add.f32.msk vm9, v12;
	(xrf2) =	vadd.scan.msk.f32 $0xffff, v2;
	v2 =	vadd.s32 $0xC00, v8;
	v8, _, _ =	vpop (xrf2)  }
0x2df: {  	vm3 =	vne.s32 v19, v3;
	[tilespmem:v7+s22+$0x0] =	vst.idx.add.f32.msk vm10, v8  }
0x2e0: {  	vm5 =	vmor vm3, vm0;
	[tilespmem:v4+s22+$0x0] =	vst.idx.add.f32.msk vm7, v14;
	v14 =	vsub.f32 $0.0e+00, v17  }
0x2e1: {  	v12 =	vadd.s32 $0xC00, v19;
	[tilespmem:v6+s0+$0x0] =	vst.idx.add.f32.msk vm9, v9;
	v6 =	vsub.f32 $0.0e+00, v9  }
0x2e2: {  	v8 =	vsub.f32 $0.0e+00, v8;
	[tilespmem:v13+s0+$0x0] =	vst.idx.add.f32.msk vm4, v14  }
0x2e3: {  	v3 =	vadd.s32 $0xC00, v3;
	[tilespmem:v4+s0+$0x0] =	vst.idx.add.f32.msk vm7, v6  }
0x2e4: {  	v9, _, _ =	vpop (xrf2);
	v4 =	vadd.s32 $0xC00, v15;
	[tilespmem:v2+s22+$0x0] =	vst.idx.add.f32.msk vm8, v8;
	v6 =	vsub.f32 $0.0e+00, v11  }
0x2e5: {  	[tilespmem:v7+s0+$0x0] =	vst.idx.add.f32.msk vm10, v11;
	v7 =	vsub.f32 $0.0e+00, v9  }
0x2e6: {  	[tilespmem:v12+s22+$0x0] =	vst.idx.add.f32.msk vm5, v9  }
0x2e7: {  	[tilespmem:v2+s0+$0x0] =	vst.idx.add.f32.msk vm8, v6;
	v2 =	vsub.f32 $0.0e+00, v10  }
0x2e8: {  	[tilespmem:v3+s22+$0x0] =	vst.idx.add.f32.msk vm3, v7;
	v6, _, _ =	vpop (xrf2)  }
0x2e9: {  	v7, _, _ =	vpop (xrf2);
	[tilespmem:v4+s22+$0x0] =	vst.idx.add.f32.msk vm1, v2  }
0x2ea: {  	[tilespmem:v12+s0+$0x0] =	vst.idx.add.f32.msk vm5, v6;
	v2 =	vsub.f32 $0.0e+00, v7  }
0x2eb: {  	[tilespmem:v5+s0+$0x0] =	vst.idx.add.f32.msk vm2, v7;
	v5 =	vsub.f32 $0.0e+00, v6  }
0x2ec: {  	[tilespmem:v4+s0+$0x0] =	vst.idx.add.f32.msk vm1, v2  }
0x2ed: {  	s26 =	simm.s32 $0x1;
	[tilespmem:v3+s0+$0x0] =	vst.idx.add.f32.msk vm3, v5  }
0x2ee: {  	_ =	swait.ge [sflag:s26], $0x1000  }
0x2ef: {  	[sflag:s26] =	ssyncset.done $0x0  }
0x2f0: {  	[sflag:s26] =	ssyncadd.s32 $0xFFFFF000  }
0x2f1: {  	_ =	swait.ge [sflag:s26], $0x1000  }
0x2f2: {  	[sflag:s26] =	ssyncset.done $0x0  }
0x2f3: {  	[sflag:s26] =	ssyncadd.s32 $0xFFFFF000  }
0x2f4: {  	_ =	swait.ge [sflag:s26], $0x1000  }
0x2f5: {  	[sflag:s26] =	ssyncset.done $0x0  }
0x2f6: {  	[sflag:s26] =	ssyncadd.s32 $0xFFFFF000;
	s26 =	simm.s32 $0x10270  }
0x2f7: {  	s29 =	simm.s32 $0x8270;
	v2 =	vld [tilespmem:s26+$0xFFFFFFF0]  }
0x2f8: {  	v3 =	vld [tilespmem:s29+$0xFFFFFFF0]  }
0x2f9: {  	v4 =	vld [tilespmem:s29+$0xFFFFFFE0]  }
0x2fa: {  	v5 =	vld [tilespmem:s29+$0xFFFFFFD0]  }
0x2fb: {  	s30 =	simm.s32 $0x270;
	v6 =	vld [tilespmem:s26+$0x0]  }
0x2fc: {  	v8 =	vld [tilespmem:s30+$0xFFFFFFF0]  }
0x2fd: {  	v11 =	vld [tilespmem:s30+$0x0]  }
0x2fe: {  	v7 =	vld [tilespmem:s29+$0x0];
	(xrf2) =	vadd.scan.msk.f32 $0xffff, v4  }
0x2ff: {  	v12 =	vld [tilespmem:s26+$0xFFFFFFE0];
	(xrf2) =	vadd.scan.msk.f32 $0xffff, v5  }
0x300: {  	v9 =	vld [tilespmem:s29+$0xFFFFFFC0];
	(xrf2) =	vadd.scan.msk.f32 $0xffff, v2  }
0x301: {  	v13 =	vld [tilespmem:s29+$0xFFFFFFA0];
	(xrf2) =	vadd.scan.msk.f32 $0xffff, v3  }
0x302: {  	v19 =	vld [tilespmem:s26+$0xFFFFFFD0];
	(xrf2) =	vadd.scan.msk.f32 $0xffff, v6  }
0x303: {  	v16 =	vld [tilespmem:s26+$0xFFFFFFB0];
	(xrf2) =	vadd.scan.msk.f32 $0xffff, v7  }
0x304: {  	v18 =	vld [tilespmem:s30+$0xFFFFFFD0];
	v14 =	vperm.xlane v8, v1  }
0x305: {  	v21 =	vld [tilespmem:s26+$0xFFFFFFC0];
	v15 =	vperm.xlane v11, v1  }
0x306: {  	v17 =	vld [tilespmem:s30+$0xFFFFFFC0];
	vm1 =	vne.s32 v8, v14  }
0x307: {  	v5 =	vld [tilespmem:s30+$0xFFFFFFE0];
	vm4 =	vne.s32 v11, v15;
	vm2 =	vmor vm1, vm0  }
0x308: {  	v24 =	vld [tilespmem:s30+$0xFFFFFFA0];
	v8 =	vadd.s32 $0x1000, v8;
	vm6 =	vmor vm4, vm0;
	v3, _, _ =	vpop (xrf2)  }
0x309: {  	v4 =	vld [tilespmem:s29+$0xFFFFFF90];
	v11 =	vadd.s32 $0x1000, v11;
	v10, _, _ =	vpop (xrf2)  }
0x30a: {  	v2 =	vld [tilespmem:s26+$0xFFFFFFA0];
	v22 =	vadd.s32 $0x1000, v14;
	v20, _, _ =	vpop (xrf2)  }
0x30b: {  	v15 =	vadd.s32 $0x1000, v15;
	v6 =	vld [tilespmem:s29+$0xFFFFFFB0];
	(xrf2) =	vadd.scan.msk.f32 $0xffff, v12;
	v14, _, _ =	vpop (xrf2)  }
0x30c: {  	v7 =	vld [tilespmem:s30+$0xFFFFFFB0];
	v25 =	vperm.xlane v5, v1;
	v23, _, _ =	vpop (xrf2)  }
0x30d: {  	(xrf2) =	vadd.scan.msk.f32 $0xffff, v16;
	[tilespmem:v8+s22+$0x0] =	vst.idx.add.f32.msk vm2, v14;
	v12 =	vsub.f32 $0.0e+00, v14;
	v14, _, _ =	vpop (xrf2)  }
0x30e: {  	vm3 =	vne.s32 v5, v25;
	[tilespmem:v11+s22+$0x0] =	vst.idx.add.f32.msk vm6, v14;
	v14 =	vsub.f32 $0.0e+00, v14  }
0x30f: {  	vm5 =	vmor vm3, vm0;
	(xrf2) =	vadd.scan.msk.f32 $0xffff, v13;
	[tilespmem:v22+s22+$0x0] =	vst.idx.add.f32.msk vm1, v12  }
0x310: {  	v12 =	vadd.s32 $0x1000, v5;
	v5 =	vperm.xlane v18, v1;
	[tilespmem:v15+s22+$0x0] =	vst.idx.add.f32.msk vm4, v14;
	v14 =	vsub.f32 $0.0e+00, v23  }
0x311: {  	[tilespmem:v11+s0+$0x0] =	vst.idx.add.f32.msk vm6, v23  }
0x312: {  	(xrf2) =	vadd.scan.msk.f32 $0xffff, v21;
	[tilespmem:v15+s0+$0x0] =	vst.idx.add.f32.msk vm4, v14;
	vm4 =	vne.s32 v18, v5  }
0x313: {  	[tilespmem:v8+s0+$0x0] =	vst.idx.add.f32.msk vm2, v20;
	v11 =	vsub.f32 $0.0e+00, v20;
	vm6 =	vmor vm4, vm0  }
0x314: {  	v16 =	vadd.s32 $0x1000, v18;
	v8 =	vperm.xlane v7, v1;
	v15 =	vperm.xlane v24, v1;
	v18 =	vld [tilespmem:s26+$0xFFFFFF90]  }
0x315: {  	v13 =	vadd.s32 $0x1000, v5;
	[tilespmem:v22+s0+$0x0] =	vst.idx.add.f32.msk vm1, v11;
	v22 =	vperm.xlane v17, v1;
	v20, _, _ =	vpop (xrf2);
	(xrf2) =	vadd.scan.msk.f32 $0xffff, v19  }
0x316: {  	v14 =	vadd.s32 $0x1000, v25;
	v5 =	vadd.s32 $0x1000, v24;
	[tilespmem:v12+s22+$0x0] =	vst.idx.add.f32.msk vm5, v3;
	vm1 =	vne.s32 v24, v15  }
0x317: {  	s28 =	simm.s32 $0x0;
	s26 =	simm.s32 $0x10670;
	v19 =	vld [tilespmem:s30+$0xFFFFFF90];
	vm2 =	vmor vm1, vm0;
	v21 =	vsub.f32 $0.0e+00, v20;
	v11, _, _ =	vpop (xrf2);
	vm7 =	vne.s32 v17, v22  }
.LBB2_60:
0x318: {  	v23 =	vld [tilespmem:s26+$0xFFFFFFF0];
	s28 =	sadd.s32 $0x8, s28;
	vm9 =	vmor vm7, vm0;
	s29 =	sadd.s32 $0x400, s29;
	s30 =	sadd.s32 $0x400, s30;
	(xrf2) =	vadd.scan.msk.f32 $0xffff, v9  }
0x319: {  	v9 =	vadd.s32 $0x1000, v17;
	p0 =	slt.u32 s28, $0xF8;
	[tilespmem:v16+s22+$0x0] =	vst.idx.add.f32.msk vm6, v10;
	v10 =	vsub.f32 $0.0e+00, v10;
	v17, _, _ =	vpop (xrf2)  }
0x31a: {  	v24 =	vld [tilespmem:s29+$0xFFFFFFF0]  }
0x31b: {  	v22 =	vadd.s32 $0x1000, v22;
	[tilespmem:v13+s22+$0x0] =	vst.idx.add.f32.msk vm4, v10;
	(xrf2) =	vadd.scan.msk.f32 $0xffff, v6  }
0x31c: {  	vm8 =	vne.s32 v7, v8;
	v6 =	vld [tilespmem:s26+$0x0];
	v10 =	vperm.xlane v19, v1;
	v25, _, _ =	vpop (xrf2)  }
0x31d: {  	vm10 =	vmor vm8, vm0;
	v26 =	vld [tilespmem:s30+$0xFFFFFFF0]  }
0x31e: {  	v7 =	vadd.s32 $0x1000, v7;
	v3 =	vsub.f32 $0.0e+00, v3;
	v27 =	vld [tilespmem:s30+$0x0];
	(xrf2) =	vadd.scan.msk.f32 $0xffff, v4  }
0x31f: {  	v4 =	vld [tilespmem:s29+$0x0];
	v28, _, _ =	vpop (xrf2)  }
0x320: {  	v15 =	vadd.s32 $0x1000, v15;
	v29 =	vsub.f32 $0.0e+00, v25;
	[tilespmem:v14+s22+$0x0] =	vst.idx.add.f32.msk vm3, v3  }
0x321: {  	v3 =	vld [tilespmem:s29+$0xFFFFFFE0]  }
0x322: {  	[tilespmem:v12+s0+$0x0] =	vst.idx.add.f32.msk vm5, v20;
	(xrf2) =	vadd.scan.msk.f32 $0xffff, v18;
	v12, _, _ =	vpop (xrf2)  }
0x323: {  	v18 =	vld [tilespmem:s26+$0xFFFFFFE0]  }
0x324: {  	v20 =	vld [tilespmem:s30+$0xFFFFFFE0]  }
0x325: {  	vm5 =	vne.s32 v19, v10;
	[tilespmem:v14+s0+$0x0] =	vst.idx.add.f32.msk vm3, v21;
	v14, _, _ =	vpop (xrf2)  }
0x326: {  	vm3 =	vmor vm5, vm0;
	(xrf2) =	vadd.scan.msk.f32 $0xffff, v3;
	[tilespmem:v16+s0+$0x0] =	vst.idx.add.f32.msk vm6, v28  }
0x327: {  	v16 =	vadd.s32 $0x1000, v19;
	v3 =	vsub.f32 $0.0e+00, v12;
	[tilespmem:v9+s22+$0x0] =	vst.idx.add.f32.msk vm9, v12  }
0x328: {  	v19 =	vadd.s32 $0x1000, v10;
	v12 =	vld [tilespmem:s29+$0xFFFFFFD0];
	v10, _, _ =	vpop (xrf2)  }
0x329: {  	[tilespmem:v22+s22+$0x0] =	vst.idx.add.f32.msk vm7, v3;
	v3 =	vsub.f32 $0.0e+00, v28;
	(xrf2) =	vadd.scan.msk.f32 $0xffff, v2  }
0x32a: {  	v2 =	vadd.s32 $0x1000, v8;
	[tilespmem:v9+s0+$0x0] =	vst.idx.add.f32.msk vm9, v25  }
0x32b: {  	[tilespmem:v13+s0+$0x0] =	vst.idx.add.f32.msk vm4, v3  }
0x32c: {  	[tilespmem:v7+s22+$0x0] =	vst.idx.add.f32.msk vm10, v14;
	v8, _, _ =	vpop (xrf2)  }
0x32d: {  	(xrf2) =	vadd.scan.msk.f32 $0xffff, v12;
	v12 =	vsub.f32 $0.0e+00, v14;
	[tilespmem:v22+s0+$0x0] =	vst.idx.add.f32.msk vm7, v29  }
0x32e: {  	[tilespmem:v16+s22+$0x0] =	vst.idx.add.f32.msk vm3, v10  }
0x32f: {  	v9 =	vsub.f32 $0.0e+00, v11;
	[tilespmem:v2+s22+$0x0] =	vst.idx.add.f32.msk vm8, v12  }
0x330: {  	v3, _, _ =	vpop (xrf2);
	(xrf2) =	vadd.scan.msk.f32 $0xffff, v23;
	[tilespmem:v7+s0+$0x0] =	vst.idx.add.f32.msk vm10, v11  }
0x331: {  	v10 =	vsub.f32 $0.0e+00, v10;
	[tilespmem:v2+s0+$0x0] =	vst.idx.add.f32.msk vm8, v9  }
0x332: {  	v2 =	vsub.f32 $0.0e+00, v17;
	[tilespmem:v5+s22+$0x0] =	vst.idx.add.f32.msk vm2, v17  }
0x333: {  	(xrf2) =	vadd.scan.msk.f32 $0xffff, v24;
	[tilespmem:v19+s22+$0x0] =	vst.idx.add.f32.msk vm5, v10;
	v7, _, _ =	vpop (xrf2)  }
0x334: {  	[tilespmem:v15+s22+$0x0] =	vst.idx.add.f32.msk vm1, v2;
	v2 =	vsub.f32 $0.0e+00, v7  }
0x335: {  	v11 =	vperm.xlane v26, v1;
	v9 =	vsub.f32 $0.0e+00, v8;
	[tilespmem:v5+s0+$0x0] =	vst.idx.add.f32.msk vm2, v7  }
0x336: {  	(xrf2) =	vadd.scan.msk.f32 $0xffff, v6;
	[tilespmem:v16+s0+$0x0] =	vst.idx.add.f32.msk vm3, v8  }
0x337: {  	v5 =	vperm.xlane v27, v1;
	v10, _, _ =	vpop (xrf2);
	[tilespmem:v15+s0+$0x0] =	vst.idx.add.f32.msk vm1, v2  }
0x338: {  	[tilespmem:v19+s0+$0x0] =	vst.idx.add.f32.msk vm5, v9  }
0x339: {  	v9 =	vld [tilespmem:s29+$0xFFFFFFC0]  }
0x33a: {  	v6 =	vld [tilespmem:s29+$0xFFFFFFB0];
	v19, _, _ =	vpop (xrf2)  }
0x33b: {  	v14 =	vperm.xlane v20, v1;
	v13 =	vld [tilespmem:s29+$0xFFFFFFA0];
	(xrf2) =	vadd.scan.msk.f32 $0xffff, v4  }
0x33c: {  	vm1 =	vne.s32 v27, v5;
	v4 =	vld [tilespmem:s29+$0xFFFFFF90]  }
0x33d: {  	vm8 =	vmor vm1, vm0;
	v23 =	vld [tilespmem:s26+$0xFFFFFFD0];
	v15, _, _ =	vpop (xrf2)  }
0x33e: {  	vm7 =	vne.s32 v26, v11;
	v2 =	vld [tilespmem:s26+$0xFFFFFFA0]  }
0x33f: {  	vm2 =	vmor vm7, vm0;
	v8 =	vld [tilespmem:s26+$0xFFFFFFB0]  }
0x340: {  	v21 =	vadd.s32 $0x1000, v26;
	vm3 =	vne.s32 v20, v14;
	v7 =	vld [tilespmem:s30+$0xFFFFFFB0];
	(xrf2) =	vadd.scan.msk.f32 $0xffff, v18;
	v16, _, _ =	vpop (xrf2)  }
0x341: {  	v22 =	vadd.s32 $0x1000, v27;
	vm5 =	vmor vm3, vm0;
	v18 =	vld [tilespmem:s30+$0xFFFFFFD0]  }
0x342: {  	v11 =	vadd.s32 $0x1000, v11;
	v24 =	vld [tilespmem:s26+$0xFFFFFFC0]  }
0x343: {  	v12 =	vadd.s32 $0x1000, v20;
	v5 =	vadd.s32 $0x1000, v5;
	v17 =	vld [tilespmem:s30+$0xFFFFFFC0]  }
0x344: {  	v25 =	vld [tilespmem:s30+$0xFFFFFFA0];
	(xrf2) =	vadd.scan.msk.f32 $0xffff, v8  }
0x345: {  	v14 =	vadd.s32 $0x1000, v14;
	v8 =	vperm.xlane v7, v1;
	[tilespmem:v21+s22+$0x0] =	vst.idx.add.f32.msk vm2, v15;
	v15 =	vsub.f32 $0.0e+00, v15;
	v20, _, _ =	vpop (xrf2)  }
0x346: {  	v26 =	vperm.xlane v18, v1;
	[tilespmem:v22+s22+$0x0] =	vst.idx.add.f32.msk vm8, v20;
	v20 =	vsub.f32 $0.0e+00, v20  }
0x347: {  	[tilespmem:v11+s22+$0x0] =	vst.idx.add.f32.msk vm7, v15;
	(xrf2) =	vadd.scan.msk.f32 $0xffff, v13  }
0x348: {  	v13 =	vsub.f32 $0.0e+00, v16;
	vm4 =	vne.s32 v18, v26;
	[tilespmem:v5+s22+$0x0] =	vst.idx.add.f32.msk vm1, v20  }
0x349: {  	v15 =	vperm.xlane v25, v1;
	vm6 =	vmor vm4, vm0;
	[tilespmem:v22+s0+$0x0] =	vst.idx.add.f32.msk vm8, v16  }
0x34a: {  	v16 =	vadd.s32 $0x1000, v18;
	v18 =	vsub.f32 $0.0e+00, v19;
	[tilespmem:v5+s0+$0x0] =	vst.idx.add.f32.msk vm1, v13;
	(xrf2) =	vadd.scan.msk.f32 $0xffff, v24;
	v20, _, _ =	vpop (xrf2)  }
.Ltmp29:
0x34b: {  	v13 =	vadd.s32 $0x1000, v26;
	vm1 =	vne.s32 v25, v15;
	[tilespmem:v21+s0+$0x0] =	vst.idx.add.f32.msk vm2, v19;
	(pc) =	sbr.rel @p0 .LBB2_60-.Ltmp29, $4  }
0x34c: {  	v21 =	vsub.f32 $0.0e+00, v20;
	vm2 =	vmor vm1, vm0;
	[tilespmem:v11+s0+$0x0] =	vst.idx.add.f32.msk vm7, v18  }
0x34d: {  	v22 =	vperm.xlane v17, v1;
	v5 =	vadd.s32 $0x1000, v25;
	v18 =	vld [tilespmem:s26+$0xFFFFFF90];
	(xrf2) =	vadd.scan.msk.f32 $0xffff, v23  }
0x34e: {  	[tilespmem:v12+s22+$0x0] =	vst.idx.add.f32.msk vm5, v3;
	v11, _, _ =	vpop (xrf2)  }
0x34f: {  	vm7 =	vne.s32 v17, v22;
	s26 =	sadd.s32 $0x400, s26;
	v19 =	vld [tilespmem:s30+$0xFFFFFF90]  }
0x350: {  	_ = 	snop  }
0x351: {  	(xrf2) =	vadd.scan.msk.f32 $0xffff, v9  }
0x352: {  	(xrf2) =	vadd.scan.msk.f32 $0xffff, v6;
	_ =	sdelay $0x1  }
0x353: {  	v9 =	vsub.f32 $0.0e+00, v10  }
0x354: {  	[tilespmem:v16+s22+$0x0] =	vst.idx.add.f32.msk vm6, v10;
	v3 =	vsub.f32 $0.0e+00, v3  }
0x355: {  	vm9 =	vmor vm7, vm0;
	vm8 =	vne.s32 v7, v8;
	[tilespmem:v13+s22+$0x0] =	vst.idx.add.f32.msk vm4, v9  }
0x356: {  	v6 =	vadd.s32 $0x1000, v17;
	v10, _, _ =	vpop (xrf2);
	vm10 =	vmor vm8, vm0;
	[tilespmem:v14+s22+$0x0] =	vst.idx.add.f32.msk vm3, v3  }
0x357: {  	v7 =	vadd.s32 $0x1000, v7;
	(xrf2) =	vadd.scan.msk.f32 $0xffff, v4;
	[tilespmem:v5+s22+$0x0] =	vst.idx.add.f32.msk vm2, v10  }
0x358: {  	v4 =	vadd.s32 $0x1000, v22;
	[tilespmem:v12+s0+$0x0] =	vst.idx.add.f32.msk vm5, v20;
	v9, _, _ =	vpop (xrf2)  }
0x359: {  	[tilespmem:v14+s0+$0x0] =	vst.idx.add.f32.msk vm3, v21;
	v17, _, _ =	vpop (xrf2)  }
0x35a: {  	v3 =	vperm.xlane v19, v1;
	[tilespmem:v16+s0+$0x0] =	vst.idx.add.f32.msk vm6, v17;
	v12, _, _ =	vpop (xrf2);
	(xrf2) =	vadd.scan.msk.f32 $0xffff, v18  }
0x35b: {  	v14 =	vsub.f32 $0.0e+00, v12;
	[tilespmem:v6+s22+$0x0] =	vst.idx.add.f32.msk vm9, v12;
	(xrf2) =	vadd.scan.msk.f32 $0xffff, v2;
	v2 =	vadd.s32 $0x1000, v8;
	v8, _, _ =	vpop (xrf2)  }
0x35c: {  	vm3 =	vne.s32 v19, v3;
	[tilespmem:v7+s22+$0x0] =	vst.idx.add.f32.msk vm10, v8  }
0x35d: {  	vm5 =	vmor vm3, vm0;
	[tilespmem:v4+s22+$0x0] =	vst.idx.add.f32.msk vm7, v14;
	v14 =	vsub.f32 $0.0e+00, v17  }
0x35e: {  	v12 =	vadd.s32 $0x1000, v19;
	[tilespmem:v6+s0+$0x0] =	vst.idx.add.f32.msk vm9, v9;
	v6 =	vsub.f32 $0.0e+00, v9  }
0x35f: {  	v8 =	vsub.f32 $0.0e+00, v8;
	[tilespmem:v13+s0+$0x0] =	vst.idx.add.f32.msk vm4, v14  }
0x360: {  	v3 =	vadd.s32 $0x1000, v3;
	[tilespmem:v4+s0+$0x0] =	vst.idx.add.f32.msk vm7, v6  }
0x361: {  	v9, _, _ =	vpop (xrf2);
	v4 =	vadd.s32 $0x1000, v15;
	[tilespmem:v2+s22+$0x0] =	vst.idx.add.f32.msk vm8, v8;
	v6 =	vsub.f32 $0.0e+00, v11  }
0x362: {  	[tilespmem:v7+s0+$0x0] =	vst.idx.add.f32.msk vm10, v11;
	v7 =	vsub.f32 $0.0e+00, v9  }
0x363: {  	[tilespmem:v12+s22+$0x0] =	vst.idx.add.f32.msk vm5, v9  }
0x364: {  	[tilespmem:v2+s0+$0x0] =	vst.idx.add.f32.msk vm8, v6;
	v2 =	vsub.f32 $0.0e+00, v10  }
0x365: {  	[tilespmem:v3+s22+$0x0] =	vst.idx.add.f32.msk vm3, v7;
	v6, _, _ =	vpop (xrf2)  }
0x366: {  	v7, _, _ =	vpop (xrf2);
	[tilespmem:v4+s22+$0x0] =	vst.idx.add.f32.msk vm1, v2  }
0x367: {  	[tilespmem:v12+s0+$0x0] =	vst.idx.add.f32.msk vm5, v6;
	v2 =	vsub.f32 $0.0e+00, v7  }
0x368: {  	[tilespmem:v5+s0+$0x0] =	vst.idx.add.f32.msk vm2, v7;
	v5 =	vsub.f32 $0.0e+00, v6  }
0x369: {  	[tilespmem:v4+s0+$0x0] =	vst.idx.add.f32.msk vm1, v2  }
0x36a: {  	s26 =	simm.s32 $0x1;
	[tilespmem:v3+s0+$0x0] =	vst.idx.add.f32.msk vm3, v5  }
0x36b: {  	_ =	swait.ge [sflag:s26], $0x1000  }
0x36c: {  	[sflag:s26] =	ssyncset.done $0x0  }
0x36d: {  	[sflag:s26] =	ssyncadd.s32 $0xFFFFF000  }
0x36e: {  	_ =	swait.ge [sflag:s26], $0x1000  }
0x36f: {  	[sflag:s26] =	ssyncset.done $0x0  }
0x370: {  	[sflag:s26] =	ssyncadd.s32 $0xFFFFF000  }
0x371: {  	_ =	swait.ge [sflag:s26], $0x1000  }
0x372: {  	[sflag:s26] =	ssyncset.done $0x0  }
0x373: {  	[sflag:s26] =	ssyncadd.s32 $0xFFFFF000;
	s26 =	simm.s32 $0x102F0  }
0x374: {  	s29 =	simm.s32 $0x82F0;
	v2 =	vld [tilespmem:s26+$0xFFFFFFF0]  }
0x375: {  	v3 =	vld [tilespmem:s29+$0xFFFFFFF0]  }
0x376: {  	v4 =	vld [tilespmem:s29+$0xFFFFFFE0]  }
0x377: {  	v5 =	vld [tilespmem:s29+$0xFFFFFFD0]  }
0x378: {  	s30 =	simm.s32 $0x2F0;
	v6 =	vld [tilespmem:s26+$0x0]  }
0x379: {  	v8 =	vld [tilespmem:s30+$0xFFFFFFF0]  }
0x37a: {  	v11 =	vld [tilespmem:s30+$0x0]  }
0x37b: {  	v7 =	vld [tilespmem:s29+$0x0];
	(xrf2) =	vadd.scan.msk.f32 $0xffff, v4  }
0x37c: {  	v12 =	vld [tilespmem:s26+$0xFFFFFFE0];
	(xrf2) =	vadd.scan.msk.f32 $0xffff, v5  }
0x37d: {  	v9 =	vld [tilespmem:s29+$0xFFFFFFC0];
	(xrf2) =	vadd.scan.msk.f32 $0xffff, v2  }
0x37e: {  	v13 =	vld [tilespmem:s29+$0xFFFFFFA0];
	(xrf2) =	vadd.scan.msk.f32 $0xffff, v3  }
0x37f: {  	v19 =	vld [tilespmem:s26+$0xFFFFFFD0];
	(xrf2) =	vadd.scan.msk.f32 $0xffff, v6  }
0x380: {  	v16 =	vld [tilespmem:s26+$0xFFFFFFB0];
	(xrf2) =	vadd.scan.msk.f32 $0xffff, v7  }
0x381: {  	v18 =	vld [tilespmem:s30+$0xFFFFFFD0];
	v14 =	vperm.xlane v8, v1  }
0x382: {  	v21 =	vld [tilespmem:s26+$0xFFFFFFC0];
	v15 =	vperm.xlane v11, v1  }
0x383: {  	v17 =	vld [tilespmem:s30+$0xFFFFFFC0];
	vm1 =	vne.s32 v8, v14  }
0x384: {  	v5 =	vld [tilespmem:s30+$0xFFFFFFE0];
	vm4 =	vne.s32 v11, v15;
	vm2 =	vmor vm1, vm0  }
0x385: {  	v24 =	vld [tilespmem:s30+$0xFFFFFFA0];
	v8 =	vadd.s32 $0x1400, v8;
	vm6 =	vmor vm4, vm0;
	v3, _, _ =	vpop (xrf2)  }
0x386: {  	v4 =	vld [tilespmem:s29+$0xFFFFFF90];
	v11 =	vadd.s32 $0x1400, v11;
	v10, _, _ =	vpop (xrf2)  }
0x387: {  	v2 =	vld [tilespmem:s26+$0xFFFFFFA0];
	v22 =	vadd.s32 $0x1400, v14;
	v20, _, _ =	vpop (xrf2)  }
0x388: {  	v15 =	vadd.s32 $0x1400, v15;
	v6 =	vld [tilespmem:s29+$0xFFFFFFB0];
	(xrf2) =	vadd.scan.msk.f32 $0xffff, v12;
	v14, _, _ =	vpop (xrf2)  }
0x389: {  	v7 =	vld [tilespmem:s30+$0xFFFFFFB0];
	v25 =	vperm.xlane v5, v1;
	v23, _, _ =	vpop (xrf2)  }
0x38a: {  	(xrf2) =	vadd.scan.msk.f32 $0xffff, v16;
	[tilespmem:v8+s22+$0x0] =	vst.idx.add.f32.msk vm2, v14;
	v12 =	vsub.f32 $0.0e+00, v14;
	v14, _, _ =	vpop (xrf2)  }
0x38b: {  	vm3 =	vne.s32 v5, v25;
	[tilespmem:v11+s22+$0x0] =	vst.idx.add.f32.msk vm6, v14;
	v14 =	vsub.f32 $0.0e+00, v14  }
0x38c: {  	vm5 =	vmor vm3, vm0;
	(xrf2) =	vadd.scan.msk.f32 $0xffff, v13;
	[tilespmem:v22+s22+$0x0] =	vst.idx.add.f32.msk vm1, v12  }
0x38d: {  	v12 =	vadd.s32 $0x1400, v5;
	v5 =	vperm.xlane v18, v1;
	[tilespmem:v15+s22+$0x0] =	vst.idx.add.f32.msk vm4, v14;
	v14 =	vsub.f32 $0.0e+00, v23  }
0x38e: {  	[tilespmem:v11+s0+$0x0] =	vst.idx.add.f32.msk vm6, v23  }
0x38f: {  	(xrf2) =	vadd.scan.msk.f32 $0xffff, v21;
	[tilespmem:v15+s0+$0x0] =	vst.idx.add.f32.msk vm4, v14;
	vm4 =	vne.s32 v18, v5  }
0x390: {  	[tilespmem:v8+s0+$0x0] =	vst.idx.add.f32.msk vm2, v20;
	v11 =	vsub.f32 $0.0e+00, v20;
	vm6 =	vmor vm4, vm0  }
0x391: {  	v16 =	vadd.s32 $0x1400, v18;
	v8 =	vperm.xlane v7, v1;
	v15 =	vperm.xlane v24, v1;
	v18 =	vld [tilespmem:s26+$0xFFFFFF90]  }
0x392: {  	v13 =	vadd.s32 $0x1400, v5;
	[tilespmem:v22+s0+$0x0] =	vst.idx.add.f32.msk vm1, v11;
	v22 =	vperm.xlane v17, v1;
	v20, _, _ =	vpop (xrf2);
	(xrf2) =	vadd.scan.msk.f32 $0xffff, v19  }
0x393: {  	v14 =	vadd.s32 $0x1400, v25;
	v5 =	vadd.s32 $0x1400, v24;
	[tilespmem:v12+s22+$0x0] =	vst.idx.add.f32.msk vm5, v3;
	vm1 =	vne.s32 v24, v15  }
0x394: {  	s28 =	simm.s32 $0x0;
	s26 =	simm.s32 $0x106F0;
	v19 =	vld [tilespmem:s30+$0xFFFFFF90];
	vm2 =	vmor vm1, vm0;
	v21 =	vsub.f32 $0.0e+00, v20;
	v11, _, _ =	vpop (xrf2);
	vm7 =	vne.s32 v17, v22  }
.LBB2_62:
0x395: {  	v23 =	vld [tilespmem:s26+$0xFFFFFFF0];
	s28 =	sadd.s32 $0x8, s28;
	vm9 =	vmor vm7, vm0;
	s29 =	sadd.s32 $0x400, s29;
	s30 =	sadd.s32 $0x400, s30;
	(xrf2) =	vadd.scan.msk.f32 $0xffff, v9  }
0x396: {  	v9 =	vadd.s32 $0x1400, v17;
	p0 =	slt.u32 s28, $0xF8;
	[tilespmem:v16+s22+$0x0] =	vst.idx.add.f32.msk vm6, v10;
	v10 =	vsub.f32 $0.0e+00, v10;
	v17, _, _ =	vpop (xrf2)  }
0x397: {  	v24 =	vld [tilespmem:s29+$0xFFFFFFF0]  }
0x398: {  	v22 =	vadd.s32 $0x1400, v22;
	[tilespmem:v13+s22+$0x0] =	vst.idx.add.f32.msk vm4, v10;
	(xrf2) =	vadd.scan.msk.f32 $0xffff, v6  }
0x399: {  	vm8 =	vne.s32 v7, v8;
	v6 =	vld [tilespmem:s26+$0x0];
	v10 =	vperm.xlane v19, v1;
	v25, _, _ =	vpop (xrf2)  }
0x39a: {  	vm10 =	vmor vm8, vm0;
	v26 =	vld [tilespmem:s30+$0xFFFFFFF0]  }
0x39b: {  	v7 =	vadd.s32 $0x1400, v7;
	v3 =	vsub.f32 $0.0e+00, v3;
	v27 =	vld [tilespmem:s30+$0x0];
	(xrf2) =	vadd.scan.msk.f32 $0xffff, v4  }
0x39c: {  	v4 =	vld [tilespmem:s29+$0x0];
	v28, _, _ =	vpop (xrf2)  }
0x39d: {  	v15 =	vadd.s32 $0x1400, v15;
	v29 =	vsub.f32 $0.0e+00, v25;
	[tilespmem:v14+s22+$0x0] =	vst.idx.add.f32.msk vm3, v3  }
0x39e: {  	v3 =	vld [tilespmem:s29+$0xFFFFFFE0]  }
0x39f: {  	[tilespmem:v12+s0+$0x0] =	vst.idx.add.f32.msk vm5, v20;
	(xrf2) =	vadd.scan.msk.f32 $0xffff, v18;
	v12, _, _ =	vpop (xrf2)  }
0x3a0: {  	v18 =	vld [tilespmem:s26+$0xFFFFFFE0]  }
0x3a1: {  	v20 =	vld [tilespmem:s30+$0xFFFFFFE0]  }
0x3a2: {  	vm5 =	vne.s32 v19, v10;
	[tilespmem:v14+s0+$0x0] =	vst.idx.add.f32.msk vm3, v21;
	v14, _, _ =	vpop (xrf2)  }
0x3a3: {  	vm3 =	vmor vm5, vm0;
	(xrf2) =	vadd.scan.msk.f32 $0xffff, v3;
	[tilespmem:v16+s0+$0x0] =	vst.idx.add.f32.msk vm6, v28  }
0x3a4: {  	v16 =	vadd.s32 $0x1400, v19;
	v3 =	vsub.f32 $0.0e+00, v12;
	[tilespmem:v9+s22+$0x0] =	vst.idx.add.f32.msk vm9, v12  }
0x3a5: {  	v19 =	vadd.s32 $0x1400, v10;
	v12 =	vld [tilespmem:s29+$0xFFFFFFD0];
	v10, _, _ =	vpop (xrf2)  }
0x3a6: {  	[tilespmem:v22+s22+$0x0] =	vst.idx.add.f32.msk vm7, v3;
	v3 =	vsub.f32 $0.0e+00, v28;
	(xrf2) =	vadd.scan.msk.f32 $0xffff, v2  }
0x3a7: {  	v2 =	vadd.s32 $0x1400, v8;
	[tilespmem:v9+s0+$0x0] =	vst.idx.add.f32.msk vm9, v25  }
0x3a8: {  	[tilespmem:v13+s0+$0x0] =	vst.idx.add.f32.msk vm4, v3  }
0x3a9: {  	[tilespmem:v7+s22+$0x0] =	vst.idx.add.f32.msk vm10, v14;
	v8, _, _ =	vpop (xrf2)  }
0x3aa: {  	(xrf2) =	vadd.scan.msk.f32 $0xffff, v12;
	v12 =	vsub.f32 $0.0e+00, v14;
	[tilespmem:v22+s0+$0x0] =	vst.idx.add.f32.msk vm7, v29  }
0x3ab: {  	[tilespmem:v16+s22+$0x0] =	vst.idx.add.f32.msk vm3, v10  }
0x3ac: {  	v9 =	vsub.f32 $0.0e+00, v11;
	[tilespmem:v2+s22+$0x0] =	vst.idx.add.f32.msk vm8, v12  }
0x3ad: {  	v3, _, _ =	vpop (xrf2);
	(xrf2) =	vadd.scan.msk.f32 $0xffff, v23;
	[tilespmem:v7+s0+$0x0] =	vst.idx.add.f32.msk vm10, v11  }
0x3ae: {  	v10 =	vsub.f32 $0.0e+00, v10;
	[tilespmem:v2+s0+$0x0] =	vst.idx.add.f32.msk vm8, v9  }
0x3af: {  	v2 =	vsub.f32 $0.0e+00, v17;
	[tilespmem:v5+s22+$0x0] =	vst.idx.add.f32.msk vm2, v17  }
0x3b0: {  	(xrf2) =	vadd.scan.msk.f32 $0xffff, v24;
	[tilespmem:v19+s22+$0x0] =	vst.idx.add.f32.msk vm5, v10;
	v7, _, _ =	vpop (xrf2)  }
0x3b1: {  	[tilespmem:v15+s22+$0x0] =	vst.idx.add.f32.msk vm1, v2;
	v2 =	vsub.f32 $0.0e+00, v7  }
0x3b2: {  	v11 =	vperm.xlane v26, v1;
	v9 =	vsub.f32 $0.0e+00, v8;
	[tilespmem:v5+s0+$0x0] =	vst.idx.add.f32.msk vm2, v7  }
0x3b3: {  	(xrf2) =	vadd.scan.msk.f32 $0xffff, v6;
	[tilespmem:v16+s0+$0x0] =	vst.idx.add.f32.msk vm3, v8  }
0x3b4: {  	v5 =	vperm.xlane v27, v1;
	v10, _, _ =	vpop (xrf2);
	[tilespmem:v15+s0+$0x0] =	vst.idx.add.f32.msk vm1, v2  }
0x3b5: {  	[tilespmem:v19+s0+$0x0] =	vst.idx.add.f32.msk vm5, v9  }
0x3b6: {  	v9 =	vld [tilespmem:s29+$0xFFFFFFC0]  }
0x3b7: {  	v6 =	vld [tilespmem:s29+$0xFFFFFFB0];
	v19, _, _ =	vpop (xrf2)  }
0x3b8: {  	v14 =	vperm.xlane v20, v1;
	v13 =	vld [tilespmem:s29+$0xFFFFFFA0];
	(xrf2) =	vadd.scan.msk.f32 $0xffff, v4  }
0x3b9: {  	vm1 =	vne.s32 v27, v5;
	v4 =	vld [tilespmem:s29+$0xFFFFFF90]  }
0x3ba: {  	vm8 =	vmor vm1, vm0;
	v23 =	vld [tilespmem:s26+$0xFFFFFFD0];
	v15, _, _ =	vpop (xrf2)  }
0x3bb: {  	vm7 =	vne.s32 v26, v11;
	v2 =	vld [tilespmem:s26+$0xFFFFFFA0]  }
0x3bc: {  	vm2 =	vmor vm7, vm0;
	v8 =	vld [tilespmem:s26+$0xFFFFFFB0]  }
0x3bd: {  	v21 =	vadd.s32 $0x1400, v26;
	vm3 =	vne.s32 v20, v14;
	v7 =	vld [tilespmem:s30+$0xFFFFFFB0];
	(xrf2) =	vadd.scan.msk.f32 $0xffff, v18;
	v16, _, _ =	vpop (xrf2)  }
0x3be: {  	v22 =	vadd.s32 $0x1400, v27;
	vm5 =	vmor vm3, vm0;
	v18 =	vld [tilespmem:s30+$0xFFFFFFD0]  }
0x3bf: {  	v11 =	vadd.s32 $0x1400, v11;
	v24 =	vld [tilespmem:s26+$0xFFFFFFC0]  }
0x3c0: {  	v12 =	vadd.s32 $0x1400, v20;
	v5 =	vadd.s32 $0x1400, v5;
	v17 =	vld [tilespmem:s30+$0xFFFFFFC0]  }
0x3c1: {  	v25 =	vld [tilespmem:s30+$0xFFFFFFA0];
	(xrf2) =	vadd.scan.msk.f32 $0xffff, v8  }
0x3c2: {  	v14 =	vadd.s32 $0x1400, v14;
	v8 =	vperm.xlane v7, v1;
	[tilespmem:v21+s22+$0x0] =	vst.idx.add.f32.msk vm2, v15;
	v15 =	vsub.f32 $0.0e+00, v15;
	v20, _, _ =	vpop (xrf2)  }
0x3c3: {  	v26 =	vperm.xlane v18, v1;
	[tilespmem:v22+s22+$0x0] =	vst.idx.add.f32.msk vm8, v20;
	v20 =	vsub.f32 $0.0e+00, v20  }
0x3c4: {  	[tilespmem:v11+s22+$0x0] =	vst.idx.add.f32.msk vm7, v15;
	(xrf2) =	vadd.scan.msk.f32 $0xffff, v13  }
0x3c5: {  	v13 =	vsub.f32 $0.0e+00, v16;
	vm4 =	vne.s32 v18, v26;
	[tilespmem:v5+s22+$0x0] =	vst.idx.add.f32.msk vm1, v20  }
0x3c6: {  	v15 =	vperm.xlane v25, v1;
	vm6 =	vmor vm4, vm0;
	[tilespmem:v22+s0+$0x0] =	vst.idx.add.f32.msk vm8, v16  }
0x3c7: {  	v16 =	vadd.s32 $0x1400, v18;
	v18 =	vsub.f32 $0.0e+00, v19;
	[tilespmem:v5+s0+$0x0] =	vst.idx.add.f32.msk vm1, v13;
	(xrf2) =	vadd.scan.msk.f32 $0xffff, v24;
	v20, _, _ =	vpop (xrf2)  }
.Ltmp30:
0x3c8: {  	v13 =	vadd.s32 $0x1400, v26;
	vm1 =	vne.s32 v25, v15;
	[tilespmem:v21+s0+$0x0] =	vst.idx.add.f32.msk vm2, v19;
	(pc) =	sbr.rel @p0 .LBB2_62-.Ltmp30, $4  }
0x3c9: {  	v21 =	vsub.f32 $0.0e+00, v20;
	vm2 =	vmor vm1, vm0;
	[tilespmem:v11+s0+$0x0] =	vst.idx.add.f32.msk vm7, v18  }
0x3ca: {  	v22 =	vperm.xlane v17, v1;
	v5 =	vadd.s32 $0x1400, v25;
	v18 =	vld [tilespmem:s26+$0xFFFFFF90];
	(xrf2) =	vadd.scan.msk.f32 $0xffff, v23  }
0x3cb: {  	[tilespmem:v12+s22+$0x0] =	vst.idx.add.f32.msk vm5, v3;
	v11, _, _ =	vpop (xrf2)  }
0x3cc: {  	vm7 =	vne.s32 v17, v22;
	s26 =	sadd.s32 $0x400, s26;
	v19 =	vld [tilespmem:s30+$0xFFFFFF90]  }
0x3cd: {  	_ = 	snop  }
0x3ce: {  	(xrf2) =	vadd.scan.msk.f32 $0xffff, v9  }
0x3cf: {  	(xrf2) =	vadd.scan.msk.f32 $0xffff, v6;
	_ =	sdelay $0x1  }
0x3d0: {  	v9 =	vsub.f32 $0.0e+00, v10  }
0x3d1: {  	[tilespmem:v16+s22+$0x0] =	vst.idx.add.f32.msk vm6, v10;
	v3 =	vsub.f32 $0.0e+00, v3  }
0x3d2: {  	vm9 =	vmor vm7, vm0;
	vm8 =	vne.s32 v7, v8;
	[tilespmem:v13+s22+$0x0] =	vst.idx.add.f32.msk vm4, v9  }
0x3d3: {  	v6 =	vadd.s32 $0x1400, v17;
	v10, _, _ =	vpop (xrf2);
	vm10 =	vmor vm8, vm0;
	[tilespmem:v14+s22+$0x0] =	vst.idx.add.f32.msk vm3, v3  }
0x3d4: {  	v7 =	vadd.s32 $0x1400, v7;
	(xrf2) =	vadd.scan.msk.f32 $0xffff, v4;
	[tilespmem:v5+s22+$0x0] =	vst.idx.add.f32.msk vm2, v10  }
0x3d5: {  	v4 =	vadd.s32 $0x1400, v22;
	[tilespmem:v12+s0+$0x0] =	vst.idx.add.f32.msk vm5, v20;
	v9, _, _ =	vpop (xrf2)  }
0x3d6: {  	[tilespmem:v14+s0+$0x0] =	vst.idx.add.f32.msk vm3, v21;
	v17, _, _ =	vpop (xrf2)  }
0x3d7: {  	v3 =	vperm.xlane v19, v1;
	[tilespmem:v16+s0+$0x0] =	vst.idx.add.f32.msk vm6, v17;
	v12, _, _ =	vpop (xrf2);
	(xrf2) =	vadd.scan.msk.f32 $0xffff, v18  }
0x3d8: {  	v14 =	vsub.f32 $0.0e+00, v12;
	[tilespmem:v6+s22+$0x0] =	vst.idx.add.f32.msk vm9, v12;
	(xrf2) =	vadd.scan.msk.f32 $0xffff, v2;
	v2 =	vadd.s32 $0x1400, v8;
	v8, _, _ =	vpop (xrf2)  }
0x3d9: {  	vm3 =	vne.s32 v19, v3;
	[tilespmem:v7+s22+$0x0] =	vst.idx.add.f32.msk vm10, v8  }
0x3da: {  	vm5 =	vmor vm3, vm0;
	[tilespmem:v4+s22+$0x0] =	vst.idx.add.f32.msk vm7, v14;
	v14 =	vsub.f32 $0.0e+00, v17  }
0x3db: {  	v12 =	vadd.s32 $0x1400, v19;
	[tilespmem:v6+s0+$0x0] =	vst.idx.add.f32.msk vm9, v9;
	v6 =	vsub.f32 $0.0e+00, v9  }
0x3dc: {  	v8 =	vsub.f32 $0.0e+00, v8;
	[tilespmem:v13+s0+$0x0] =	vst.idx.add.f32.msk vm4, v14  }
0x3dd: {  	v3 =	vadd.s32 $0x1400, v3;
	[tilespmem:v4+s0+$0x0] =	vst.idx.add.f32.msk vm7, v6  }
0x3de: {  	v9, _, _ =	vpop (xrf2);
	v4 =	vadd.s32 $0x1400, v15;
	[tilespmem:v2+s22+$0x0] =	vst.idx.add.f32.msk vm8, v8;
	v6 =	vsub.f32 $0.0e+00, v11  }
0x3df: {  	[tilespmem:v7+s0+$0x0] =	vst.idx.add.f32.msk vm10, v11;
	v7 =	vsub.f32 $0.0e+00, v9  }
0x3e0: {  	[tilespmem:v12+s22+$0x0] =	vst.idx.add.f32.msk vm5, v9  }
0x3e1: {  	[tilespmem:v2+s0+$0x0] =	vst.idx.add.f32.msk vm8, v6;
	v2 =	vsub.f32 $0.0e+00, v10  }
0x3e2: {  	[tilespmem:v3+s22+$0x0] =	vst.idx.add.f32.msk vm3, v7;
	v6, _, _ =	vpop (xrf2)  }
0x3e3: {  	v7, _, _ =	vpop (xrf2);
	[tilespmem:v4+s22+$0x0] =	vst.idx.add.f32.msk vm1, v2  }
0x3e4: {  	[tilespmem:v12+s0+$0x0] =	vst.idx.add.f32.msk vm5, v6;
	v2 =	vsub.f32 $0.0e+00, v7  }
0x3e5: {  	[tilespmem:v5+s0+$0x0] =	vst.idx.add.f32.msk vm2, v7;
	v5 =	vsub.f32 $0.0e+00, v6  }
0x3e6: {  	[tilespmem:v4+s0+$0x0] =	vst.idx.add.f32.msk vm1, v2  }
0x3e7: {  	s26 =	simm.s32 $0x1;
	[tilespmem:v3+s0+$0x0] =	vst.idx.add.f32.msk vm3, v5  }
0x3e8: {  	_ =	swait.ge [sflag:s26], $0x1000  }
0x3e9: {  	[sflag:s26] =	ssyncset.done $0x0  }
0x3ea: {  	[sflag:s26] =	ssyncadd.s32 $0xFFFFF000  }
0x3eb: {  	_ =	swait.ge [sflag:s26], $0x1000  }
0x3ec: {  	[sflag:s26] =	ssyncset.done $0x0  }
0x3ed: {  	[sflag:s26] =	ssyncadd.s32 $0xFFFFF000  }
0x3ee: {  	_ =	swait.ge [sflag:s26], $0x1000  }
0x3ef: {  	[sflag:s26] =	ssyncset.done $0x0  }
0x3f0: {  	[sflag:s26] =	ssyncadd.s32 $0xFFFFF000;
	s26 =	simm.s32 $0x10370  }
0x3f1: {  	s29 =	simm.s32 $0x8370;
	v2 =	vld [tilespmem:s26+$0xFFFFFFF0]  }
0x3f2: {  	v3 =	vld [tilespmem:s29+$0xFFFFFFF0]  }
0x3f3: {  	v4 =	vld [tilespmem:s29+$0xFFFFFFE0]  }
0x3f4: {  	v5 =	vld [tilespmem:s29+$0xFFFFFFD0]  }
0x3f5: {  	s30 =	simm.s32 $0x370;
	v6 =	vld [tilespmem:s26+$0x0]  }
0x3f6: {  	v8 =	vld [tilespmem:s30+$0xFFFFFFF0]  }
0x3f7: {  	v11 =	vld [tilespmem:s30+$0x0]  }
0x3f8: {  	v7 =	vld [tilespmem:s29+$0x0];
	(xrf2) =	vadd.scan.msk.f32 $0xffff, v4  }
0x3f9: {  	v12 =	vld [tilespmem:s26+$0xFFFFFFE0];
	(xrf2) =	vadd.scan.msk.f32 $0xffff, v5  }
0x3fa: {  	v9 =	vld [tilespmem:s29+$0xFFFFFFC0];
	(xrf2) =	vadd.scan.msk.f32 $0xffff, v2  }
0x3fb: {  	v13 =	vld [tilespmem:s29+$0xFFFFFFA0];
	(xrf2) =	vadd.scan.msk.f32 $0xffff, v3  }
0x3fc: {  	v19 =	vld [tilespmem:s26+$0xFFFFFFD0];
	(xrf2) =	vadd.scan.msk.f32 $0xffff, v6  }
0x3fd: {  	v16 =	vld [tilespmem:s26+$0xFFFFFFB0];
	(xrf2) =	vadd.scan.msk.f32 $0xffff, v7  }
0x3fe: {  	v18 =	vld [tilespmem:s30+$0xFFFFFFD0];
	v14 =	vperm.xlane v8, v1  }
0x3ff: {  	v21 =	vld [tilespmem:s26+$0xFFFFFFC0];
	v15 =	vperm.xlane v11, v1  }
0x400: {  	v17 =	vld [tilespmem:s30+$0xFFFFFFC0];
	vm1 =	vne.s32 v8, v14  }
0x401: {  	v5 =	vld [tilespmem:s30+$0xFFFFFFE0];
	vm4 =	vne.s32 v11, v15;
	vm2 =	vmor vm1, vm0  }
0x402: {  	v24 =	vld [tilespmem:s30+$0xFFFFFFA0];
	v8 =	vadd.s32 $0x1800, v8;
	vm6 =	vmor vm4, vm0;
	v3, _, _ =	vpop (xrf2)  }
0x403: {  	v4 =	vld [tilespmem:s29+$0xFFFFFF90];
	v11 =	vadd.s32 $0x1800, v11;
	v10, _, _ =	vpop (xrf2)  }
0x404: {  	v2 =	vld [tilespmem:s26+$0xFFFFFFA0];
	v22 =	vadd.s32 $0x1800, v14;
	v20, _, _ =	vpop (xrf2)  }
0x405: {  	v15 =	vadd.s32 $0x1800, v15;
	v6 =	vld [tilespmem:s29+$0xFFFFFFB0];
	(xrf2) =	vadd.scan.msk.f32 $0xffff, v12;
	v14, _, _ =	vpop (xrf2)  }
0x406: {  	v7 =	vld [tilespmem:s30+$0xFFFFFFB0];
	v25 =	vperm.xlane v5, v1;
	v23, _, _ =	vpop (xrf2)  }
0x407: {  	(xrf2) =	vadd.scan.msk.f32 $0xffff, v16;
	[tilespmem:v8+s22+$0x0] =	vst.idx.add.f32.msk vm2, v14;
	v12 =	vsub.f32 $0.0e+00, v14;
	v14, _, _ =	vpop (xrf2)  }
0x408: {  	vm3 =	vne.s32 v5, v25;
	[tilespmem:v11+s22+$0x0] =	vst.idx.add.f32.msk vm6, v14;
	v14 =	vsub.f32 $0.0e+00, v14  }
0x409: {  	vm5 =	vmor vm3, vm0;
	(xrf2) =	vadd.scan.msk.f32 $0xffff, v13;
	[tilespmem:v22+s22+$0x0] =	vst.idx.add.f32.msk vm1, v12  }
0x40a: {  	v12 =	vadd.s32 $0x1800, v5;
	v5 =	vperm.xlane v18, v1;
	[tilespmem:v15+s22+$0x0] =	vst.idx.add.f32.msk vm4, v14;
	v14 =	vsub.f32 $0.0e+00, v23  }
0x40b: {  	[tilespmem:v11+s0+$0x0] =	vst.idx.add.f32.msk vm6, v23  }
0x40c: {  	(xrf2) =	vadd.scan.msk.f32 $0xffff, v21;
	[tilespmem:v15+s0+$0x0] =	vst.idx.add.f32.msk vm4, v14;
	vm4 =	vne.s32 v18, v5  }
0x40d: {  	[tilespmem:v8+s0+$0x0] =	vst.idx.add.f32.msk vm2, v20;
	v11 =	vsub.f32 $0.0e+00, v20;
	vm6 =	vmor vm4, vm0  }
0x40e: {  	v16 =	vadd.s32 $0x1800, v18;
	v8 =	vperm.xlane v7, v1;
	v15 =	vperm.xlane v24, v1;
	v18 =	vld [tilespmem:s26+$0xFFFFFF90]  }
0x40f: {  	v13 =	vadd.s32 $0x1800, v5;
	[tilespmem:v22+s0+$0x0] =	vst.idx.add.f32.msk vm1, v11;
	v22 =	vperm.xlane v17, v1;
	v20, _, _ =	vpop (xrf2);
	(xrf2) =	vadd.scan.msk.f32 $0xffff, v19  }
0x410: {  	v14 =	vadd.s32 $0x1800, v25;
	v5 =	vadd.s32 $0x1800, v24;
	[tilespmem:v12+s22+$0x0] =	vst.idx.add.f32.msk vm5, v3;
	vm1 =	vne.s32 v24, v15  }
0x411: {  	s28 =	simm.s32 $0x0;
	s26 =	simm.s32 $0x10770;
	v19 =	vld [tilespmem:s30+$0xFFFFFF90];
	vm2 =	vmor vm1, vm0;
	v21 =	vsub.f32 $0.0e+00, v20;
	v11, _, _ =	vpop (xrf2);
	vm7 =	vne.s32 v17, v22  }
.LBB2_64:
0x412: {  	v23 =	vld [tilespmem:s26+$0xFFFFFFF0];
	s28 =	sadd.s32 $0x8, s28;
	vm9 =	vmor vm7, vm0;
	s29 =	sadd.s32 $0x400, s29;
	s30 =	sadd.s32 $0x400, s30;
	(xrf2) =	vadd.scan.msk.f32 $0xffff, v9  }
0x413: {  	v9 =	vadd.s32 $0x1800, v17;
	p0 =	slt.u32 s28, $0xF8;
	[tilespmem:v16+s22+$0x0] =	vst.idx.add.f32.msk vm6, v10;
	v10 =	vsub.f32 $0.0e+00, v10;
	v17, _, _ =	vpop (xrf2)  }
0x414: {  	v24 =	vld [tilespmem:s29+$0xFFFFFFF0]  }
0x415: {  	v22 =	vadd.s32 $0x1800, v22;
	[tilespmem:v13+s22+$0x0] =	vst.idx.add.f32.msk vm4, v10;
	(xrf2) =	vadd.scan.msk.f32 $0xffff, v6  }
0x416: {  	vm8 =	vne.s32 v7, v8;
	v6 =	vld [tilespmem:s26+$0x0];
	v10 =	vperm.xlane v19, v1;
	v25, _, _ =	vpop (xrf2)  }
0x417: {  	vm10 =	vmor vm8, vm0;
	v26 =	vld [tilespmem:s30+$0xFFFFFFF0]  }
0x418: {  	v7 =	vadd.s32 $0x1800, v7;
	v3 =	vsub.f32 $0.0e+00, v3;
	v27 =	vld [tilespmem:s30+$0x0];
	(xrf2) =	vadd.scan.msk.f32 $0xffff, v4  }
0x419: {  	v4 =	vld [tilespmem:s29+$0x0];
	v28, _, _ =	vpop (xrf2)  }
0x41a: {  	v15 =	vadd.s32 $0x1800, v15;
	v29 =	vsub.f32 $0.0e+00, v25;
	[tilespmem:v14+s22+$0x0] =	vst.idx.add.f32.msk vm3, v3  }
0x41b: {  	v3 =	vld [tilespmem:s29+$0xFFFFFFE0]  }
0x41c: {  	[tilespmem:v12+s0+$0x0] =	vst.idx.add.f32.msk vm5, v20;
	(xrf2) =	vadd.scan.msk.f32 $0xffff, v18;
	v12, _, _ =	vpop (xrf2)  }
0x41d: {  	v18 =	vld [tilespmem:s26+$0xFFFFFFE0]  }
0x41e: {  	v20 =	vld [tilespmem:s30+$0xFFFFFFE0]  }
0x41f: {  	vm5 =	vne.s32 v19, v10;
	[tilespmem:v14+s0+$0x0] =	vst.idx.add.f32.msk vm3, v21;
	v14, _, _ =	vpop (xrf2)  }
0x420: {  	vm3 =	vmor vm5, vm0;
	(xrf2) =	vadd.scan.msk.f32 $0xffff, v3;
	[tilespmem:v16+s0+$0x0] =	vst.idx.add.f32.msk vm6, v28  }
0x421: {  	v16 =	vadd.s32 $0x1800, v19;
	v3 =	vsub.f32 $0.0e+00, v12;
	[tilespmem:v9+s22+$0x0] =	vst.idx.add.f32.msk vm9, v12  }
0x422: {  	v19 =	vadd.s32 $0x1800, v10;
	v12 =	vld [tilespmem:s29+$0xFFFFFFD0];
	v10, _, _ =	vpop (xrf2)  }
0x423: {  	[tilespmem:v22+s22+$0x0] =	vst.idx.add.f32.msk vm7, v3;
	v3 =	vsub.f32 $0.0e+00, v28;
	(xrf2) =	vadd.scan.msk.f32 $0xffff, v2  }
0x424: {  	v2 =	vadd.s32 $0x1800, v8;
	[tilespmem:v9+s0+$0x0] =	vst.idx.add.f32.msk vm9, v25  }
0x425: {  	[tilespmem:v13+s0+$0x0] =	vst.idx.add.f32.msk vm4, v3  }
0x426: {  	[tilespmem:v7+s22+$0x0] =	vst.idx.add.f32.msk vm10, v14;
	v8, _, _ =	vpop (xrf2)  }
0x427: {  	(xrf2) =	vadd.scan.msk.f32 $0xffff, v12;
	v12 =	vsub.f32 $0.0e+00, v14;
	[tilespmem:v22+s0+$0x0] =	vst.idx.add.f32.msk vm7, v29  }
0x428: {  	[tilespmem:v16+s22+$0x0] =	vst.idx.add.f32.msk vm3, v10  }
0x429: {  	v9 =	vsub.f32 $0.0e+00, v11;
	[tilespmem:v2+s22+$0x0] =	vst.idx.add.f32.msk vm8, v12  }
0x42a: {  	v3, _, _ =	vpop (xrf2);
	(xrf2) =	vadd.scan.msk.f32 $0xffff, v23;
	[tilespmem:v7+s0+$0x0] =	vst.idx.add.f32.msk vm10, v11  }
0x42b: {  	v10 =	vsub.f32 $0.0e+00, v10;
	[tilespmem:v2+s0+$0x0] =	vst.idx.add.f32.msk vm8, v9  }
0x42c: {  	v2 =	vsub.f32 $0.0e+00, v17;
	[tilespmem:v5+s22+$0x0] =	vst.idx.add.f32.msk vm2, v17  }
0x42d: {  	(xrf2) =	vadd.scan.msk.f32 $0xffff, v24;
	[tilespmem:v19+s22+$0x0] =	vst.idx.add.f32.msk vm5, v10;
	v7, _, _ =	vpop (xrf2)  }
0x42e: {  	[tilespmem:v15+s22+$0x0] =	vst.idx.add.f32.msk vm1, v2;
	v2 =	vsub.f32 $0.0e+00, v7  }
0x42f: {  	v11 =	vperm.xlane v26, v1;
	v9 =	vsub.f32 $0.0e+00, v8;
	[tilespmem:v5+s0+$0x0] =	vst.idx.add.f32.msk vm2, v7  }
0x430: {  	(xrf2) =	vadd.scan.msk.f32 $0xffff, v6;
	[tilespmem:v16+s0+$0x0] =	vst.idx.add.f32.msk vm3, v8  }
0x431: {  	v5 =	vperm.xlane v27, v1;
	v10, _, _ =	vpop (xrf2);
	[tilespmem:v15+s0+$0x0] =	vst.idx.add.f32.msk vm1, v2  }
0x432: {  	[tilespmem:v19+s0+$0x0] =	vst.idx.add.f32.msk vm5, v9  }
0x433: {  	v9 =	vld [tilespmem:s29+$0xFFFFFFC0]  }
0x434: {  	v6 =	vld [tilespmem:s29+$0xFFFFFFB0];
	v19, _, _ =	vpop (xrf2)  }
0x435: {  	v14 =	vperm.xlane v20, v1;
	v13 =	vld [tilespmem:s29+$0xFFFFFFA0];
	(xrf2) =	vadd.scan.msk.f32 $0xffff, v4  }
0x436: {  	vm1 =	vne.s32 v27, v5;
	v4 =	vld [tilespmem:s29+$0xFFFFFF90]  }
0x437: {  	vm8 =	vmor vm1, vm0;
	v23 =	vld [tilespmem:s26+$0xFFFFFFD0];
	v15, _, _ =	vpop (xrf2)  }
0x438: {  	vm7 =	vne.s32 v26, v11;
	v2 =	vld [tilespmem:s26+$0xFFFFFFA0]  }
0x439: {  	vm2 =	vmor vm7, vm0;
	v8 =	vld [tilespmem:s26+$0xFFFFFFB0]  }
0x43a: {  	v21 =	vadd.s32 $0x1800, v26;
	vm3 =	vne.s32 v20, v14;
	v7 =	vld [tilespmem:s30+$0xFFFFFFB0];
	(xrf2) =	vadd.scan.msk.f32 $0xffff, v18;
	v16, _, _ =	vpop (xrf2)  }
0x43b: {  	v22 =	vadd.s32 $0x1800, v27;
	vm5 =	vmor vm3, vm0;
	v18 =	vld [tilespmem:s30+$0xFFFFFFD0]  }
0x43c: {  	v11 =	vadd.s32 $0x1800, v11;
	v24 =	vld [tilespmem:s26+$0xFFFFFFC0]  }
0x43d: {  	v12 =	vadd.s32 $0x1800, v20;
	v5 =	vadd.s32 $0x1800, v5;
	v17 =	vld [tilespmem:s30+$0xFFFFFFC0]  }
0x43e: {  	v25 =	vld [tilespmem:s30+$0xFFFFFFA0];
	(xrf2) =	vadd.scan.msk.f32 $0xffff, v8  }
0x43f: {  	v14 =	vadd.s32 $0x1800, v14;
	v8 =	vperm.xlane v7, v1;
	[tilespmem:v21+s22+$0x0] =	vst.idx.add.f32.msk vm2, v15;
	v15 =	vsub.f32 $0.0e+00, v15;
	v20, _, _ =	vpop (xrf2)  }
0x440: {  	v26 =	vperm.xlane v18, v1;
	[tilespmem:v22+s22+$0x0] =	vst.idx.add.f32.msk vm8, v20;
	v20 =	vsub.f32 $0.0e+00, v20  }
0x441: {  	[tilespmem:v11+s22+$0x0] =	vst.idx.add.f32.msk vm7, v15;
	(xrf2) =	vadd.scan.msk.f32 $0xffff, v13  }
0x442: {  	v13 =	vsub.f32 $0.0e+00, v16;
	vm4 =	vne.s32 v18, v26;
	[tilespmem:v5+s22+$0x0] =	vst.idx.add.f32.msk vm1, v20  }
0x443: {  	v15 =	vperm.xlane v25, v1;
	vm6 =	vmor vm4, vm0;
	[tilespmem:v22+s0+$0x0] =	vst.idx.add.f32.msk vm8, v16  }
0x444: {  	v16 =	vadd.s32 $0x1800, v18;
	v18 =	vsub.f32 $0.0e+00, v19;
	[tilespmem:v5+s0+$0x0] =	vst.idx.add.f32.msk vm1, v13;
	(xrf2) =	vadd.scan.msk.f32 $0xffff, v24;
	v20, _, _ =	vpop (xrf2)  }
.Ltmp31:
0x445: {  	v13 =	vadd.s32 $0x1800, v26;
	vm1 =	vne.s32 v25, v15;
	[tilespmem:v21+s0+$0x0] =	vst.idx.add.f32.msk vm2, v19;
	(pc) =	sbr.rel @p0 .LBB2_64-.Ltmp31, $4  }
0x446: {  	v21 =	vsub.f32 $0.0e+00, v20;
	vm2 =	vmor vm1, vm0;
	[tilespmem:v11+s0+$0x0] =	vst.idx.add.f32.msk vm7, v18  }
0x447: {  	v22 =	vperm.xlane v17, v1;
	v5 =	vadd.s32 $0x1800, v25;
	v18 =	vld [tilespmem:s26+$0xFFFFFF90];
	(xrf2) =	vadd.scan.msk.f32 $0xffff, v23  }
0x448: {  	[tilespmem:v12+s22+$0x0] =	vst.idx.add.f32.msk vm5, v3;
	v11, _, _ =	vpop (xrf2)  }
0x449: {  	vm7 =	vne.s32 v17, v22;
	s26 =	sadd.s32 $0x400, s26;
	v19 =	vld [tilespmem:s30+$0xFFFFFF90]  }
0x44a: {  	_ = 	snop  }
0x44b: {  	(xrf2) =	vadd.scan.msk.f32 $0xffff, v9  }
0x44c: {  	(xrf2) =	vadd.scan.msk.f32 $0xffff, v6;
	_ =	sdelay $0x1  }
0x44d: {  	v9 =	vsub.f32 $0.0e+00, v10  }
0x44e: {  	[tilespmem:v16+s22+$0x0] =	vst.idx.add.f32.msk vm6, v10;
	v3 =	vsub.f32 $0.0e+00, v3  }
0x44f: {  	vm9 =	vmor vm7, vm0;
	vm8 =	vne.s32 v7, v8;
	[tilespmem:v13+s22+$0x0] =	vst.idx.add.f32.msk vm4, v9  }
0x450: {  	v6 =	vadd.s32 $0x1800, v17;
	v10, _, _ =	vpop (xrf2);
	vm10 =	vmor vm8, vm0;
	[tilespmem:v14+s22+$0x0] =	vst.idx.add.f32.msk vm3, v3  }
0x451: {  	v7 =	vadd.s32 $0x1800, v7;
	(xrf2) =	vadd.scan.msk.f32 $0xffff, v4;
	[tilespmem:v5+s22+$0x0] =	vst.idx.add.f32.msk vm2, v10  }
0x452: {  	v4 =	vadd.s32 $0x1800, v22;
	[tilespmem:v12+s0+$0x0] =	vst.idx.add.f32.msk vm5, v20;
	v9, _, _ =	vpop (xrf2)  }
0x453: {  	[tilespmem:v14+s0+$0x0] =	vst.idx.add.f32.msk vm3, v21;
	v17, _, _ =	vpop (xrf2)  }
0x454: {  	v3 =	vperm.xlane v19, v1;
	[tilespmem:v16+s0+$0x0] =	vst.idx.add.f32.msk vm6, v17;
	v12, _, _ =	vpop (xrf2);
	(xrf2) =	vadd.scan.msk.f32 $0xffff, v18  }
0x455: {  	v14 =	vsub.f32 $0.0e+00, v12;
	[tilespmem:v6+s22+$0x0] =	vst.idx.add.f32.msk vm9, v12;
	(xrf2) =	vadd.scan.msk.f32 $0xffff, v2;
	v2 =	vadd.s32 $0x1800, v8;
	v8, _, _ =	vpop (xrf2)  }
0x456: {  	vm3 =	vne.s32 v19, v3;
	[tilespmem:v7+s22+$0x0] =	vst.idx.add.f32.msk vm10, v8  }
0x457: {  	vm5 =	vmor vm3, vm0;
	[tilespmem:v4+s22+$0x0] =	vst.idx.add.f32.msk vm7, v14;
	v14 =	vsub.f32 $0.0e+00, v17  }
0x458: {  	v12 =	vadd.s32 $0x1800, v19;
	[tilespmem:v6+s0+$0x0] =	vst.idx.add.f32.msk vm9, v9;
	v6 =	vsub.f32 $0.0e+00, v9  }
0x459: {  	v8 =	vsub.f32 $0.0e+00, v8;
	[tilespmem:v13+s0+$0x0] =	vst.idx.add.f32.msk vm4, v14  }
0x45a: {  	v3 =	vadd.s32 $0x1800, v3;
	[tilespmem:v4+s0+$0x0] =	vst.idx.add.f32.msk vm7, v6  }
0x45b: {  	v9, _, _ =	vpop (xrf2);
	v4 =	vadd.s32 $0x1800, v15;
	[tilespmem:v2+s22+$0x0] =	vst.idx.add.f32.msk vm8, v8;
	v6 =	vsub.f32 $0.0e+00, v11  }
0x45c: {  	[tilespmem:v7+s0+$0x0] =	vst.idx.add.f32.msk vm10, v11;
	v7 =	vsub.f32 $0.0e+00, v9  }
0x45d: {  	[tilespmem:v12+s22+$0x0] =	vst.idx.add.f32.msk vm5, v9  }
0x45e: {  	[tilespmem:v2+s0+$0x0] =	vst.idx.add.f32.msk vm8, v6;
	v2 =	vsub.f32 $0.0e+00, v10  }
0x45f: {  	[tilespmem:v3+s22+$0x0] =	vst.idx.add.f32.msk vm3, v7;
	v6, _, _ =	vpop (xrf2)  }
0x460: {  	v7, _, _ =	vpop (xrf2);
	[tilespmem:v4+s22+$0x0] =	vst.idx.add.f32.msk vm1, v2  }
0x461: {  	[tilespmem:v12+s0+$0x0] =	vst.idx.add.f32.msk vm5, v6;
	v2 =	vsub.f32 $0.0e+00, v7  }
0x462: {  	[tilespmem:v5+s0+$0x0] =	vst.idx.add.f32.msk vm2, v7;
	v5 =	vsub.f32 $0.0e+00, v6  }
0x463: {  	[tilespmem:v4+s0+$0x0] =	vst.idx.add.f32.msk vm1, v2  }
0x464: {  	s26 =	simm.s32 $0x1;
	[tilespmem:v3+s0+$0x0] =	vst.idx.add.f32.msk vm3, v5  }
0x465: {  	_ =	swait.ge [sflag:s26], $0x1000  }
0x466: {  	[sflag:s26] =	ssyncset.done $0x0  }
0x467: {  	[sflag:s26] =	ssyncadd.s32 $0xFFFFF000  }
0x468: {  	_ =	swait.ge [sflag:s26], $0x1000  }
0x469: {  	[sflag:s26] =	ssyncset.done $0x0  }
0x46a: {  	[sflag:s26] =	ssyncadd.s32 $0xFFFFF000  }
0x46b: {  	_ =	swait.ge [sflag:s26], $0x1000  }
0x46c: {  	[sflag:s26] =	ssyncset.done $0x0  }
0x46d: {  	[sflag:s26] =	ssyncadd.s32 $0xFFFFF000;
	s26 =	simm.s32 $0x103F0  }
0x46e: {  	s29 =	simm.s32 $0x83F0;
	v2 =	vld [tilespmem:s26+$0xFFFFFFF0]  }
0x46f: {  	v3 =	vld [tilespmem:s29+$0xFFFFFFF0]  }
0x470: {  	v4 =	vld [tilespmem:s29+$0xFFFFFFE0]  }
0x471: {  	v5 =	vld [tilespmem:s29+$0xFFFFFFD0]  }
0x472: {  	s30 =	simm.s32 $0x3F0;
	v6 =	vld [tilespmem:s26+$0x0]  }
0x473: {  	v8 =	vld [tilespmem:s30+$0xFFFFFFF0]  }
0x474: {  	v11 =	vld [tilespmem:s30+$0x0]  }
0x475: {  	v7 =	vld [tilespmem:s29+$0x0];
	(xrf2) =	vadd.scan.msk.f32 $0xffff, v4  }
0x476: {  	v12 =	vld [tilespmem:s26+$0xFFFFFFE0];
	(xrf2) =	vadd.scan.msk.f32 $0xffff, v5  }
0x477: {  	v9 =	vld [tilespmem:s29+$0xFFFFFFC0];
	(xrf2) =	vadd.scan.msk.f32 $0xffff, v2  }
0x478: {  	v13 =	vld [tilespmem:s29+$0xFFFFFFA0];
	(xrf2) =	vadd.scan.msk.f32 $0xffff, v3  }
0x479: {  	v19 =	vld [tilespmem:s26+$0xFFFFFFD0];
	(xrf2) =	vadd.scan.msk.f32 $0xffff, v6  }
0x47a: {  	v16 =	vld [tilespmem:s26+$0xFFFFFFB0];
	(xrf2) =	vadd.scan.msk.f32 $0xffff, v7  }
0x47b: {  	v18 =	vld [tilespmem:s30+$0xFFFFFFD0];
	v14 =	vperm.xlane v8, v1  }
0x47c: {  	v21 =	vld [tilespmem:s26+$0xFFFFFFC0];
	v15 =	vperm.xlane v11, v1  }
0x47d: {  	v17 =	vld [tilespmem:s30+$0xFFFFFFC0];
	vm1 =	vne.s32 v8, v14  }
0x47e: {  	v5 =	vld [tilespmem:s30+$0xFFFFFFE0];
	vm4 =	vne.s32 v11, v15;
	vm2 =	vmor vm1, vm0  }
0x47f: {  	v24 =	vld [tilespmem:s30+$0xFFFFFFA0];
	v8 =	vadd.s32 $0x1C00, v8;
	vm6 =	vmor vm4, vm0;
	v3, _, _ =	vpop (xrf2)  }
0x480: {  	v4 =	vld [tilespmem:s29+$0xFFFFFF90];
	v11 =	vadd.s32 $0x1C00, v11;
	v10, _, _ =	vpop (xrf2)  }
0x481: {  	v2 =	vld [tilespmem:s26+$0xFFFFFFA0];
	v22 =	vadd.s32 $0x1C00, v14;
	v20, _, _ =	vpop (xrf2)  }
0x482: {  	v15 =	vadd.s32 $0x1C00, v15;
	v6 =	vld [tilespmem:s29+$0xFFFFFFB0];
	(xrf2) =	vadd.scan.msk.f32 $0xffff, v12;
	v14, _, _ =	vpop (xrf2)  }
0x483: {  	v7 =	vld [tilespmem:s30+$0xFFFFFFB0];
	v25 =	vperm.xlane v5, v1;
	v23, _, _ =	vpop (xrf2)  }
0x484: {  	(xrf2) =	vadd.scan.msk.f32 $0xffff, v16;
	[tilespmem:v8+s22+$0x0] =	vst.idx.add.f32.msk vm2, v14;
	v12 =	vsub.f32 $0.0e+00, v14;
	v14, _, _ =	vpop (xrf2)  }
0x485: {  	vm3 =	vne.s32 v5, v25;
	[tilespmem:v11+s22+$0x0] =	vst.idx.add.f32.msk vm6, v14;
	v14 =	vsub.f32 $0.0e+00, v14  }
0x486: {  	vm5 =	vmor vm3, vm0;
	(xrf2) =	vadd.scan.msk.f32 $0xffff, v13;
	[tilespmem:v22+s22+$0x0] =	vst.idx.add.f32.msk vm1, v12  }
0x487: {  	v12 =	vadd.s32 $0x1C00, v5;
	v5 =	vperm.xlane v18, v1;
	[tilespmem:v15+s22+$0x0] =	vst.idx.add.f32.msk vm4, v14;
	v14 =	vsub.f32 $0.0e+00, v23  }
0x488: {  	[tilespmem:v11+s0+$0x0] =	vst.idx.add.f32.msk vm6, v23  }
0x489: {  	(xrf2) =	vadd.scan.msk.f32 $0xffff, v21;
	[tilespmem:v15+s0+$0x0] =	vst.idx.add.f32.msk vm4, v14;
	vm4 =	vne.s32 v18, v5  }
0x48a: {  	[tilespmem:v8+s0+$0x0] =	vst.idx.add.f32.msk vm2, v20;
	v11 =	vsub.f32 $0.0e+00, v20;
	vm6 =	vmor vm4, vm0  }
0x48b: {  	v16 =	vadd.s32 $0x1C00, v18;
	v8 =	vperm.xlane v7, v1;
	v15 =	vperm.xlane v24, v1;
	v18 =	vld [tilespmem:s26+$0xFFFFFF90]  }
0x48c: {  	v13 =	vadd.s32 $0x1C00, v5;
	[tilespmem:v22+s0+$0x0] =	vst.idx.add.f32.msk vm1, v11;
	v22 =	vperm.xlane v17, v1;
	v20, _, _ =	vpop (xrf2);
	(xrf2) =	vadd.scan.msk.f32 $0xffff, v19  }
0x48d: {  	v14 =	vadd.s32 $0x1C00, v25;
	v5 =	vadd.s32 $0x1C00, v24;
	[tilespmem:v12+s22+$0x0] =	vst.idx.add.f32.msk vm5, v3;
	vm1 =	vne.s32 v24, v15  }
0x48e: {  	s28 =	simm.s32 $0x0;
	s26 =	simm.s32 $0x107F0;
	v19 =	vld [tilespmem:s30+$0xFFFFFF90];
	vm2 =	vmor vm1, vm0;
	v21 =	vsub.f32 $0.0e+00, v20;
	v11, _, _ =	vpop (xrf2);
	vm7 =	vne.s32 v17, v22  }
.LBB2_66:
0x48f: {  	v23 =	vld [tilespmem:s26+$0xFFFFFFF0];
	s28 =	sadd.s32 $0x8, s28;
	vm9 =	vmor vm7, vm0;
	s29 =	sadd.s32 $0x400, s29;
	s30 =	sadd.s32 $0x400, s30;
	(xrf2) =	vadd.scan.msk.f32 $0xffff, v9  }
0x490: {  	v9 =	vadd.s32 $0x1C00, v17;
	p0 =	slt.u32 s28, $0xF8;
	[tilespmem:v16+s22+$0x0] =	vst.idx.add.f32.msk vm6, v10;
	v10 =	vsub.f32 $0.0e+00, v10;
	v17, _, _ =	vpop (xrf2)  }
0x491: {  	v24 =	vld [tilespmem:s29+$0xFFFFFFF0]  }
0x492: {  	v22 =	vadd.s32 $0x1C00, v22;
	[tilespmem:v13+s22+$0x0] =	vst.idx.add.f32.msk vm4, v10;
	(xrf2) =	vadd.scan.msk.f32 $0xffff, v6  }
0x493: {  	vm8 =	vne.s32 v7, v8;
	v6 =	vld [tilespmem:s26+$0x0];
	v10 =	vperm.xlane v19, v1;
	v25, _, _ =	vpop (xrf2)  }
0x494: {  	vm10 =	vmor vm8, vm0;
	v26 =	vld [tilespmem:s30+$0xFFFFFFF0]  }
0x495: {  	v7 =	vadd.s32 $0x1C00, v7;
	v3 =	vsub.f32 $0.0e+00, v3;
	v27 =	vld [tilespmem:s30+$0x0];
	(xrf2) =	vadd.scan.msk.f32 $0xffff, v4  }
0x496: {  	v4 =	vld [tilespmem:s29+$0x0];
	v28, _, _ =	vpop (xrf2)  }
0x497: {  	v15 =	vadd.s32 $0x1C00, v15;
	v29 =	vsub.f32 $0.0e+00, v25;
	[tilespmem:v14+s22+$0x0] =	vst.idx.add.f32.msk vm3, v3  }
0x498: {  	v3 =	vld [tilespmem:s29+$0xFFFFFFE0]  }
0x499: {  	[tilespmem:v12+s0+$0x0] =	vst.idx.add.f32.msk vm5, v20;
	(xrf2) =	vadd.scan.msk.f32 $0xffff, v18;
	v12, _, _ =	vpop (xrf2)  }
0x49a: {  	v18 =	vld [tilespmem:s26+$0xFFFFFFE0]  }
0x49b: {  	v20 =	vld [tilespmem:s30+$0xFFFFFFE0]  }
0x49c: {  	vm5 =	vne.s32 v19, v10;
	[tilespmem:v14+s0+$0x0] =	vst.idx.add.f32.msk vm3, v21;
	v14, _, _ =	vpop (xrf2)  }
0x49d: {  	vm3 =	vmor vm5, vm0;
	(xrf2) =	vadd.scan.msk.f32 $0xffff, v3;
	[tilespmem:v16+s0+$0x0] =	vst.idx.add.f32.msk vm6, v28  }
0x49e: {  	v16 =	vadd.s32 $0x1C00, v19;
	v3 =	vsub.f32 $0.0e+00, v12;
	[tilespmem:v9+s22+$0x0] =	vst.idx.add.f32.msk vm9, v12  }
0x49f: {  	v19 =	vadd.s32 $0x1C00, v10;
	v12 =	vld [tilespmem:s29+$0xFFFFFFD0];
	v10, _, _ =	vpop (xrf2)  }
0x4a0: {  	[tilespmem:v22+s22+$0x0] =	vst.idx.add.f32.msk vm7, v3;
	v3 =	vsub.f32 $0.0e+00, v28;
	(xrf2) =	vadd.scan.msk.f32 $0xffff, v2  }
0x4a1: {  	v2 =	vadd.s32 $0x1C00, v8;
	[tilespmem:v9+s0+$0x0] =	vst.idx.add.f32.msk vm9, v25  }
0x4a2: {  	[tilespmem:v13+s0+$0x0] =	vst.idx.add.f32.msk vm4, v3  }
0x4a3: {  	[tilespmem:v7+s22+$0x0] =	vst.idx.add.f32.msk vm10, v14;
	v8, _, _ =	vpop (xrf2)  }
0x4a4: {  	(xrf2) =	vadd.scan.msk.f32 $0xffff, v12;
	v12 =	vsub.f32 $0.0e+00, v14;
	[tilespmem:v22+s0+$0x0] =	vst.idx.add.f32.msk vm7, v29  }
0x4a5: {  	[tilespmem:v16+s22+$0x0] =	vst.idx.add.f32.msk vm3, v10  }
0x4a6: {  	v9 =	vsub.f32 $0.0e+00, v11;
	[tilespmem:v2+s22+$0x0] =	vst.idx.add.f32.msk vm8, v12  }
0x4a7: {  	v3, _, _ =	vpop (xrf2);
	(xrf2) =	vadd.scan.msk.f32 $0xffff, v23;
	[tilespmem:v7+s0+$0x0] =	vst.idx.add.f32.msk vm10, v11  }
0x4a8: {  	v10 =	vsub.f32 $0.0e+00, v10;
	[tilespmem:v2+s0+$0x0] =	vst.idx.add.f32.msk vm8, v9  }
0x4a9: {  	v2 =	vsub.f32 $0.0e+00, v17;
	[tilespmem:v5+s22+$0x0] =	vst.idx.add.f32.msk vm2, v17  }
0x4aa: {  	(xrf2) =	vadd.scan.msk.f32 $0xffff, v24;
	[tilespmem:v19+s22+$0x0] =	vst.idx.add.f32.msk vm5, v10;
	v7, _, _ =	vpop (xrf2)  }
0x4ab: {  	[tilespmem:v15+s22+$0x0] =	vst.idx.add.f32.msk vm1, v2;
	v2 =	vsub.f32 $0.0e+00, v7  }
0x4ac: {  	v11 =	vperm.xlane v26, v1;
	v9 =	vsub.f32 $0.0e+00, v8;
	[tilespmem:v5+s0+$0x0] =	vst.idx.add.f32.msk vm2, v7  }
0x4ad: {  	(xrf2) =	vadd.scan.msk.f32 $0xffff, v6;
	[tilespmem:v16+s0+$0x0] =	vst.idx.add.f32.msk vm3, v8  }
0x4ae: {  	v5 =	vperm.xlane v27, v1;
	v10, _, _ =	vpop (xrf2);
	[tilespmem:v15+s0+$0x0] =	vst.idx.add.f32.msk vm1, v2  }
0x4af: {  	[tilespmem:v19+s0+$0x0] =	vst.idx.add.f32.msk vm5, v9  }
0x4b0: {  	v9 =	vld [tilespmem:s29+$0xFFFFFFC0]  }
0x4b1: {  	v6 =	vld [tilespmem:s29+$0xFFFFFFB0];
	v19, _, _ =	vpop (xrf2)  }
0x4b2: {  	v14 =	vperm.xlane v20, v1;
	v13 =	vld [tilespmem:s29+$0xFFFFFFA0];
	(xrf2) =	vadd.scan.msk.f32 $0xffff, v4  }
0x4b3: {  	vm1 =	vne.s32 v27, v5;
	v4 =	vld [tilespmem:s29+$0xFFFFFF90]  }
0x4b4: {  	vm8 =	vmor vm1, vm0;
	v23 =	vld [tilespmem:s26+$0xFFFFFFD0];
	v15, _, _ =	vpop (xrf2)  }
0x4b5: {  	vm7 =	vne.s32 v26, v11;
	v2 =	vld [tilespmem:s26+$0xFFFFFFA0]  }
0x4b6: {  	vm2 =	vmor vm7, vm0;
	v8 =	vld [tilespmem:s26+$0xFFFFFFB0]  }
0x4b7: {  	v21 =	vadd.s32 $0x1C00, v26;
	vm3 =	vne.s32 v20, v14;
	v7 =	vld [tilespmem:s30+$0xFFFFFFB0];
	(xrf2) =	vadd.scan.msk.f32 $0xffff, v18;
	v16, _, _ =	vpop (xrf2)  }
0x4b8: {  	v22 =	vadd.s32 $0x1C00, v27;
	vm5 =	vmor vm3, vm0;
	v18 =	vld [tilespmem:s30+$0xFFFFFFD0]  }
0x4b9: {  	v11 =	vadd.s32 $0x1C00, v11;
	v24 =	vld [tilespmem:s26+$0xFFFFFFC0]  }
0x4ba: {  	v12 =	vadd.s32 $0x1C00, v20;
	v5 =	vadd.s32 $0x1C00, v5;
	v17 =	vld [tilespmem:s30+$0xFFFFFFC0]  }
0x4bb: {  	v25 =	vld [tilespmem:s30+$0xFFFFFFA0];
	(xrf2) =	vadd.scan.msk.f32 $0xffff, v8  }
0x4bc: {  	v14 =	vadd.s32 $0x1C00, v14;
	v8 =	vperm.xlane v7, v1;
	[tilespmem:v21+s22+$0x0] =	vst.idx.add.f32.msk vm2, v15;
	v15 =	vsub.f32 $0.0e+00, v15;
	v20, _, _ =	vpop (xrf2)  }
0x4bd: {  	v26 =	vperm.xlane v18, v1;
	[tilespmem:v22+s22+$0x0] =	vst.idx.add.f32.msk vm8, v20;
	v20 =	vsub.f32 $0.0e+00, v20  }
0x4be: {  	[tilespmem:v11+s22+$0x0] =	vst.idx.add.f32.msk vm7, v15;
	(xrf2) =	vadd.scan.msk.f32 $0xffff, v13  }
0x4bf: {  	v13 =	vsub.f32 $0.0e+00, v16;
	vm4 =	vne.s32 v18, v26;
	[tilespmem:v5+s22+$0x0] =	vst.idx.add.f32.msk vm1, v20  }
0x4c0: {  	v15 =	vperm.xlane v25, v1;
	vm6 =	vmor vm4, vm0;
	[tilespmem:v22+s0+$0x0] =	vst.idx.add.f32.msk vm8, v16  }
0x4c1: {  	v16 =	vadd.s32 $0x1C00, v18;
	v18 =	vsub.f32 $0.0e+00, v19;
	[tilespmem:v5+s0+$0x0] =	vst.idx.add.f32.msk vm1, v13;
	(xrf2) =	vadd.scan.msk.f32 $0xffff, v24;
	v20, _, _ =	vpop (xrf2)  }
.Ltmp32:
0x4c2: {  	v13 =	vadd.s32 $0x1C00, v26;
	vm1 =	vne.s32 v25, v15;
	[tilespmem:v21+s0+$0x0] =	vst.idx.add.f32.msk vm2, v19;
	(pc) =	sbr.rel @p0 .LBB2_66-.Ltmp32, $4  }
0x4c3: {  	v21 =	vsub.f32 $0.0e+00, v20;
	vm2 =	vmor vm1, vm0;
	[tilespmem:v11+s0+$0x0] =	vst.idx.add.f32.msk vm7, v18  }
0x4c4: {  	v22 =	vperm.xlane v17, v1;
	v5 =	vadd.s32 $0x1C00, v25;
	v18 =	vld [tilespmem:s26+$0xFFFFFF90];
	(xrf2) =	vadd.scan.msk.f32 $0xffff, v23  }
0x4c5: {  	[tilespmem:v12+s22+$0x0] =	vst.idx.add.f32.msk vm5, v3;
	v11, _, _ =	vpop (xrf2)  }
0x4c6: {  	vm7 =	vne.s32 v17, v22;
	s26 =	sadd.s32 $0x400, s26;
	v19 =	vld [tilespmem:s30+$0xFFFFFF90]  }
0x4c7: {  	_ =	sdelay $0x1  }
0x4c8: {  	(xrf2) =	vadd.scan.msk.f32 $0xffff, v9  }
0x4c9: {  	(xrf2) =	vadd.scan.msk.f32 $0xffff, v6  }
0x4ca: {  	v45 =	vsub.f32 $0.0e+00, v10  }
0x4cb: {  	[tilespmem:v16+s22+$0x0] =	vst.idx.add.f32.msk vm6, v10;
	v3 =	vsub.f32 $0.0e+00, v3;
	v47, _, _ =	vpop (xrf2);
	(xrf2) =	vadd.scan.msk.f32 $0xffff, v4  }
0x4cc: {  	[tilespmem:v13+s22+$0x0] =	vst.idx.add.f32.msk vm4, v45  }
0x4cd: {  	vm9 =	vmor vm7, vm0;
	vm8 =	vne.s32 v7, v8;
	[tilespmem:v14+s22+$0x0] =	vst.idx.add.f32.msk vm3, v3;
	v3 =	vperm.xlane v19, v1  }
0x4ce: {  	v46 =	vadd.s32 $0x1C00, v17;
	vm10 =	vmor vm8, vm0;
	[tilespmem:v12+s0+$0x0] =	vst.idx.add.f32.msk vm5, v20;
	v48, _, _ =	vpop (xrf2)  }
0x4cf: {  	v52 =	vadd.s32 $0x1C00, v7;
	[tilespmem:v14+s0+$0x0] =	vst.idx.add.f32.msk vm3, v21;
	vm3 =	vne.s32 v19, v3;
	v50, _, _ =	vpop (xrf2)  }
0x4d0: {  	v49 =	vadd.s32 $0x1C00, v22;
	[tilespmem:v5+s22+$0x0] =	vst.idx.add.f32.msk vm2, v47;
	vm15 =	vmor vm3, vm0;
	v55 =	vsub.f32 $0.0e+00, v50  }
0x4d1: {  	(xrf2) =	vadd.scan.msk.f32 $0xffff, v18;
	v54 =	vadd.s32 $0x1C00, v19;
	[tilespmem:v16+s0+$0x0] =	vst.idx.add.f32.msk vm6, v50  }
0x4d2: {  	v51, _, _ =	vpop (xrf2);
	[tilespmem:v13+s0+$0x0] =	vst.idx.add.f32.msk vm4, v55  }
0x4d3: {  	(xrf2) =	vadd.scan.msk.f32 $0xffff, v2;
	v2 =	vadd.s32 $0x1C00, v8;
	v53 =	vsub.f32 $0.0e+00, v51;
	[tilespmem:v46+s22+$0x0] =	vst.idx.add.f32.msk vm9, v51;
	v56, _, _ =	vpop (xrf2)  }
0x4d4: {  	[tilespmem:v52+s22+$0x0] =	vst.idx.add.f32.msk vm10, v56  }
0x4d5: {  	v57, _, _ =	vpop (xrf2);
	[tilespmem:v49+s22+$0x0] =	vst.idx.add.f32.msk vm7, v53  }
0x4d6: {  	v3 =	vadd.s32 $0x1C00, v3;
	v6 =	vsub.f32 $0.0e+00, v56;
	[tilespmem:v54+s22+$0x0] =	vst.idx.add.f32.msk vm15, v57  }
0x4d7: {  	v4 =	vsub.f32 $0.0e+00, v48;
	[tilespmem:v46+s0+$0x0] =	vst.idx.add.f32.msk vm9, v48  }
0x4d8: {  	[tilespmem:v2+s22+$0x0] =	vst.idx.add.f32.msk vm8, v6  }
0x4d9: {  	v60 =	vsub.f32 $0.0e+00, v57;
	[tilespmem:v49+s0+$0x0] =	vst.idx.add.f32.msk vm7, v4  }
0x4da: {  	v58 =	vadd.s32 $0x1C00, v15;
	v59 =	vsub.f32 $0.0e+00, v11;
	[tilespmem:v52+s0+$0x0] =	vst.idx.add.f32.msk vm10, v11  }
0x4db: {  	v61, _, _ =	vpop (xrf2);
	[tilespmem:v3+s22+$0x0] =	vst.idx.add.f32.msk vm3, v60  }
0x4dc: {  	v63 =	vsub.f32 $0.0e+00, v61;
	[tilespmem:v2+s0+$0x0] =	vst.idx.add.f32.msk vm8, v59  }
0x4dd: {  	v2 =	vsub.f32 $0.0e+00, v47;
	[tilespmem:v54+s0+$0x0] =	vst.idx.add.f32.msk vm15, v61  }
0x4de: {  	v62, _, _ =	vpop (xrf2);
	[tilespmem:v3+s0+$0x0] =	vst.idx.add.f32.msk vm3, v63  }
0x4df: {  	[tilespmem:v58+s22+$0x0] =	vst.idx.add.f32.msk vm1, v2;
	v2 =	vsub.f32 $0.0e+00, v62  }
0x4e0: {  	[tilespmem:v5+s0+$0x0] =	vst.idx.add.f32.msk vm2, v62  }
0x4e1: {  	[tilespmem:v58+s0+$0x0] =	vst.idx.add.f32.msk vm1, v2  }
0x4e2: {  	s26 =	rddreg [dreg:$0x6]  }
0x4e3: {  	[hbm4b:s26+s1] =	stream.linear.scatter [tilespmem:s22], [sflag:$0x1], $0x2000, $0x38;
	[tilespmem:$0x1C000] =	vst v63  }
0x4e4: {  	s28 =	rddreg [dreg:$0x7]  }
0x4e5: {  	[hbm4b:s28+s1] =	stream.linear.scatter [tilespmem:s0], [sflag:$0x1], $0x2000, $0x38;
	[tilespmem:$0x1C000] =	vst v63  }
0x4e6: {  	s28 =	simm.s32 $0x1  }
0x4e7: {  	_ =	swait.ge [sflag:s28], $0x2000  }
0x4e8: {  	[sflag:s28] =	ssyncset.done $0x0  }
0x4e9: {  	[sflag:s28] =	ssyncadd.s32 $0xFFFFE000  }
0x4ea: {  	_ =	swait.ge [sflag:s28], $0x2000  }
0x4eb: {  	s29 =	rddreg [dreg:$0x9]  }
0x4ec: {  	s30 =	rddreg [dreg:$0x8];
	s29 =	sadd.s32 $0x1, s29  }
0x4ed: {  	p0 =	sne.s32 s29, s30  }
.Ltmp33:
0x4ee: {  	_ = 	snop;
	(pc) =	sbr.rel @p0 .LBB2_1-.Ltmp33, $3  }
0x4ef: {  	_ =	sdelay $0x1  }
0x4f0: {  	[sflag:s28] =	ssyncset.done $0x0  }
0x4f1: {  	[sflag:s28] =	ssyncadd.s32 $0xFFFFE000  }
0x4f2: {  	_ =	sfence.sel $0x180000  }
0x4f3: {  	[bflag:$0x0] =	sbarrier.arrive $0xFFFF  }
0x4f4: {  	_ =	strace $0x90000047  }
0x4f5: {  	s0 =	stileid.u32;
	[bflag:$0x2] =	sbarrier.arrive $0xFFFF  }
0x4f6: {  	p0 =	sne.s32 s0, $0x0;
	s0 =	rddreg [dreg:$0x4]  }
0x4f7: {  	s0 =	sadd.s32 @!p0 $0x100000, s0  }
0x4f8: {  	[sflag:s0] =	ssyncadd.tile.s32 @!p0 $0x1;
	_ =	shalt  }
.Lfunc_end2:
_tile_overlayer_lowered:
.L_overlay_start_2:
0x4f9: {  	(tag) =	ssettag $0x2  }
0x4fa: {  	s0 =	rddreg [dreg:$0x0];
	s2 =	stileid.u32  }
0x4fb: {  	s1 =	rddreg [dreg:$0x1];
	p0 =	sne.s32 s2, $0x0  }
0x4fc: {  	s3 =	rddreg [dreg:$0x2];
	[bflag:$0x3] =	sbarrier.arrive $0xFFFF;
	s2 =	simm.s32 @!p0 $0x1C02  }
0x4fd: {  	[timem:s3], [sflag:s2] =	dma.local @!p0 [hbm:s0], s1  }
0x4fe: {  	s0 =	simm.s32 @!p0 $0x2  }
0x4ff: {  	_ =	swait.ge @!p0 [sflag:s0], s1  }
0x500: {  	s1 =	ssub.s32 @!p0 $0x0, s1;
	[sflag:s0] =	ssyncset.done @!p0 $0x0  }
0x501: {  	[sflag:s0] =	ssyncadd.s32 @!p0 s1  }
0x502: {  	[bflag:$0x3] =	sbarrier.arrive $0xFFFF  }
0x503: {  	_ =	shalt  }

</sc_bundles>
